<compile_context>
chip_gen: v7x
topology: tpu7x:2x2x1
jax: 0.10.2.dev20260603
libtpu: 0.0.44.dev20260713+nightly
codegen_flags: <defaults>
</compile_context>

<pallas_src>
import functools

import jax
import jax.numpy as jnp
from jax import lax
from jax.experimental import pallas as pl
from jax.experimental.pallas import tpu as pltpu
from jax.experimental.pallas import tpu_sc as plsc

ALPHA = 1.0
EPS = 1e-7
B = 32
N = 8732
C = 21
L = 16
NPAD = 8736
NCHUNK = 6
CH = NPAD // NCHUNK
GC = CH // L
LN2 = 0.6931471805599453


def _softlog(s):
    bits = lax.bitcast_convert_type(s, jnp.int32)
    e = jnp.float32(1.0) * (lax.shift_right_arithmetic(bits, 23) - 127)
    mbits = lax.bitwise_or(lax.bitwise_and(bits, 0x007FFFFF), 0x3F800000)
    m = lax.bitcast_convert_type(mbits, jnp.float32)
    z = (m - 1.0) / (m + 1.0)
    z2 = z * z
    p = z * (2.0 + z2 * (2.0 / 3.0 + z2 * (2.0 / 5.0 + z2 * (2.0 / 7.0 + z2 * (2.0 / 9.0)))))
    return e * LN2 + p


def _f32_key(v):
    b = lax.bitcast_convert_type(v, jnp.uint32)
    neg = lax.shift_right_logical(b, jnp.uint32(31)) > 0
    return jnp.where(neg, ~b, lax.bitwise_xor(b, jnp.uint32(0x80000000)))


def _key_f32(t):
    was_pos = lax.shift_right_logical(t, jnp.uint32(31)) > 0
    b = jnp.where(was_pos, lax.bitwise_xor(t, jnp.uint32(0x80000000)), ~t)
    return lax.bitcast_convert_type(b, jnp.float32)


def _sc_body(conf_hbm, tgt_hbm, loc_hbm, out_hbm,
             conf_v, tgt_v, loc_v, key_v, out_v, sem):
    w = lax.axis_index("s") * 2 + lax.axis_index("c")
    ar = lax.iota(jnp.int32, L)
    zero = jnp.zeros((L,), jnp.float32)

    def make_group(start_row, masked):
        def group_body(g, accs):
            pos_acc, nm_acc, loc_acc = accs
            base = g * L

            xs = [conf_v[pl.ds(c * CH + base, L)] for c in range(C)]
            m = xs[0]
            for c in range(1, C):
                m = jnp.maximum(m, xs[c])
            s = zero
            for c in range(C):
                s = s + jnp.exp(xs[c] - m)
            lse = m + _softlog(s)

            lab_f = tgt_v[pl.ds(4 * CH + base, L)]
            lab = lab_f.astype(jnp.int32)
            pos = lab > 0
            safe_lab = jnp.where(pos, jnp.clip(lab, 0, C - 1), 0)
            x_lab = plsc.load_gather(conf_v, [safe_lab * CH + base + ar])

            if masked:
                valid = (start_row + base + ar) < N
                posv = jnp.logical_and(pos, valid)
                drop = jnp.logical_or(pos, jnp.logical_not(valid))
            else:
                posv = pos
                drop = pos
            pos_acc = pos_acc + jnp.where(posv, lse - x_lab, 0.0)
            nm_acc = nm_acc + jnp.where(posv, 1.0, 0.0)

            ngv = jnp.where(drop, jnp.float32(-1e30), lse - xs[0])
            key_v[pl.ds(start_row + base, L)] = _f32_key(ngv)

            x1 = loc_v[pl.ds(0 * CH + base, L)]
            y1 = loc_v[pl.ds(1 * CH + base, L)]
            x2 = loc_v[pl.ds(2 * CH + base, L)]
            y2 = loc_v[pl.ds(3 * CH + base, L)]
            x1g = tgt_v[pl.ds(0 * CH + base, L)]
            y1g = tgt_v[pl.ds(1 * CH + base, L)]
            x2g = tgt_v[pl.ds(2 * CH + base, L)]
            y2g = tgt_v[pl.ds(3 * CH + base, L)]
            xkis1 = jnp.maximum(x1, x1g)
            ykis1 = jnp.maximum(y1, y1g)
            xkis2 = jnp.minimum(x2, x2g)
            ykis2 = jnp.minimum(y2, y2g)
            imask = jnp.logical_and(ykis2 > ykis1, xkis2 > xkis1)
            intsctk = jnp.where(imask, (xkis2 - xkis1) * (ykis2 - ykis1), 0.0)
            unionk = (x2 - x1) * (y2 - y1) + (x2g - x1g) * (y2g - y1g) - intsctk
            iouk = intsctk / (unionk + EPS)
            area_c = (jnp.maximum(x2, x2g) - jnp.minimum(x1, x1g)) * \
                     (jnp.maximum(y2, y2g) - jnp.minimum(y1, y1g))
            miouk = iouk - (area_c - unionk) / (area_c + EPS)
            loc_acc = loc_acc + jnp.where(posv, 1.0 - miouk, 0.0)
            return pos_acc, nm_acc, loc_acc

        return group_body

    def chunk_accs(ci, accs, masked):
        c1 = pltpu.async_copy(
            conf_hbm.at[pl.ds((w * NCHUNK + ci) * (CH * C), CH * C)], conf_v, sem)
        c2 = pltpu.async_copy(
            tgt_hbm.at[pl.ds((w * NCHUNK + ci) * (CH * 5), CH * 5)], tgt_v, sem)
        c3 = pltpu.async_copy(
            loc_hbm.at[pl.ds((w * NCHUNK + ci) * (CH * 4), CH * 4)], loc_v, sem)
        c1.wait()
        c2.wait()
        c3.wait()
        body = make_group(ci * CH, masked)

        @plsc.parallel_loop(0, GC, unroll=2, carry=accs)
        def chunk_out(g, a):
            return body(g, a)

        return chunk_out

    accs = lax.fori_loop(
        0, NCHUNK - 1,
        lambda ci, a: chunk_accs(ci, a, False),
        (zero, zero, zero))
    pos_acc, nm_acc, loc_acc = chunk_accs(NCHUNK - 1, accs, True)

    pos_loss = jnp.sum(pos_acc, axis=0)
    nm_f = jnp.sum(nm_acc, axis=0)
    loc_loss = jnp.sum(loc_acc, axis=0)
    nm = nm_f.astype(jnp.int32)
    k = jnp.minimum(3 * nm, N - nm)
    k_f = k.astype(jnp.float32)

    NG = NPAD // L
    UNROLL = 6
    NGU = NG // UNROLL

    def search_body(bi, t):
        cand = lax.bitwise_or(t, lax.shift_left(jnp.uint32(1), (31 - bi).astype(jnp.uint32)))
        cvec = jnp.full((L,), cand)

        @plsc.parallel_loop(0, NG, unroll=UNROLL, carry=zero)
        def count_acc(g, acc):
            kv = key_v[pl.ds(g * L, L)]
            return acc + jnp.where(kv >= cvec, 1.0, 0.0)

        cnt = jnp.sum(count_acc, axis=0)
        return jnp.where(cnt >= k_f, cand, t)

    t = lax.fori_loop(1, 32, search_body, jnp.uint32(0x80000000))
    tvec = jnp.full((L,), t)

    @plsc.parallel_loop(0, NG, unroll=UNROLL, carry=(zero, zero))
    def tail_accs(g, accs):
        cnt_acc, sum_acc = accs
        kv = key_v[pl.ds(g * L, L)]
        gt = kv > tvec
        return (cnt_acc + jnp.where(gt, 1.0, 0.0),
                sum_acc + jnp.where(gt, _key_f32(kv), 0.0))

    cnt_gt, sum_gt = tail_accs
    cnt_gt = jnp.sum(cnt_gt, axis=0)
    sum_gt = jnp.sum(sum_gt, axis=0)
    neg_loss = jnp.where(k > 0, sum_gt + (k_f - cnt_gt) * _key_f32(t), 0.0)

    total = pos_loss + neg_loss + ALPHA * loc_loss
    out_v[...] = jnp.where(ar == 0, total, jnp.where(ar == 1, nm_f, 0.0))
    pltpu.sync_copy(out_v, out_hbm.at[pl.ds(w * L, L)])


def _tc_combine_body(part_ref, o_ref):
    total = jnp.sum(part_ref[:, 0:1], keepdims=True)
    nh = jnp.sum(part_ref[:, 1:2], keepdims=True)
    o_ref[...] = jnp.where(nh == 0.0, jnp.float32(0.0),
                           total / jnp.maximum(nh, 1.0))


def kernel(confidences, localizations, targets):
    pad = NPAD - N
    conf_p = jnp.pad(confidences, ((0, 0), (0, pad), (0, 0)))
    tgt_p = jnp.pad(targets, ((0, 0), (0, pad), (0, 0)))
    loc_p = jnp.pad(localizations, ((0, 0), (0, pad), (0, 0)))
    conf_b = conf_p.reshape(B, NCHUNK, CH, C).transpose(0, 1, 3, 2).reshape(-1)
    tgt_b = tgt_p.reshape(B, NCHUNK, CH, 5).transpose(0, 1, 3, 2).reshape(-1)
    loc_b = loc_p.reshape(B, NCHUNK, CH, 4).transpose(0, 1, 3, 2).reshape(-1)

    mesh = plsc.VectorSubcoreMesh(core_axis_name="c", subcore_axis_name="s",
                                  num_cores=2, num_subcores=16)
    parts = pl.kernel(
        _sc_body,
        out_type=jax.ShapeDtypeStruct((B * L,), jnp.float32),
        mesh=mesh,
        compiler_params=pltpu.CompilerParams(needs_layout_passes=False),
        scratch_types=[
            pltpu.VMEM((CH * C,), jnp.float32),
            pltpu.VMEM((CH * 5,), jnp.float32),
            pltpu.VMEM((CH * 4,), jnp.float32),
            pltpu.VMEM((NPAD,), jnp.uint32),
            pltpu.VMEM((L,), jnp.float32),
            pltpu.SemaphoreType.DMA,
        ],
    )(conf_b, tgt_b, loc_b)

    out = pl.pallas_call(
        _tc_combine_body,
        out_shape=jax.ShapeDtypeStruct((1, 1), jnp.float32),
    )(parts.reshape(B, L))
    return out[0, 0]

# --- scband reference (transcript-rebuilt; emitter-appended) ---
"""Pipeline reference for scband-ssdloss-5746666242703 (READ-ONLY COPY).

The authoritative reference and input builder live on the scoring server;
editing this copy changes nothing except your own understanding.
"""

import jax, jax.numpy as jnp
import numpy as np

ALPHA = 1.0
EPS = 1e-7


def _ce(logits, labels):
    logp = jax.nn.log_softmax(logits, axis=-1)
    return -jnp.take_along_axis(logp, labels[:, None], axis=-1)[:, 0]


def _giou_terms(boxes1, boxes2):
    x1, y1, x2, y2 = boxes1[:, 0], boxes1[:, 1], boxes1[:, 2], boxes1[:, 3]
    x1g, y1g, x2g, y2g = boxes2[:, 0], boxes2[:, 1], boxes2[:, 2], boxes2[:, 3]
    xkis1 = jnp.maximum(x1, x1g)
    ykis1 = jnp.maximum(y1, y1g)
    xkis2 = jnp.minimum(x2, x2g)
    ykis2 = jnp.minimum(y2, y2g)
    mask = (ykis2 > ykis1) & (xkis2 > xkis1)
    intsctk = jnp.where(mask, (xkis2 - xkis1) * (ykis2 - ykis1), jnp.float32(0.0))
    unionk = (x2 - x1) * (y2 - y1) + (x2g - x1g) * (y2g - y1g) - intsctk
    iouk = intsctk / (unionk + EPS)
    xc1 = jnp.minimum(x1, x1g)
    yc1 = jnp.minimum(y1, y1g)
    xc2 = jnp.maximum(x2, x2g)
    yc2 = jnp.maximum(y2, y2g)
    area_c = (xc2 - xc1) * (yc2 - yc1)
    miouk = iouk - ((area_c - unionk) / (area_c + EPS))
    return 1.0 - miouk


def setup_inputs(seed: int = 0):
    key = jax.random.key(seed)
    k1, k2, k3 = jax.random.split(key, 3)
    confidences = jax.random.normal(k1, (32, 8732, 21), dtype=jnp.float32)
    localizations = jax.random.uniform(k2, (32, 8732, 4), dtype=jnp.float32)
    targets = jax.random.normal(k3, (32, 8732, 5), dtype=jnp.float32)
    return {"confidences": confidences, "localizations": localizations, "targets": targets}


def reference(confidences, localizations, targets):
    B = confidences.shape[0]
    N = confidences.shape[1]
    ar = jnp.arange(N)
    batch_loss = jnp.float32(0.0)
    num_hits = jnp.int32(0)
    for b in range(B):
        conf = confidences[b]
        loc = localizations[b]
        tgt = targets[b]
        tconf = tgt[:, -1].astype(jnp.int32)
        tloc = tgt[:, 0:4]
        pos = tconf > 0
        nm = jnp.sum(pos).astype(jnp.int32)
        safe_labels = jnp.where(pos, tconf, 0)
        pos_loss = jnp.sum(jnp.where(pos, _ce(conf, safe_labels), jnp.float32(0.0)))
        neg_losses = _ce(conf, jnp.zeros((N,), dtype=jnp.int32))
        neg_losses = jnp.where(pos, -jnp.inf, neg_losses)
        neg_sorted = jnp.sort(neg_losses)[::-1]
        keep = ar < jnp.minimum(3 * nm, N - nm)
        neg_loss = jnp.sum(jnp.where(keep, neg_sorted, jnp.float32(0.0)))
        conf_loss = pos_loss + neg_loss
        loc_loss = jnp.sum(jnp.where(pos, _giou_terms(loc, tloc), jnp.float32(0.0)))
        batch_loss = batch_loss + conf_loss + ALPHA * loc_loss
        num_hits = num_hits + nm
    return jnp.where(
        num_hits == 0,
        jnp.float32(0.0),
        batch_loss / jnp.maximum(num_hits, 1),
    )

if __name__ == "__main__":
    import jax
    _d = setup_inputs()
    print(jax.jit(kernel)(*tuple(_d.values())))

</pallas_src>

<mosaic_0001>
#map = affine_map<(d0, d1) -> (0)>
module attributes {stable_mosaic.version = 14 : i64} {
  func.func @_sc_body(%arg0: i32, %arg1: i32, %arg2: memref<5870592xf32, #tpu.memory_space<hbm>>, %arg3: memref<1397760xf32, #tpu.memory_space<hbm>>, %arg4: memref<1118208xf32, #tpu.memory_space<hbm>>, %arg5: memref<512xf32, #tpu.memory_space<hbm>>, %arg6: memref<30576xf32, #tpu.memory_space<vmem>>, %arg7: memref<7280xf32, #tpu.memory_space<vmem>>, %arg8: memref<5824xf32, #tpu.memory_space<vmem>>, %arg9: memref<8736xi32, #tpu.memory_space<vmem>>, %arg10: memref<16xf32, #tpu.memory_space<vmem>>, %arg11: memref<!tpu.dma_semaphore, #tpu.memory_space<semaphore_mem>>) attributes {dimension_semantics = [#tpu.dimension_semantics<core_parallel>, #tpu.dimension_semantics<subcore_parallel>], iteration_bounds = array<i64: 2, 16>, scalar_prefetch = 0 : i64, scratch_operands = 6 : i64, tpu.core_type = #tpu.core_type<sc_vector_subcore>, window_params = [{transform_indices = #map}, {transform_indices = #map}, {transform_indices = #map}, {transform_indices = #map}]} {
    %mul3A = arith.constant 2 : i32
    %mul3A_0 = arith.muli %arg1, %mul3A : i32
    %add3A = arith.addi %mul3A_0, %arg0 : i32
    %iota3A = tpu.iota {dimensions = array<i32: 0>} : vector<16xi32>
    %broadcast_in_dim3A = arith.constant 0.000000e+00 : f32
    %broadcast_in_dim3A_1 = vector.broadcast %broadcast_in_dim3A : f32 to vector<16xf32>
    %scan3A = arith.constant 0 : i32
    %scan3A_2 = arith.constant 5 : i32
    %scan3A_3 = arith.addi %scan3A, %scan3A_2 : i32
    %scan3A_4 = arith.constant 1 : i32
    %scan3A_5:3 = scf.for %scan3A_101 = %scan3A to %scan3A_3 step %scan3A_4 iter_args(%scan3A_102 = %broadcast_in_dim3A_1, %scan3A_103 = %broadcast_in_dim3A_1, %scan3A_104 = %broadcast_in_dim3A_1) -> (vector<16xf32>, vector<16xf32>, vector<16xf32>)  : i32 {
      %mul3A_105 = arith.constant 6 : i32
      %mul3A_106 = arith.muli %add3A, %mul3A_105 : i32
      %add3A_107 = arith.addi %mul3A_106, %scan3A_101 : i32
      %mul3A_108 = arith.constant 30576 : i32
      %mul3A_109 = arith.muli %add3A_107, %mul3A_108 : i32
      %dma_start3A_110 = tpu.memref_slice %arg2[%mul3A_109] : memref<5870592xf32, #tpu.memory_space<hbm>> -> memref<30576xf32, #tpu.memory_space<hbm>>
      %dma_start3A_111 = tpu.memref_slice %arg2[%mul3A_109] : memref<5870592xf32, #tpu.memory_space<hbm>> -> memref<30576xf32, #tpu.memory_space<hbm>>
      tpu.enqueue_dma source(%dma_start3A_111 : memref<30576xf32, #tpu.memory_space<hbm>>) target(%arg6 : memref<30576xf32, #tpu.memory_space<vmem>>) target_semaphore(%arg11 : memref<!tpu.dma_semaphore, #tpu.memory_space<semaphore_mem>>)
      %mul3A_112 = arith.constant 6 : i32
      %mul3A_113 = arith.muli %add3A, %mul3A_112 : i32
      %add3A_114 = arith.addi %mul3A_113, %scan3A_101 : i32
      %mul3A_115 = arith.constant 7280 : i32
      %mul3A_116 = arith.muli %add3A_114, %mul3A_115 : i32
      %dma_start3A_117 = tpu.memref_slice %arg3[%mul3A_116] : memref<1397760xf32, #tpu.memory_space<hbm>> -> memref<7280xf32, #tpu.memory_space<hbm>>
      %dma_start3A_118 = tpu.memref_slice %arg3[%mul3A_116] : memref<1397760xf32, #tpu.memory_space<hbm>> -> memref<7280xf32, #tpu.memory_space<hbm>>
      tpu.enqueue_dma source(%dma_start3A_118 : memref<7280xf32, #tpu.memory_space<hbm>>) target(%arg7 : memref<7280xf32, #tpu.memory_space<vmem>>) target_semaphore(%arg11 : memref<!tpu.dma_semaphore, #tpu.memory_space<semaphore_mem>>)
      %mul3A_119 = arith.constant 6 : i32
      %mul3A_120 = arith.muli %add3A, %mul3A_119 : i32
      %add3A_121 = arith.addi %mul3A_120, %scan3A_101 : i32
      %mul3A_122 = arith.constant 5824 : i32
      %mul3A_123 = arith.muli %add3A_121, %mul3A_122 : i32
      %dma_start3A_124 = tpu.memref_slice %arg4[%mul3A_123] : memref<1118208xf32, #tpu.memory_space<hbm>> -> memref<5824xf32, #tpu.memory_space<hbm>>
      %dma_start3A_125 = tpu.memref_slice %arg4[%mul3A_123] : memref<1118208xf32, #tpu.memory_space<hbm>> -> memref<5824xf32, #tpu.memory_space<hbm>>
      tpu.enqueue_dma source(%dma_start3A_125 : memref<5824xf32, #tpu.memory_space<hbm>>) target(%arg8 : memref<5824xf32, #tpu.memory_space<vmem>>) target_semaphore(%arg11 : memref<!tpu.dma_semaphore, #tpu.memory_space<semaphore_mem>>)
      %dma_wait3A_126 = tpu.memref_slice %arg2[%mul3A_109] : memref<5870592xf32, #tpu.memory_space<hbm>> -> memref<30576xf32, #tpu.memory_space<hbm>>
      %dma_wait3A_127 = tpu.memref_slice %arg2[%mul3A_109] : memref<5870592xf32, #tpu.memory_space<hbm>> -> memref<30576xf32, #tpu.memory_space<hbm>>
      tpu.wait_dma2 semaphore(%arg11 : memref<!tpu.dma_semaphore, #tpu.memory_space<semaphore_mem>>) src(%dma_wait3A_127 : memref<30576xf32, #tpu.memory_space<hbm>>) dst(%arg6 : memref<30576xf32, #tpu.memory_space<vmem>>)
      %dma_wait3A_128 = tpu.memref_slice %arg3[%mul3A_116] : memref<1397760xf32, #tpu.memory_space<hbm>> -> memref<7280xf32, #tpu.memory_space<hbm>>
      %dma_wait3A_129 = tpu.memref_slice %arg3[%mul3A_116] : memref<1397760xf32, #tpu.memory_space<hbm>> -> memref<7280xf32, #tpu.memory_space<hbm>>
      tpu.wait_dma2 semaphore(%arg11 : memref<!tpu.dma_semaphore, #tpu.memory_space<semaphore_mem>>) src(%dma_wait3A_129 : memref<7280xf32, #tpu.memory_space<hbm>>) dst(%arg7 : memref<7280xf32, #tpu.memory_space<vmem>>)
      %dma_wait3A_130 = tpu.memref_slice %arg4[%mul3A_123] : memref<1118208xf32, #tpu.memory_space<hbm>> -> memref<5824xf32, #tpu.memory_space<hbm>>
      %dma_wait3A_131 = tpu.memref_slice %arg4[%mul3A_123] : memref<1118208xf32, #tpu.memory_space<hbm>> -> memref<5824xf32, #tpu.memory_space<hbm>>
      tpu.wait_dma2 semaphore(%arg11 : memref<!tpu.dma_semaphore, #tpu.memory_space<semaphore_mem>>) src(%dma_wait3A_131 : memref<5824xf32, #tpu.memory_space<hbm>>) dst(%arg8 : memref<5824xf32, #tpu.memory_space<vmem>>)
      %mul3A_132 = arith.constant 1456 : i32
      %mul3A_133 = arith.muli %scan3A_101, %mul3A_132 : i32
      %parallel_loop3A_134 = arith.constant 0 : i32
      %parallel_loop3A_135 = arith.constant 91 : i32
      %parallel_loop3A_136 = arith.constant 1 : i32
      %parallel_loop3A_137:3 = scf.for %parallel_loop3A_138 = %parallel_loop3A_134 to %parallel_loop3A_135 step %parallel_loop3A_136 iter_args(%parallel_loop3A_139 = %scan3A_102, %parallel_loop3A_140 = %scan3A_103, %parallel_loop3A_141 = %scan3A_104) -> (vector<16xf32>, vector<16xf32>, vector<16xf32>)  : i32 {
        %parallel_loop3A_142 = arith.constant 16 : i32
        %parallel_loop3A_143 = arith.muli %parallel_loop3A_138, %parallel_loop3A_142 : i32
        %parallel_loop3A_144 = arith.constant 0 : i32
        %parallel_loop3A_145 = arith.addi %parallel_loop3A_144, %parallel_loop3A_143 : i32
        %parallel_loop3A_146 = arith.index_cast %parallel_loop3A_145 : i32 to index
        %parallel_loop3A_147 = tpu.vector_load %arg6[%parallel_loop3A_146] {strides = array<i32>} : memref<30576xf32, #tpu.memory_space<vmem>>, vector<16xf32>,
        %parallel_loop3A_148 = arith.constant 1456 : i32
        %parallel_loop3A_149 = arith.addi %parallel_loop3A_148, %parallel_loop3A_143 : i32
        %parallel_loop3A_150 = arith.index_cast %parallel_loop3A_149 : i32 to index
        %parallel_loop3A_151 = tpu.vector_load %arg6[%parallel_loop3A_150] {strides = array<i32>} : memref<30576xf32, #tpu.memory_space<vmem>>, vector<16xf32>,
        %parallel_loop3A_152 = arith.constant 2912 : i32
        %parallel_loop3A_153 = arith.addi %parallel_loop3A_152, %parallel_loop3A_143 : i32
        %parallel_loop3A_154 = arith.index_cast %parallel_loop3A_153 : i32 to index
        %parallel_loop3A_155 = tpu.vector_load %arg6[%parallel_loop3A_154] {strides = array<i32>} : memref<30576xf32, #tpu.memory_space<vmem>>, vector<16xf32>,
        %parallel_loop3A_156 = arith.constant 4368 : i32
        %parallel_loop3A_157 = arith.addi %parallel_loop3A_156, %parallel_loop3A_143 : i32
        %parallel_loop3A_158 = arith.index_cast %parallel_loop3A_157 : i32 to index
        %parallel_loop3A_159 = tpu.vector_load %arg6[%parallel_loop3A_158] {strides = array<i32>} : memref<30576xf32, #tpu.memory_space<vmem>>, vector<16xf32>,
        %parallel_loop3A_160 = arith.constant 5824 : i32
        %parallel_loop3A_161 = arith.addi %parallel_loop3A_160, %parallel_loop3A_143 : i32
        %parallel_loop3A_162 = arith.index_cast %parallel_loop3A_161 : i32 to index
        %parallel_loop3A_163 = tpu.vector_load %arg6[%parallel_loop3A_162] {strides = array<i32>} : memref<30576xf32, #tpu.memory_space<vmem>>, vector<16xf32>,
        %parallel_loop3A_164 = arith.constant 7280 : i32
        %parallel_loop3A_165 = arith.addi %parallel_loop3A_164, %parallel_loop3A_143 : i32
        %parallel_loop3A_166 = arith.index_cast %parallel_loop3A_165 : i32 to index
        %parallel_loop3A_167 = tpu.vector_load %arg6[%parallel_loop3A_166] {strides = array<i32>} : memref<30576xf32, #tpu.memory_space<vmem>>, vector<16xf32>,
        %parallel_loop3A_168 = arith.constant 8736 : i32
        %parallel_loop3A_169 = arith.addi %parallel_loop3A_168, %parallel_loop3A_143 : i32
        %parallel_loop3A_170 = arith.index_cast %parallel_loop3A_169 : i32 to index
        %parallel_loop3A_171 = tpu.vector_load %arg6[%parallel_loop3A_170] {strides = array<i32>} : memref<30576xf32, #tpu.memory_space<vmem>>, vector<16xf32>,
        %parallel_loop3A_172 = arith.constant 10192 : i32
        %parallel_loop3A_173 = arith.addi %parallel_loop3A_172, %parallel_loop3A_143 : i32
        %parallel_loop3A_174 = arith.index_cast %parallel_loop3A_173 : i32 to index
        %parallel_loop3A_175 = tpu.vector_load %arg6[%parallel_loop3A_174] {strides = array<i32>} : memref<30576xf32, #tpu.memory_space<vmem>>, vector<16xf32>,
        %parallel_loop3A_176 = arith.constant 11648 : i32
        %parallel_loop3A_177 = arith.addi %parallel_loop3A_176, %parallel_loop3A_143 : i32
        %parallel_loop3A_178 = arith.index_cast %parallel_loop3A_177 : i32 to index
        %parallel_loop3A_179 = tpu.vector_load %arg6[%parallel_loop3A_178] {strides = array<i32>} : memref<30576xf32, #tpu.memory_space<vmem>>, vector<16xf32>,
        %parallel_loop3A_180 = arith.constant 13104 : i32
        %parallel_loop3A_181 = arith.addi %parallel_loop3A_180, %parallel_loop3A_143 : i32
        %parallel_loop3A_182 = arith.index_cast %parallel_loop3A_181 : i32 to index
        %parallel_loop3A_183 = tpu.vector_load %arg6[%parallel_loop3A_182] {strides = array<i32>} : memref<30576xf32, #tpu.memory_space<vmem>>, vector<16xf32>,
        %parallel_loop3A_184 = arith.constant 14560 : i32
        %parallel_loop3A_185 = arith.addi %parallel_loop3A_184, %parallel_loop3A_143 : i32
        %parallel_loop3A_186 = arith.index_cast %parallel_loop3A_185 : i32 to index
        %parallel_loop3A_187 = tpu.vector_load %arg6[%parallel_loop3A_186] {strides = array<i32>} : memref<30576xf32, #tpu.memory_space<vmem>>, vector<16xf32>,
        %parallel_loop3A_188 = arith.constant 16016 : i32
        %parallel_loop3A_189 = arith.addi %parallel_loop3A_188, %parallel_loop3A_143 : i32
        %parallel_loop3A_190 = arith.index_cast %parallel_loop3A_189 : i32 to index
        %parallel_loop3A_191 = tpu.vector_load %arg6[%parallel_loop3A_190] {strides = array<i32>} : memref<30576xf32, #tpu.memory_space<vmem>>, vector<16xf32>,
        %parallel_loop3A_192 = arith.constant 17472 : i32
        %parallel_loop3A_193 = arith.addi %parallel_loop3A_192, %parallel_loop3A_143 : i32
        %parallel_loop3A_194 = arith.index_cast %parallel_loop3A_193 : i32 to index
        %parallel_loop3A_195 = tpu.vector_load %arg6[%parallel_loop3A_194] {strides = array<i32>} : memref<30576xf32, #tpu.memory_space<vmem>>, vector<16xf32>,
        %parallel_loop3A_196 = arith.constant 18928 : i32
        %parallel_loop3A_197 = arith.addi %parallel_loop3A_196, %parallel_loop3A_143 : i32
        %parallel_loop3A_198 = arith.index_cast %parallel_loop3A_197 : i32 to index
        %parallel_loop3A_199 = tpu.vector_load %arg6[%parallel_loop3A_198] {strides = array<i32>} : memref<30576xf32, #tpu.memory_space<vmem>>, vector<16xf32>,
        %parallel_loop3A_200 = arith.constant 20384 : i32
        %parallel_loop3A_201 = arith.addi %parallel_loop3A_200, %parallel_loop3A_143 : i32
        %parallel_loop3A_202 = arith.index_cast %parallel_loop3A_201 : i32 to index
        %parallel_loop3A_203 = tpu.vector_load %arg6[%parallel_loop3A_202] {strides = array<i32>} : memref<30576xf32, #tpu.memory_space<vmem>>, vector<16xf32>,
        %parallel_loop3A_204 = arith.constant 21840 : i32
        %parallel_loop3A_205 = arith.addi %parallel_loop3A_204, %parallel_loop3A_143 : i32
        %parallel_loop3A_206 = arith.index_cast %parallel_loop3A_205 : i32 to index
        %parallel_loop3A_207 = tpu.vector_load %arg6[%parallel_loop3A_206] {strides = array<i32>} : memref<30576xf32, #tpu.memory_space<vmem>>, vector<16xf32>,
        %parallel_loop3A_208 = arith.constant 23296 : i32
        %parallel_loop3A_209 = arith.addi %parallel_loop3A_208, %parallel_loop3A_143 : i32
        %parallel_loop3A_210 = arith.index_cast %parallel_loop3A_209 : i32 to index
        %parallel_loop3A_211 = tpu.vector_load %arg6[%parallel_loop3A_210] {strides = array<i32>} : memref<30576xf32, #tpu.memory_space<vmem>>, vector<16xf32>,
        %parallel_loop3A_212 = arith.constant 24752 : i32
        %parallel_loop3A_213 = arith.addi %parallel_loop3A_212, %parallel_loop3A_143 : i32
        %parallel_loop3A_214 = arith.index_cast %parallel_loop3A_213 : i32 to index
        %parallel_loop3A_215 = tpu.vector_load %arg6[%parallel_loop3A_214] {strides = array<i32>} : memref<30576xf32, #tpu.memory_space<vmem>>, vector<16xf32>,
        %parallel_loop3A_216 = arith.constant 26208 : i32
        %parallel_loop3A_217 = arith.addi %parallel_loop3A_216, %parallel_loop3A_143 : i32
        %parallel_loop3A_218 = arith.index_cast %parallel_loop3A_217 : i32 to index
        %parallel_loop3A_219 = tpu.vector_load %arg6[%parallel_loop3A_218] {strides = array<i32>} : memref<30576xf32, #tpu.memory_space<vmem>>, vector<16xf32>,
        %parallel_loop3A_220 = arith.constant 27664 : i32
        %parallel_loop3A_221 = arith.addi %parallel_loop3A_220, %parallel_loop3A_143 : i32
        %parallel_loop3A_222 = arith.index_cast %parallel_loop3A_221 : i32 to index
        %parallel_loop3A_223 = tpu.vector_load %arg6[%parallel_loop3A_222] {strides = array<i32>} : memref<30576xf32, #tpu.memory_space<vmem>>, vector<16xf32>,
        %parallel_loop3A_224 = arith.constant 29120 : i32
        %parallel_loop3A_225 = arith.addi %parallel_loop3A_224, %parallel_loop3A_143 : i32
        %parallel_loop3A_226 = arith.index_cast %parallel_loop3A_225 : i32 to index
        %parallel_loop3A_227 = tpu.vector_load %arg6[%parallel_loop3A_226] {strides = array<i32>} : memref<30576xf32, #tpu.memory_space<vmem>>, vector<16xf32>,
        %parallel_loop3A_228 = arith.maximumf %parallel_loop3A_147, %parallel_loop3A_151 : vector<16xf32>
        %parallel_loop3A_229 = arith.maximumf %parallel_loop3A_228, %parallel_loop3A_155 : vector<16xf32>
        %parallel_loop3A_230 = arith.maximumf %parallel_loop3A_229, %parallel_loop3A_159 : vector<16xf32>
        %parallel_loop3A_231 = arith.maximumf %parallel_loop3A_230, %parallel_loop3A_163 : vector<16xf32>
        %parallel_loop3A_232 = arith.maximumf %parallel_loop3A_231, %parallel_loop3A_167 : vector<16xf32>
        %parallel_loop3A_233 = arith.maximumf %parallel_loop3A_232, %parallel_loop3A_171 : vector<16xf32>
        %parallel_loop3A_234 = arith.maximumf %parallel_loop3A_233, %parallel_loop3A_175 : vector<16xf32>
        %parallel_loop3A_235 = arith.maximumf %parallel_loop3A_234, %parallel_loop3A_179 : vector<16xf32>
        %parallel_loop3A_236 = arith.maximumf %parallel_loop3A_235, %parallel_loop3A_183 : vector<16xf32>
        %parallel_loop3A_237 = arith.maximumf %parallel_loop3A_236, %parallel_loop3A_187 : vector<16xf32>
        %parallel_loop3A_238 = arith.maximumf %parallel_loop3A_237, %parallel_loop3A_191 : vector<16xf32>
        %parallel_loop3A_239 = arith.maximumf %parallel_loop3A_238, %parallel_loop3A_195 : vector<16xf32>
        %parallel_loop3A_240 = arith.maximumf %parallel_loop3A_239, %parallel_loop3A_199 : vector<16xf32>
        %parallel_loop3A_241 = arith.maximumf %parallel_loop3A_240, %parallel_loop3A_203 : vector<16xf32>
        %parallel_loop3A_242 = arith.maximumf %parallel_loop3A_241, %parallel_loop3A_207 : vector<16xf32>
        %parallel_loop3A_243 = arith.maximumf %parallel_loop3A_242, %parallel_loop3A_211 : vector<16xf32>
        %parallel_loop3A_244 = arith.maximumf %parallel_loop3A_243, %parallel_loop3A_215 : vector<16xf32>
        %parallel_loop3A_245 = arith.maximumf %parallel_loop3A_244, %parallel_loop3A_219 : vector<16xf32>
        %parallel_loop3A_246 = arith.maximumf %parallel_loop3A_245, %parallel_loop3A_223 : vector<16xf32>
        %parallel_loop3A_247 = arith.maximumf %parallel_loop3A_246, %parallel_loop3A_227 : vector<16xf32>
        %parallel_loop3A_248 = arith.subf %parallel_loop3A_147, %parallel_loop3A_247 : vector<16xf32>
        %parallel_loop3A_249 = math.exp %parallel_loop3A_248 : vector<16xf32>
        %parallel_loop3A_250 = arith.addf %broadcast_in_dim3A_1, %parallel_loop3A_249 : vector<16xf32>
        %parallel_loop3A_251 = arith.subf %parallel_loop3A_151, %parallel_loop3A_247 : vector<16xf32>
        %parallel_loop3A_252 = math.exp %parallel_loop3A_251 : vector<16xf32>
        %parallel_loop3A_253 = arith.addf %parallel_loop3A_250, %parallel_loop3A_252 : vector<16xf32>
        %parallel_loop3A_254 = arith.subf %parallel_loop3A_155, %parallel_loop3A_247 : vector<16xf32>
        %parallel_loop3A_255 = math.exp %parallel_loop3A_254 : vector<16xf32>
        %parallel_loop3A_256 = arith.addf %parallel_loop3A_253, %parallel_loop3A_255 : vector<16xf32>
        %parallel_loop3A_257 = arith.subf %parallel_loop3A_159, %parallel_loop3A_247 : vector<16xf32>
        %parallel_loop3A_258 = math.exp %parallel_loop3A_257 : vector<16xf32>
        %parallel_loop3A_259 = arith.addf %parallel_loop3A_256, %parallel_loop3A_258 : vector<16xf32>
        %parallel_loop3A_260 = arith.subf %parallel_loop3A_163, %parallel_loop3A_247 : vector<16xf32>
        %parallel_loop3A_261 = math.exp %parallel_loop3A_260 : vector<16xf32>
        %parallel_loop3A_262 = arith.addf %parallel_loop3A_259, %parallel_loop3A_261 : vector<16xf32>
        %parallel_loop3A_263 = arith.subf %parallel_loop3A_167, %parallel_loop3A_247 : vector<16xf32>
        %parallel_loop3A_264 = math.exp %parallel_loop3A_263 : vector<16xf32>
        %parallel_loop3A_265 = arith.addf %parallel_loop3A_262, %parallel_loop3A_264 : vector<16xf32>
        %parallel_loop3A_266 = arith.subf %parallel_loop3A_171, %parallel_loop3A_247 : vector<16xf32>
        %parallel_loop3A_267 = math.exp %parallel_loop3A_266 : vector<16xf32>
        %parallel_loop3A_268 = arith.addf %parallel_loop3A_265, %parallel_loop3A_267 : vector<16xf32>
        %parallel_loop3A_269 = arith.subf %parallel_loop3A_175, %parallel_loop3A_247 : vector<16xf32>
        %parallel_loop3A_270 = math.exp %parallel_loop3A_269 : vector<16xf32>
        %parallel_loop3A_271 = arith.addf %parallel_loop3A_268, %parallel_loop3A_270 : vector<16xf32>
        %parallel_loop3A_272 = arith.subf %parallel_loop3A_179, %parallel_loop3A_247 : vector<16xf32>
        %parallel_loop3A_273 = math.exp %parallel_loop3A_272 : vector<16xf32>
        %parallel_loop3A_274 = arith.addf %parallel_loop3A_271, %parallel_loop3A_273 : vector<16xf32>
        %parallel_loop3A_275 = arith.subf %parallel_loop3A_183, %parallel_loop3A_247 : vector<16xf32>
        %parallel_loop3A_276 = math.exp %parallel_loop3A_275 : vector<16xf32>
        %parallel_loop3A_277 = arith.addf %parallel_loop3A_274, %parallel_loop3A_276 : vector<16xf32>
        %parallel_loop3A_278 = arith.subf %parallel_loop3A_187, %parallel_loop3A_247 : vector<16xf32>
        %parallel_loop3A_279 = math.exp %parallel_loop3A_278 : vector<16xf32>
        %parallel_loop3A_280 = arith.addf %parallel_loop3A_277, %parallel_loop3A_279 : vector<16xf32>
        %parallel_loop3A_281 = arith.subf %parallel_loop3A_191, %parallel_loop3A_247 : vector<16xf32>
        %parallel_loop3A_282 = math.exp %parallel_loop3A_281 : vector<16xf32>
        %parallel_loop3A_283 = arith.addf %parallel_loop3A_280, %parallel_loop3A_282 : vector<16xf32>
        %parallel_loop3A_284 = arith.subf %parallel_loop3A_195, %parallel_loop3A_247 : vector<16xf32>
        %parallel_loop3A_285 = math.exp %parallel_loop3A_284 : vector<16xf32>
        %parallel_loop3A_286 = arith.addf %parallel_loop3A_283, %parallel_loop3A_285 : vector<16xf32>
        %parallel_loop3A_287 = arith.subf %parallel_loop3A_199, %parallel_loop3A_247 : vector<16xf32>
        %parallel_loop3A_288 = math.exp %parallel_loop3A_287 : vector<16xf32>
        %parallel_loop3A_289 = arith.addf %parallel_loop3A_286, %parallel_loop3A_288 : vector<16xf32>
        %parallel_loop3A_290 = arith.subf %parallel_loop3A_203, %parallel_loop3A_247 : vector<16xf32>
        %parallel_loop3A_291 = math.exp %parallel_loop3A_290 : vector<16xf32>
        %parallel_loop3A_292 = arith.addf %parallel_loop3A_289, %parallel_loop3A_291 : vector<16xf32>
        %parallel_loop3A_293 = arith.subf %parallel_loop3A_207, %parallel_loop3A_247 : vector<16xf32>
        %parallel_loop3A_294 = math.exp %parallel_loop3A_293 : vector<16xf32>
        %parallel_loop3A_295 = arith.addf %parallel_loop3A_292, %parallel_loop3A_294 : vector<16xf32>
        %parallel_loop3A_296 = arith.subf %parallel_loop3A_211, %parallel_loop3A_247 : vector<16xf32>
        %parallel_loop3A_297 = math.exp %parallel_loop3A_296 : vector<16xf32>
        %parallel_loop3A_298 = arith.addf %parallel_loop3A_295, %parallel_loop3A_297 : vector<16xf32>
        %parallel_loop3A_299 = arith.subf %parallel_loop3A_215, %parallel_loop3A_247 : vector<16xf32>
        %parallel_loop3A_300 = math.exp %parallel_loop3A_299 : vector<16xf32>
        %parallel_loop3A_301 = arith.addf %parallel_loop3A_298, %parallel_loop3A_300 : vector<16xf32>
        %parallel_loop3A_302 = arith.subf %parallel_loop3A_219, %parallel_loop3A_247 : vector<16xf32>
        %parallel_loop3A_303 = math.exp %parallel_loop3A_302 : vector<16xf32>
        %parallel_loop3A_304 = arith.addf %parallel_loop3A_301, %parallel_loop3A_303 : vector<16xf32>
        %parallel_loop3A_305 = arith.subf %parallel_loop3A_223, %parallel_loop3A_247 : vector<16xf32>
        %parallel_loop3A_306 = math.exp %parallel_loop3A_305 : vector<16xf32>
        %parallel_loop3A_307 = arith.addf %parallel_loop3A_304, %parallel_loop3A_306 : vector<16xf32>
        %parallel_loop3A_308 = arith.subf %parallel_loop3A_227, %parallel_loop3A_247 : vector<16xf32>
        %parallel_loop3A_309 = math.exp %parallel_loop3A_308 : vector<16xf32>
        %parallel_loop3A_310 = arith.addf %parallel_loop3A_307, %parallel_loop3A_309 : vector<16xf32>
        %parallel_loop3A_311 = tpu.bitcast %parallel_loop3A_310 : vector<16xf32> -> vector<16xi32>
        %parallel_loop3A_312 = arith.constant 23 : i32
        %parallel_loop3A_313 = vector.broadcast %parallel_loop3A_312 : i32 to vector<16xi32>
        %parallel_loop3A_314 = arith.shrsi %parallel_loop3A_311, %parallel_loop3A_313 : vector<16xi32>
        %parallel_loop3A_315 = arith.constant 127 : i32
        %parallel_loop3A_316 = vector.broadcast %parallel_loop3A_315 : i32 to vector<16xi32>
        %parallel_loop3A_317 = arith.subi %parallel_loop3A_314, %parallel_loop3A_316 : vector<16xi32>
        %parallel_loop3A_318 = arith.sitofp %parallel_loop3A_317 : vector<16xi32> to vector<16xf32>
        %parallel_loop3A_319 = arith.constant 1.000000e+00 : f32
        %parallel_loop3A_320 = vector.broadcast %parallel_loop3A_319 : f32 to vector<16xf32>
        %parallel_loop3A_321 = arith.mulf %parallel_loop3A_320, %parallel_loop3A_318 : vector<16xf32>
        %parallel_loop3A_322 = arith.constant 8388607 : i32
        %parallel_loop3A_323 = vector.broadcast %parallel_loop3A_322 : i32 to vector<16xi32>
        %parallel_loop3A_324 = arith.andi %parallel_loop3A_311, %parallel_loop3A_323 : vector<16xi32>
        %parallel_loop3A_325 = arith.constant 1065353216 : i32
        %parallel_loop3A_326 = vector.broadcast %parallel_loop3A_325 : i32 to vector<16xi32>
        %parallel_loop3A_327 = arith.ori %parallel_loop3A_324, %parallel_loop3A_326 : vector<16xi32>
        %parallel_loop3A_328 = tpu.bitcast %parallel_loop3A_327 : vector<16xi32> -> vector<16xf32>
        %parallel_loop3A_329 = arith.constant 1.000000e+00 : f32
        %parallel_loop3A_330 = vector.broadcast %parallel_loop3A_329 : f32 to vector<16xf32>
        %parallel_loop3A_331 = arith.subf %parallel_loop3A_328, %parallel_loop3A_330 : vector<16xf32>
        %parallel_loop3A_332 = arith.constant 1.000000e+00 : f32
        %parallel_loop3A_333 = vector.broadcast %parallel_loop3A_332 : f32 to vector<16xf32>
        %parallel_loop3A_334 = arith.addf %parallel_loop3A_328, %parallel_loop3A_333 : vector<16xf32>
        %parallel_loop3A_335 = arith.divf %parallel_loop3A_331, %parallel_loop3A_334 : vector<16xf32>
        %parallel_loop3A_336 = arith.mulf %parallel_loop3A_335, %parallel_loop3A_335 : vector<16xf32>
        %parallel_loop3A_337 = arith.constant 0.222222224 : f32
        %parallel_loop3A_338 = vector.broadcast %parallel_loop3A_337 : f32 to vector<16xf32>
        %parallel_loop3A_339 = arith.mulf %parallel_loop3A_336, %parallel_loop3A_338 : vector<16xf32>
        %parallel_loop3A_340 = arith.constant 0.285714298 : f32
        %parallel_loop3A_341 = vector.broadcast %parallel_loop3A_340 : f32 to vector<16xf32>
        %parallel_loop3A_342 = arith.addf %parallel_loop3A_341, %parallel_loop3A_339 : vector<16xf32>
        %parallel_loop3A_343 = arith.mulf %parallel_loop3A_336, %parallel_loop3A_342 : vector<16xf32>
        %parallel_loop3A_344 = arith.constant 4.000000e-01 : f32
        %parallel_loop3A_345 = vector.broadcast %parallel_loop3A_344 : f32 to vector<16xf32>
        %parallel_loop3A_346 = arith.addf %parallel_loop3A_345, %parallel_loop3A_343 : vector<16xf32>
        %parallel_loop3A_347 = arith.mulf %parallel_loop3A_336, %parallel_loop3A_346 : vector<16xf32>
        %parallel_loop3A_348 = arith.constant 0.666666686 : f32
        %parallel_loop3A_349 = vector.broadcast %parallel_loop3A_348 : f32 to vector<16xf32>
        %parallel_loop3A_350 = arith.addf %parallel_loop3A_349, %parallel_loop3A_347 : vector<16xf32>
        %parallel_loop3A_351 = arith.mulf %parallel_loop3A_336, %parallel_loop3A_350 : vector<16xf32>
        %parallel_loop3A_352 = arith.constant 2.000000e+00 : f32
        %parallel_loop3A_353 = vector.broadcast %parallel_loop3A_352 : f32 to vector<16xf32>
        %parallel_loop3A_354 = arith.addf %parallel_loop3A_353, %parallel_loop3A_351 : vector<16xf32>
        %parallel_loop3A_355 = arith.mulf %parallel_loop3A_335, %parallel_loop3A_354 : vector<16xf32>
        %parallel_loop3A_356 = arith.constant 0.693147182 : f32
        %parallel_loop3A_357 = vector.broadcast %parallel_loop3A_356 : f32 to vector<16xf32>
        %parallel_loop3A_358 = arith.mulf %parallel_loop3A_321, %parallel_loop3A_357 : vector<16xf32>
        %parallel_loop3A_359 = arith.addf %parallel_loop3A_358, %parallel_loop3A_355 : vector<16xf32>
        %parallel_loop3A_360 = arith.addf %parallel_loop3A_247, %parallel_loop3A_359 : vector<16xf32>
        %parallel_loop3A_361 = arith.constant 5824 : i32
        %parallel_loop3A_362 = arith.addi %parallel_loop3A_361, %parallel_loop3A_143 : i32
        %parallel_loop3A_363 = arith.index_cast %parallel_loop3A_362 : i32 to index
        %parallel_loop3A_364 = tpu.vector_load %arg7[%parallel_loop3A_363] {strides = array<i32>} : memref<7280xf32, #tpu.memory_space<vmem>>, vector<16xf32>,
        %parallel_loop3A_365 = arith.fptosi %parallel_loop3A_364 : vector<16xf32> to vector<16xi32>
        %parallel_loop3A_366 = arith.constant 0 : i32
        %parallel_loop3A_367 = vector.broadcast %parallel_loop3A_366 : i32 to vector<16xi32>
        %parallel_loop3A_368 = arith.cmpi sgt, %parallel_loop3A_365, %parallel_loop3A_367 : vector<16xi32>
        %parallel_loop3A_369 = arith.constant 0 : i32
        %parallel_loop3A_370 = arith.constant 20 : i32
        %parallel_loop3A_371 = vector.broadcast %parallel_loop3A_369 : i32 to vector<16xi32>
        %parallel_loop3A_372 = arith.maxsi %parallel_loop3A_371, %parallel_loop3A_365 : vector<16xi32>
        %parallel_loop3A_373 = vector.broadcast %parallel_loop3A_370 : i32 to vector<16xi32>
        %parallel_loop3A_374 = arith.minsi %parallel_loop3A_373, %parallel_loop3A_372 : vector<16xi32>
        %parallel_loop3A_375 = arith.constant 0 : i32
        %parallel_loop3A_376 = vector.broadcast %parallel_loop3A_375 : i32 to vector<16xi32>
        %parallel_loop3A_377 = arith.select %parallel_loop3A_368, %parallel_loop3A_374, %parallel_loop3A_376 : vector<16xi1>, vector<16xi32>
        %parallel_loop3A_378 = arith.constant 1456 : i32
        %parallel_loop3A_379 = vector.broadcast %parallel_loop3A_378 : i32 to vector<16xi32>
        %parallel_loop3A_380 = arith.muli %parallel_loop3A_377, %parallel_loop3A_379 : vector<16xi32>
        %parallel_loop3A_381 = vector.broadcast %parallel_loop3A_143 : i32 to vector<16xi32>
        %parallel_loop3A_382 = arith.addi %parallel_loop3A_380, %parallel_loop3A_381 : vector<16xi32>
        %parallel_loop3A_383 = arith.addi %parallel_loop3A_382, %iota3A : vector<16xi32>
        %parallel_loop3A_384 = tpu.vector_load_idx %arg6[%parallel_loop3A_383] : memref<30576xf32, #tpu.memory_space<vmem>>[vector<16xi32>], vector<16xf32>,
        %parallel_loop3A_385 = arith.subf %parallel_loop3A_360, %parallel_loop3A_384 : vector<16xf32>
        %parallel_loop3A_386 = arith.constant 0.000000e+00 : f32
        %parallel_loop3A_387 = vector.broadcast %parallel_loop3A_386 : f32 to vector<16xf32>
        %parallel_loop3A_388 = arith.select %parallel_loop3A_368, %parallel_loop3A_385, %parallel_loop3A_387 : vector<16xi1>, vector<16xf32>
        %parallel_loop3A_389 = arith.addf %parallel_loop3A_139, %parallel_loop3A_388 : vector<16xf32>
        %parallel_loop3A_390 = arith.constant 1.000000e+00 : f32
        %parallel_loop3A_391 = arith.constant 0.000000e+00 : f32
        %parallel_loop3A_392 = vector.broadcast %parallel_loop3A_390 : f32 to vector<16xf32>
        %parallel_loop3A_393 = vector.broadcast %parallel_loop3A_391 : f32 to vector<16xf32>
        %parallel_loop3A_394 = arith.select %parallel_loop3A_368, %parallel_loop3A_392, %parallel_loop3A_393 : vector<16xi1>, vector<16xf32>
        %parallel_loop3A_395 = arith.addf %parallel_loop3A_140, %parallel_loop3A_394 : vector<16xf32>
        %parallel_loop3A_396 = arith.subf %parallel_loop3A_360, %parallel_loop3A_147 : vector<16xf32>
        %parallel_loop3A_397 = arith.constant -1.000000e+30 : f32
        %parallel_loop3A_398 = vector.broadcast %parallel_loop3A_397 : f32 to vector<16xf32>
        %parallel_loop3A_399 = arith.select %parallel_loop3A_368, %parallel_loop3A_398, %parallel_loop3A_396 : vector<16xi1>, vector<16xf32>
        %parallel_loop3A_400 = tpu.bitcast %parallel_loop3A_399 : vector<16xf32> -> vector<16xi32>
        %parallel_loop3A_401 = arith.constant 31 : i32
        %parallel_loop3A_402 = vector.broadcast %parallel_loop3A_401 : i32 to vector<16xi32>
        %parallel_loop3A_403 = arith.shrui %parallel_loop3A_400, %parallel_loop3A_402 : vector<16xi32>
        %parallel_loop3A_404 = arith.constant 0 : i32
        %parallel_loop3A_405 = vector.broadcast %parallel_loop3A_404 : i32 to vector<16xi32>
        %parallel_loop3A_406 = arith.cmpi ugt, %parallel_loop3A_403, %parallel_loop3A_405 : vector<16xi32>
        %parallel_loop3A_407 = arith.constant dense<-1> : vector<16xi32>
        %parallel_loop3A_408 = arith.xori %parallel_loop3A_400, %parallel_loop3A_407 : vector<16xi32>
        %parallel_loop3A_409 = arith.constant -2147483648 : i32
        %parallel_loop3A_410 = vector.broadcast %parallel_loop3A_409 : i32 to vector<16xi32>
        %parallel_loop3A_411 = arith.xori %parallel_loop3A_400, %parallel_loop3A_410 : vector<16xi32>
        %parallel_loop3A_412 = arith.select %parallel_loop3A_406, %parallel_loop3A_408, %parallel_loop3A_411 : vector<16xi1>, vector<16xi32>
        %parallel_loop3A_413 = arith.addi %mul3A_133, %parallel_loop3A_143 : i32
        %parallel_loop3A_414 = arith.index_cast %parallel_loop3A_413 : i32 to index
        %parallel_loop3A_415 = tpu.vector_load %arg9[%parallel_loop3A_414] {strides = array<i32>} : memref<8736xi32, #tpu.memory_space<vmem>>, vector<16xi32>,
        tpu.vector_store %arg9[%parallel_loop3A_414], %parallel_loop3A_412 {strides = array<i32>} : memref<8736xi32, #tpu.memory_space<vmem>>, vector<16xi32>,
        %parallel_loop3A_416 = arith.constant 0 : i32
        %parallel_loop3A_417 = arith.addi %parallel_loop3A_416, %parallel_loop3A_143 : i32
        %parallel_loop3A_418 = arith.index_cast %parallel_loop3A_417 : i32 to index
        %parallel_loop3A_419 = tpu.vector_load %arg8[%parallel_loop3A_418] {strides = array<i32>} : memref<5824xf32, #tpu.memory_space<vmem>>, vector<16xf32>,
        %parallel_loop3A_420 = arith.constant 1456 : i32
        %parallel_loop3A_421 = arith.addi %parallel_loop3A_420, %parallel_loop3A_143 : i32
        %parallel_loop3A_422 = arith.index_cast %parallel_loop3A_421 : i32 to index
        %parallel_loop3A_423 = tpu.vector_load %arg8[%parallel_loop3A_422] {strides = array<i32>} : memref<5824xf32, #tpu.memory_space<vmem>>, vector<16xf32>,
        %parallel_loop3A_424 = arith.constant 2912 : i32
        %parallel_loop3A_425 = arith.addi %parallel_loop3A_424, %parallel_loop3A_143 : i32
        %parallel_loop3A_426 = arith.index_cast %parallel_loop3A_425 : i32 to index
        %parallel_loop3A_427 = tpu.vector_load %arg8[%parallel_loop3A_426] {strides = array<i32>} : memref<5824xf32, #tpu.memory_space<vmem>>, vector<16xf32>,
        %parallel_loop3A_428 = arith.constant 4368 : i32
        %parallel_loop3A_429 = arith.addi %parallel_loop3A_428, %parallel_loop3A_143 : i32
        %parallel_loop3A_430 = arith.index_cast %parallel_loop3A_429 : i32 to index
        %parallel_loop3A_431 = tpu.vector_load %arg8[%parallel_loop3A_430] {strides = array<i32>} : memref<5824xf32, #tpu.memory_space<vmem>>, vector<16xf32>,
        %parallel_loop3A_432 = arith.constant 0 : i32
        %parallel_loop3A_433 = arith.addi %parallel_loop3A_432, %parallel_loop3A_143 : i32
        %parallel_loop3A_434 = arith.index_cast %parallel_loop3A_433 : i32 to index
        %parallel_loop3A_435 = tpu.vector_load %arg7[%parallel_loop3A_434] {strides = array<i32>} : memref<7280xf32, #tpu.memory_space<vmem>>, vector<16xf32>,
        %parallel_loop3A_436 = arith.constant 1456 : i32
        %parallel_loop3A_437 = arith.addi %parallel_loop3A_436, %parallel_loop3A_143 : i32
        %parallel_loop3A_438 = arith.index_cast %parallel_loop3A_437 : i32 to index
        %parallel_loop3A_439 = tpu.vector_load %arg7[%parallel_loop3A_438] {strides = array<i32>} : memref<7280xf32, #tpu.memory_space<vmem>>, vector<16xf32>,
        %parallel_loop3A_440 = arith.constant 2912 : i32
        %parallel_loop3A_441 = arith.addi %parallel_loop3A_440, %parallel_loop3A_143 : i32
        %parallel_loop3A_442 = arith.index_cast %parallel_loop3A_441 : i32 to index
        %parallel_loop3A_443 = tpu.vector_load %arg7[%parallel_loop3A_442] {strides = array<i32>} : memref<7280xf32, #tpu.memory_space<vmem>>, vector<16xf32>,
        %parallel_loop3A_444 = arith.constant 4368 : i32
        %parallel_loop3A_445 = arith.addi %parallel_loop3A_444, %parallel_loop3A_143 : i32
        %parallel_loop3A_446 = arith.index_cast %parallel_loop3A_445 : i32 to index
        %parallel_loop3A_447 = tpu.vector_load %arg7[%parallel_loop3A_446] {strides = array<i32>} : memref<7280xf32, #tpu.memory_space<vmem>>, vector<16xf32>,
        %parallel_loop3A_448 = arith.maximumf %parallel_loop3A_419, %parallel_loop3A_435 : vector<16xf32>
        %parallel_loop3A_449 = arith.maximumf %parallel_loop3A_423, %parallel_loop3A_439 : vector<16xf32>
        %parallel_loop3A_450 = arith.minimumf %parallel_loop3A_427, %parallel_loop3A_443 : vector<16xf32>
        %parallel_loop3A_451 = arith.minimumf %parallel_loop3A_431, %parallel_loop3A_447 : vector<16xf32>
        %parallel_loop3A_452 = arith.cmpf ogt, %parallel_loop3A_451, %parallel_loop3A_449 : vector<16xf32>
        %parallel_loop3A_453 = arith.cmpf ogt, %parallel_loop3A_450, %parallel_loop3A_448 : vector<16xf32>
        %parallel_loop3A_454 = arith.andi %parallel_loop3A_452, %parallel_loop3A_453 : vector<16xi1>
        %parallel_loop3A_455 = arith.subf %parallel_loop3A_450, %parallel_loop3A_448 : vector<16xf32>
        %parallel_loop3A_456 = arith.subf %parallel_loop3A_451, %parallel_loop3A_449 : vector<16xf32>
        %parallel_loop3A_457 = arith.mulf %parallel_loop3A_455, %parallel_loop3A_456 : vector<16xf32>
        %parallel_loop3A_458 = arith.constant 0.000000e+00 : f32
        %parallel_loop3A_459 = vector.broadcast %parallel_loop3A_458 : f32 to vector<16xf32>
        %parallel_loop3A_460 = arith.select %parallel_loop3A_454, %parallel_loop3A_457, %parallel_loop3A_459 : vector<16xi1>, vector<16xf32>
        %parallel_loop3A_461 = arith.subf %parallel_loop3A_427, %parallel_loop3A_419 : vector<16xf32>
        %parallel_loop3A_462 = arith.subf %parallel_loop3A_431, %parallel_loop3A_423 : vector<16xf32>
        %parallel_loop3A_463 = arith.mulf %parallel_loop3A_461, %parallel_loop3A_462 : vector<16xf32>
        %parallel_loop3A_464 = arith.subf %parallel_loop3A_443, %parallel_loop3A_435 : vector<16xf32>
        %parallel_loop3A_465 = arith.subf %parallel_loop3A_447, %parallel_loop3A_439 : vector<16xf32>
        %parallel_loop3A_466 = arith.mulf %parallel_loop3A_464, %parallel_loop3A_465 : vector<16xf32>
        %parallel_loop3A_467 = arith.addf %parallel_loop3A_463, %parallel_loop3A_466 : vector<16xf32>
        %parallel_loop3A_468 = arith.subf %parallel_loop3A_467, %parallel_loop3A_460 : vector<16xf32>
        %parallel_loop3A_469 = arith.constant 1.000000e-07 : f32
        %parallel_loop3A_470 = vector.broadcast %parallel_loop3A_469 : f32 to vector<16xf32>
        %parallel_loop3A_471 = arith.addf %parallel_loop3A_468, %parallel_loop3A_470 : vector<16xf32>
        %parallel_loop3A_472 = arith.divf %parallel_loop3A_460, %parallel_loop3A_471 : vector<16xf32>
        %parallel_loop3A_473 = arith.maximumf %parallel_loop3A_427, %parallel_loop3A_443 : vector<16xf32>
        %parallel_loop3A_474 = arith.minimumf %parallel_loop3A_419, %parallel_loop3A_435 : vector<16xf32>
        %parallel_loop3A_475 = arith.subf %parallel_loop3A_473, %parallel_loop3A_474 : vector<16xf32>
        %parallel_loop3A_476 = arith.maximumf %parallel_loop3A_431, %parallel_loop3A_447 : vector<16xf32>
        %parallel_loop3A_477 = arith.minimumf %parallel_loop3A_423, %parallel_loop3A_439 : vector<16xf32>
        %parallel_loop3A_478 = arith.subf %parallel_loop3A_476, %parallel_loop3A_477 : vector<16xf32>
        %parallel_loop3A_479 = arith.mulf %parallel_loop3A_475, %parallel_loop3A_478 : vector<16xf32>
        %parallel_loop3A_480 = arith.subf %parallel_loop3A_479, %parallel_loop3A_468 : vector<16xf32>
        %parallel_loop3A_481 = arith.constant 1.000000e-07 : f32
        %parallel_loop3A_482 = vector.broadcast %parallel_loop3A_481 : f32 to vector<16xf32>
        %parallel_loop3A_483 = arith.addf %parallel_loop3A_479, %parallel_loop3A_482 : vector<16xf32>
        %parallel_loop3A_484 = arith.divf %parallel_loop3A_480, %parallel_loop3A_483 : vector<16xf32>
        %parallel_loop3A_485 = arith.subf %parallel_loop3A_472, %parallel_loop3A_484 : vector<16xf32>
        %parallel_loop3A_486 = arith.constant 1.000000e+00 : f32
        %parallel_loop3A_487 = vector.broadcast %parallel_loop3A_486 : f32 to vector<16xf32>
        %parallel_loop3A_488 = arith.subf %parallel_loop3A_487, %parallel_loop3A_485 : vector<16xf32>
        %parallel_loop3A_489 = arith.constant 0.000000e+00 : f32
        %parallel_loop3A_490 = vector.broadcast %parallel_loop3A_489 : f32 to vector<16xf32>
        %parallel_loop3A_491 = arith.select %parallel_loop3A_368, %parallel_loop3A_488, %parallel_loop3A_490 : vector<16xi1>, vector<16xf32>
        %parallel_loop3A_492 = arith.addf %parallel_loop3A_141, %parallel_loop3A_491 : vector<16xf32>
        scf.yield %parallel_loop3A_389, %parallel_loop3A_395, %parallel_loop3A_492 : vector<16xf32>, vector<16xf32>, vector<16xf32>
      } {sc.loop_unroll_factor = 2 : i64, sc.parallel_access}
      scf.yield %parallel_loop3A_137#0, %parallel_loop3A_137#1, %parallel_loop3A_137#2 : vector<16xf32>, vector<16xf32>, vector<16xf32>
    }
    %scan3A_6 = arith.constant 5 : i32
    %mul3A_7 = arith.constant 6 : i32
    %mul3A_8 = arith.muli %add3A, %mul3A_7 : i32
    %add3A_9 = arith.constant 5 : i32
    %add3A_10 = arith.addi %mul3A_8, %add3A_9 : i32
    %mul3A_11 = arith.constant 30576 : i32
    %mul3A_12 = arith.muli %add3A_10, %mul3A_11 : i32
    %dma_start3A = tpu.memref_slice %arg2[%mul3A_12] : memref<5870592xf32, #tpu.memory_space<hbm>> -> memref<30576xf32, #tpu.memory_space<hbm>>
    %dma_start3A_13 = tpu.memref_slice %arg2[%mul3A_12] : memref<5870592xf32, #tpu.memory_space<hbm>> -> memref<30576xf32, #tpu.memory_space<hbm>>
    tpu.enqueue_dma source(%dma_start3A_13 : memref<30576xf32, #tpu.memory_space<hbm>>) target(%arg6 : memref<30576xf32, #tpu.memory_space<vmem>>) target_semaphore(%arg11 : memref<!tpu.dma_semaphore, #tpu.memory_space<semaphore_mem>>)
    %mul3A_14 = arith.constant 6 : i32
    %mul3A_15 = arith.muli %add3A, %mul3A_14 : i32
    %add3A_16 = arith.constant 5 : i32
    %add3A_17 = arith.addi %mul3A_15, %add3A_16 : i32
    %mul3A_18 = arith.constant 7280 : i32
    %mul3A_19 = arith.muli %add3A_17, %mul3A_18 : i32
    %dma_start3A_20 = tpu.memref_slice %arg3[%mul3A_19] : memref<1397760xf32, #tpu.memory_space<hbm>> -> memref<7280xf32, #tpu.memory_space<hbm>>
    %dma_start3A_21 = tpu.memref_slice %arg3[%mul3A_19] : memref<1397760xf32, #tpu.memory_space<hbm>> -> memref<7280xf32, #tpu.memory_space<hbm>>
    tpu.enqueue_dma source(%dma_start3A_21 : memref<7280xf32, #tpu.memory_space<hbm>>) target(%arg7 : memref<7280xf32, #tpu.memory_space<vmem>>) target_semaphore(%arg11 : memref<!tpu.dma_semaphore, #tpu.memory_space<semaphore_mem>>)
    %mul3A_22 = arith.constant 6 : i32
    %mul3A_23 = arith.muli %add3A, %mul3A_22 : i32
    %add3A_24 = arith.constant 5 : i32
    %add3A_25 = arith.addi %mul3A_23, %add3A_24 : i32
    %mul3A_26 = arith.constant 5824 : i32
    %mul3A_27 = arith.muli %add3A_25, %mul3A_26 : i32
    %dma_start3A_28 = tpu.memref_slice %arg4[%mul3A_27] : memref<1118208xf32, #tpu.memory_space<hbm>> -> memref<5824xf32, #tpu.memory_space<hbm>>
    %dma_start3A_29 = tpu.memref_slice %arg4[%mul3A_27] : memref<1118208xf32, #tpu.memory_space<hbm>> -> memref<5824xf32, #tpu.memory_space<hbm>>
    tpu.enqueue_dma source(%dma_start3A_29 : memref<5824xf32, #tpu.memory_space<hbm>>) target(%arg8 : memref<5824xf32, #tpu.memory_space<vmem>>) target_semaphore(%arg11 : memref<!tpu.dma_semaphore, #tpu.memory_space<semaphore_mem>>)
    %dma_wait3A = tpu.memref_slice %arg2[%mul3A_12] : memref<5870592xf32, #tpu.memory_space<hbm>> -> memref<30576xf32, #tpu.memory_space<hbm>>
    %dma_wait3A_30 = tpu.memref_slice %arg2[%mul3A_12] : memref<5870592xf32, #tpu.memory_space<hbm>> -> memref<30576xf32, #tpu.memory_space<hbm>>
    tpu.wait_dma2 semaphore(%arg11 : memref<!tpu.dma_semaphore, #tpu.memory_space<semaphore_mem>>) src(%dma_wait3A_30 : memref<30576xf32, #tpu.memory_space<hbm>>) dst(%arg6 : memref<30576xf32, #tpu.memory_space<vmem>>)
    %dma_wait3A_31 = tpu.memref_slice %arg3[%mul3A_19] : memref<1397760xf32, #tpu.memory_space<hbm>> -> memref<7280xf32, #tpu.memory_space<hbm>>
    %dma_wait3A_32 = tpu.memref_slice %arg3[%mul3A_19] : memref<1397760xf32, #tpu.memory_space<hbm>> -> memref<7280xf32, #tpu.memory_space<hbm>>
    tpu.wait_dma2 semaphore(%arg11 : memref<!tpu.dma_semaphore, #tpu.memory_space<semaphore_mem>>) src(%dma_wait3A_32 : memref<7280xf32, #tpu.memory_space<hbm>>) dst(%arg7 : memref<7280xf32, #tpu.memory_space<vmem>>)
    %dma_wait3A_33 = tpu.memref_slice %arg4[%mul3A_27] : memref<1118208xf32, #tpu.memory_space<hbm>> -> memref<5824xf32, #tpu.memory_space<hbm>>
    %dma_wait3A_34 = tpu.memref_slice %arg4[%mul3A_27] : memref<1118208xf32, #tpu.memory_space<hbm>> -> memref<5824xf32, #tpu.memory_space<hbm>>
    tpu.wait_dma2 semaphore(%arg11 : memref<!tpu.dma_semaphore, #tpu.memory_space<semaphore_mem>>) src(%dma_wait3A_34 : memref<5824xf32, #tpu.memory_space<hbm>>) dst(%arg8 : memref<5824xf32, #tpu.memory_space<vmem>>)
    %parallel_loop3A = arith.constant 0 : i32
    %parallel_loop3A_35 = arith.constant 91 : i32
    %parallel_loop3A_36 = arith.constant 1 : i32
    %parallel_loop3A_37:3 = scf.for %parallel_loop3A_101 = %parallel_loop3A to %parallel_loop3A_35 step %parallel_loop3A_36 iter_args(%parallel_loop3A_102 = %scan3A_5#0, %parallel_loop3A_103 = %scan3A_5#1, %parallel_loop3A_104 = %scan3A_5#2) -> (vector<16xf32>, vector<16xf32>, vector<16xf32>)  : i32 {
      %parallel_loop3A_105 = arith.constant 16 : i32
      %parallel_loop3A_106 = arith.muli %parallel_loop3A_101, %parallel_loop3A_105 : i32
      %parallel_loop3A_107 = arith.constant 0 : i32
      %parallel_loop3A_108 = arith.addi %parallel_loop3A_107, %parallel_loop3A_106 : i32
      %parallel_loop3A_109 = arith.index_cast %parallel_loop3A_108 : i32 to index
      %parallel_loop3A_110 = tpu.vector_load %arg6[%parallel_loop3A_109] {strides = array<i32>} : memref<30576xf32, #tpu.memory_space<vmem>>, vector<16xf32>,
      %parallel_loop3A_111 = arith.constant 1456 : i32
      %parallel_loop3A_112 = arith.addi %parallel_loop3A_111, %parallel_loop3A_106 : i32
      %parallel_loop3A_113 = arith.index_cast %parallel_loop3A_112 : i32 to index
      %parallel_loop3A_114 = tpu.vector_load %arg6[%parallel_loop3A_113] {strides = array<i32>} : memref<30576xf32, #tpu.memory_space<vmem>>, vector<16xf32>,
      %parallel_loop3A_115 = arith.constant 2912 : i32
      %parallel_loop3A_116 = arith.addi %parallel_loop3A_115, %parallel_loop3A_106 : i32
      %parallel_loop3A_117 = arith.index_cast %parallel_loop3A_116 : i32 to index
      %parallel_loop3A_118 = tpu.vector_load %arg6[%parallel_loop3A_117] {strides = array<i32>} : memref<30576xf32, #tpu.memory_space<vmem>>, vector<16xf32>,
      %parallel_loop3A_119 = arith.constant 4368 : i32
      %parallel_loop3A_120 = arith.addi %parallel_loop3A_119, %parallel_loop3A_106 : i32
      %parallel_loop3A_121 = arith.index_cast %parallel_loop3A_120 : i32 to index
      %parallel_loop3A_122 = tpu.vector_load %arg6[%parallel_loop3A_121] {strides = array<i32>} : memref<30576xf32, #tpu.memory_space<vmem>>, vector<16xf32>,
      %parallel_loop3A_123 = arith.constant 5824 : i32
      %parallel_loop3A_124 = arith.addi %parallel_loop3A_123, %parallel_loop3A_106 : i32
      %parallel_loop3A_125 = arith.index_cast %parallel_loop3A_124 : i32 to index
      %parallel_loop3A_126 = tpu.vector_load %arg6[%parallel_loop3A_125] {strides = array<i32>} : memref<30576xf32, #tpu.memory_space<vmem>>, vector<16xf32>,
      %parallel_loop3A_127 = arith.constant 7280 : i32
      %parallel_loop3A_128 = arith.addi %parallel_loop3A_127, %parallel_loop3A_106 : i32
      %parallel_loop3A_129 = arith.index_cast %parallel_loop3A_128 : i32 to index
      %parallel_loop3A_130 = tpu.vector_load %arg6[%parallel_loop3A_129] {strides = array<i32>} : memref<30576xf32, #tpu.memory_space<vmem>>, vector<16xf32>,
      %parallel_loop3A_131 = arith.constant 8736 : i32
      %parallel_loop3A_132 = arith.addi %parallel_loop3A_131, %parallel_loop3A_106 : i32
      %parallel_loop3A_133 = arith.index_cast %parallel_loop3A_132 : i32 to index
      %parallel_loop3A_134 = tpu.vector_load %arg6[%parallel_loop3A_133] {strides = array<i32>} : memref<30576xf32, #tpu.memory_space<vmem>>, vector<16xf32>,
      %parallel_loop3A_135 = arith.constant 10192 : i32
      %parallel_loop3A_136 = arith.addi %parallel_loop3A_135, %parallel_loop3A_106 : i32
      %parallel_loop3A_137 = arith.index_cast %parallel_loop3A_136 : i32 to index
      %parallel_loop3A_138 = tpu.vector_load %arg6[%parallel_loop3A_137] {strides = array<i32>} : memref<30576xf32, #tpu.memory_space<vmem>>, vector<16xf32>,
      %parallel_loop3A_139 = arith.constant 11648 : i32
      %parallel_loop3A_140 = arith.addi %parallel_loop3A_139, %parallel_loop3A_106 : i32
      %parallel_loop3A_141 = arith.index_cast %parallel_loop3A_140 : i32 to index
      %parallel_loop3A_142 = tpu.vector_load %arg6[%parallel_loop3A_141] {strides = array<i32>} : memref<30576xf32, #tpu.memory_space<vmem>>, vector<16xf32>,
      %parallel_loop3A_143 = arith.constant 13104 : i32
      %parallel_loop3A_144 = arith.addi %parallel_loop3A_143, %parallel_loop3A_106 : i32
      %parallel_loop3A_145 = arith.index_cast %parallel_loop3A_144 : i32 to index
      %parallel_loop3A_146 = tpu.vector_load %arg6[%parallel_loop3A_145] {strides = array<i32>} : memref<30576xf32, #tpu.memory_space<vmem>>, vector<16xf32>,
      %parallel_loop3A_147 = arith.constant 14560 : i32
      %parallel_loop3A_148 = arith.addi %parallel_loop3A_147, %parallel_loop3A_106 : i32
      %parallel_loop3A_149 = arith.index_cast %parallel_loop3A_148 : i32 to index
      %parallel_loop3A_150 = tpu.vector_load %arg6[%parallel_loop3A_149] {strides = array<i32>} : memref<30576xf32, #tpu.memory_space<vmem>>, vector<16xf32>,
      %parallel_loop3A_151 = arith.constant 16016 : i32
      %parallel_loop3A_152 = arith.addi %parallel_loop3A_151, %parallel_loop3A_106 : i32
      %parallel_loop3A_153 = arith.index_cast %parallel_loop3A_152 : i32 to index
      %parallel_loop3A_154 = tpu.vector_load %arg6[%parallel_loop3A_153] {strides = array<i32>} : memref<30576xf32, #tpu.memory_space<vmem>>, vector<16xf32>,
      %parallel_loop3A_155 = arith.constant 17472 : i32
      %parallel_loop3A_156 = arith.addi %parallel_loop3A_155, %parallel_loop3A_106 : i32
      %parallel_loop3A_157 = arith.index_cast %parallel_loop3A_156 : i32 to index
      %parallel_loop3A_158 = tpu.vector_load %arg6[%parallel_loop3A_157] {strides = array<i32>} : memref<30576xf32, #tpu.memory_space<vmem>>, vector<16xf32>,
      %parallel_loop3A_159 = arith.constant 18928 : i32
      %parallel_loop3A_160 = arith.addi %parallel_loop3A_159, %parallel_loop3A_106 : i32
      %parallel_loop3A_161 = arith.index_cast %parallel_loop3A_160 : i32 to index
      %parallel_loop3A_162 = tpu.vector_load %arg6[%parallel_loop3A_161] {strides = array<i32>} : memref<30576xf32, #tpu.memory_space<vmem>>, vector<16xf32>,
      %parallel_loop3A_163 = arith.constant 20384 : i32
      %parallel_loop3A_164 = arith.addi %parallel_loop3A_163, %parallel_loop3A_106 : i32
      %parallel_loop3A_165 = arith.index_cast %parallel_loop3A_164 : i32 to index
      %parallel_loop3A_166 = tpu.vector_load %arg6[%parallel_loop3A_165] {strides = array<i32>} : memref<30576xf32, #tpu.memory_space<vmem>>, vector<16xf32>,
      %parallel_loop3A_167 = arith.constant 21840 : i32
      %parallel_loop3A_168 = arith.addi %parallel_loop3A_167, %parallel_loop3A_106 : i32
      %parallel_loop3A_169 = arith.index_cast %parallel_loop3A_168 : i32 to index
      %parallel_loop3A_170 = tpu.vector_load %arg6[%parallel_loop3A_169] {strides = array<i32>} : memref<30576xf32, #tpu.memory_space<vmem>>, vector<16xf32>,
      %parallel_loop3A_171 = arith.constant 23296 : i32
      %parallel_loop3A_172 = arith.addi %parallel_loop3A_171, %parallel_loop3A_106 : i32
      %parallel_loop3A_173 = arith.index_cast %parallel_loop3A_172 : i32 to index
      %parallel_loop3A_174 = tpu.vector_load %arg6[%parallel_loop3A_173] {strides = array<i32>} : memref<30576xf32, #tpu.memory_space<vmem>>, vector<16xf32>,
      %parallel_loop3A_175 = arith.constant 24752 : i32
      %parallel_loop3A_176 = arith.addi %parallel_loop3A_175, %parallel_loop3A_106 : i32
      %parallel_loop3A_177 = arith.index_cast %parallel_loop3A_176 : i32 to index
      %parallel_loop3A_178 = tpu.vector_load %arg6[%parallel_loop3A_177] {strides = array<i32>} : memref<30576xf32, #tpu.memory_space<vmem>>, vector<16xf32>,
      %parallel_loop3A_179 = arith.constant 26208 : i32
      %parallel_loop3A_180 = arith.addi %parallel_loop3A_179, %parallel_loop3A_106 : i32
      %parallel_loop3A_181 = arith.index_cast %parallel_loop3A_180 : i32 to index
      %parallel_loop3A_182 = tpu.vector_load %arg6[%parallel_loop3A_181] {strides = array<i32>} : memref<30576xf32, #tpu.memory_space<vmem>>, vector<16xf32>,
      %parallel_loop3A_183 = arith.constant 27664 : i32
      %parallel_loop3A_184 = arith.addi %parallel_loop3A_183, %parallel_loop3A_106 : i32
      %parallel_loop3A_185 = arith.index_cast %parallel_loop3A_184 : i32 to index
      %parallel_loop3A_186 = tpu.vector_load %arg6[%parallel_loop3A_185] {strides = array<i32>} : memref<30576xf32, #tpu.memory_space<vmem>>, vector<16xf32>,
      %parallel_loop3A_187 = arith.constant 29120 : i32
      %parallel_loop3A_188 = arith.addi %parallel_loop3A_187, %parallel_loop3A_106 : i32
      %parallel_loop3A_189 = arith.index_cast %parallel_loop3A_188 : i32 to index
      %parallel_loop3A_190 = tpu.vector_load %arg6[%parallel_loop3A_189] {strides = array<i32>} : memref<30576xf32, #tpu.memory_space<vmem>>, vector<16xf32>,
      %parallel_loop3A_191 = arith.maximumf %parallel_loop3A_110, %parallel_loop3A_114 : vector<16xf32>
      %parallel_loop3A_192 = arith.maximumf %parallel_loop3A_191, %parallel_loop3A_118 : vector<16xf32>
      %parallel_loop3A_193 = arith.maximumf %parallel_loop3A_192, %parallel_loop3A_122 : vector<16xf32>
      %parallel_loop3A_194 = arith.maximumf %parallel_loop3A_193, %parallel_loop3A_126 : vector<16xf32>
      %parallel_loop3A_195 = arith.maximumf %parallel_loop3A_194, %parallel_loop3A_130 : vector<16xf32>
      %parallel_loop3A_196 = arith.maximumf %parallel_loop3A_195, %parallel_loop3A_134 : vector<16xf32>
      %parallel_loop3A_197 = arith.maximumf %parallel_loop3A_196, %parallel_loop3A_138 : vector<16xf32>
      %parallel_loop3A_198 = arith.maximumf %parallel_loop3A_197, %parallel_loop3A_142 : vector<16xf32>
      %parallel_loop3A_199 = arith.maximumf %parallel_loop3A_198, %parallel_loop3A_146 : vector<16xf32>
      %parallel_loop3A_200 = arith.maximumf %parallel_loop3A_199, %parallel_loop3A_150 : vector<16xf32>
      %parallel_loop3A_201 = arith.maximumf %parallel_loop3A_200, %parallel_loop3A_154 : vector<16xf32>
      %parallel_loop3A_202 = arith.maximumf %parallel_loop3A_201, %parallel_loop3A_158 : vector<16xf32>
      %parallel_loop3A_203 = arith.maximumf %parallel_loop3A_202, %parallel_loop3A_162 : vector<16xf32>
      %parallel_loop3A_204 = arith.maximumf %parallel_loop3A_203, %parallel_loop3A_166 : vector<16xf32>
      %parallel_loop3A_205 = arith.maximumf %parallel_loop3A_204, %parallel_loop3A_170 : vector<16xf32>
      %parallel_loop3A_206 = arith.maximumf %parallel_loop3A_205, %parallel_loop3A_174 : vector<16xf32>
      %parallel_loop3A_207 = arith.maximumf %parallel_loop3A_206, %parallel_loop3A_178 : vector<16xf32>
      %parallel_loop3A_208 = arith.maximumf %parallel_loop3A_207, %parallel_loop3A_182 : vector<16xf32>
      %parallel_loop3A_209 = arith.maximumf %parallel_loop3A_208, %parallel_loop3A_186 : vector<16xf32>
      %parallel_loop3A_210 = arith.maximumf %parallel_loop3A_209, %parallel_loop3A_190 : vector<16xf32>
      %parallel_loop3A_211 = arith.subf %parallel_loop3A_110, %parallel_loop3A_210 : vector<16xf32>
      %parallel_loop3A_212 = math.exp %parallel_loop3A_211 : vector<16xf32>
      %parallel_loop3A_213 = arith.addf %broadcast_in_dim3A_1, %parallel_loop3A_212 : vector<16xf32>
      %parallel_loop3A_214 = arith.subf %parallel_loop3A_114, %parallel_loop3A_210 : vector<16xf32>
      %parallel_loop3A_215 = math.exp %parallel_loop3A_214 : vector<16xf32>
      %parallel_loop3A_216 = arith.addf %parallel_loop3A_213, %parallel_loop3A_215 : vector<16xf32>
      %parallel_loop3A_217 = arith.subf %parallel_loop3A_118, %parallel_loop3A_210 : vector<16xf32>
      %parallel_loop3A_218 = math.exp %parallel_loop3A_217 : vector<16xf32>
      %parallel_loop3A_219 = arith.addf %parallel_loop3A_216, %parallel_loop3A_218 : vector<16xf32>
      %parallel_loop3A_220 = arith.subf %parallel_loop3A_122, %parallel_loop3A_210 : vector<16xf32>
      %parallel_loop3A_221 = math.exp %parallel_loop3A_220 : vector<16xf32>
      %parallel_loop3A_222 = arith.addf %parallel_loop3A_219, %parallel_loop3A_221 : vector<16xf32>
      %parallel_loop3A_223 = arith.subf %parallel_loop3A_126, %parallel_loop3A_210 : vector<16xf32>
      %parallel_loop3A_224 = math.exp %parallel_loop3A_223 : vector<16xf32>
      %parallel_loop3A_225 = arith.addf %parallel_loop3A_222, %parallel_loop3A_224 : vector<16xf32>
      %parallel_loop3A_226 = arith.subf %parallel_loop3A_130, %parallel_loop3A_210 : vector<16xf32>
      %parallel_loop3A_227 = math.exp %parallel_loop3A_226 : vector<16xf32>
      %parallel_loop3A_228 = arith.addf %parallel_loop3A_225, %parallel_loop3A_227 : vector<16xf32>
      %parallel_loop3A_229 = arith.subf %parallel_loop3A_134, %parallel_loop3A_210 : vector<16xf32>
      %parallel_loop3A_230 = math.exp %parallel_loop3A_229 : vector<16xf32>
      %parallel_loop3A_231 = arith.addf %parallel_loop3A_228, %parallel_loop3A_230 : vector<16xf32>
      %parallel_loop3A_232 = arith.subf %parallel_loop3A_138, %parallel_loop3A_210 : vector<16xf32>
      %parallel_loop3A_233 = math.exp %parallel_loop3A_232 : vector<16xf32>
      %parallel_loop3A_234 = arith.addf %parallel_loop3A_231, %parallel_loop3A_233 : vector<16xf32>
      %parallel_loop3A_235 = arith.subf %parallel_loop3A_142, %parallel_loop3A_210 : vector<16xf32>
      %parallel_loop3A_236 = math.exp %parallel_loop3A_235 : vector<16xf32>
      %parallel_loop3A_237 = arith.addf %parallel_loop3A_234, %parallel_loop3A_236 : vector<16xf32>
      %parallel_loop3A_238 = arith.subf %parallel_loop3A_146, %parallel_loop3A_210 : vector<16xf32>
      %parallel_loop3A_239 = math.exp %parallel_loop3A_238 : vector<16xf32>
      %parallel_loop3A_240 = arith.addf %parallel_loop3A_237, %parallel_loop3A_239 : vector<16xf32>
      %parallel_loop3A_241 = arith.subf %parallel_loop3A_150, %parallel_loop3A_210 : vector<16xf32>
      %parallel_loop3A_242 = math.exp %parallel_loop3A_241 : vector<16xf32>
      %parallel_loop3A_243 = arith.addf %parallel_loop3A_240, %parallel_loop3A_242 : vector<16xf32>
      %parallel_loop3A_244 = arith.subf %parallel_loop3A_154, %parallel_loop3A_210 : vector<16xf32>
      %parallel_loop3A_245 = math.exp %parallel_loop3A_244 : vector<16xf32>
      %parallel_loop3A_246 = arith.addf %parallel_loop3A_243, %parallel_loop3A_245 : vector<16xf32>
      %parallel_loop3A_247 = arith.subf %parallel_loop3A_158, %parallel_loop3A_210 : vector<16xf32>
      %parallel_loop3A_248 = math.exp %parallel_loop3A_247 : vector<16xf32>
      %parallel_loop3A_249 = arith.addf %parallel_loop3A_246, %parallel_loop3A_248 : vector<16xf32>
      %parallel_loop3A_250 = arith.subf %parallel_loop3A_162, %parallel_loop3A_210 : vector<16xf32>
      %parallel_loop3A_251 = math.exp %parallel_loop3A_250 : vector<16xf32>
      %parallel_loop3A_252 = arith.addf %parallel_loop3A_249, %parallel_loop3A_251 : vector<16xf32>
      %parallel_loop3A_253 = arith.subf %parallel_loop3A_166, %parallel_loop3A_210 : vector<16xf32>
      %parallel_loop3A_254 = math.exp %parallel_loop3A_253 : vector<16xf32>
      %parallel_loop3A_255 = arith.addf %parallel_loop3A_252, %parallel_loop3A_254 : vector<16xf32>
      %parallel_loop3A_256 = arith.subf %parallel_loop3A_170, %parallel_loop3A_210 : vector<16xf32>
      %parallel_loop3A_257 = math.exp %parallel_loop3A_256 : vector<16xf32>
      %parallel_loop3A_258 = arith.addf %parallel_loop3A_255, %parallel_loop3A_257 : vector<16xf32>
      %parallel_loop3A_259 = arith.subf %parallel_loop3A_174, %parallel_loop3A_210 : vector<16xf32>
      %parallel_loop3A_260 = math.exp %parallel_loop3A_259 : vector<16xf32>
      %parallel_loop3A_261 = arith.addf %parallel_loop3A_258, %parallel_loop3A_260 : vector<16xf32>
      %parallel_loop3A_262 = arith.subf %parallel_loop3A_178, %parallel_loop3A_210 : vector<16xf32>
      %parallel_loop3A_263 = math.exp %parallel_loop3A_262 : vector<16xf32>
      %parallel_loop3A_264 = arith.addf %parallel_loop3A_261, %parallel_loop3A_263 : vector<16xf32>
      %parallel_loop3A_265 = arith.subf %parallel_loop3A_182, %parallel_loop3A_210 : vector<16xf32>
      %parallel_loop3A_266 = math.exp %parallel_loop3A_265 : vector<16xf32>
      %parallel_loop3A_267 = arith.addf %parallel_loop3A_264, %parallel_loop3A_266 : vector<16xf32>
      %parallel_loop3A_268 = arith.subf %parallel_loop3A_186, %parallel_loop3A_210 : vector<16xf32>
      %parallel_loop3A_269 = math.exp %parallel_loop3A_268 : vector<16xf32>
      %parallel_loop3A_270 = arith.addf %parallel_loop3A_267, %parallel_loop3A_269 : vector<16xf32>
      %parallel_loop3A_271 = arith.subf %parallel_loop3A_190, %parallel_loop3A_210 : vector<16xf32>
      %parallel_loop3A_272 = math.exp %parallel_loop3A_271 : vector<16xf32>
      %parallel_loop3A_273 = arith.addf %parallel_loop3A_270, %parallel_loop3A_272 : vector<16xf32>
      %parallel_loop3A_274 = tpu.bitcast %parallel_loop3A_273 : vector<16xf32> -> vector<16xi32>
      %parallel_loop3A_275 = arith.constant 23 : i32
      %parallel_loop3A_276 = vector.broadcast %parallel_loop3A_275 : i32 to vector<16xi32>
      %parallel_loop3A_277 = arith.shrsi %parallel_loop3A_274, %parallel_loop3A_276 : vector<16xi32>
      %parallel_loop3A_278 = arith.constant 127 : i32
      %parallel_loop3A_279 = vector.broadcast %parallel_loop3A_278 : i32 to vector<16xi32>
      %parallel_loop3A_280 = arith.subi %parallel_loop3A_277, %parallel_loop3A_279 : vector<16xi32>
      %parallel_loop3A_281 = arith.sitofp %parallel_loop3A_280 : vector<16xi32> to vector<16xf32>
      %parallel_loop3A_282 = arith.constant 1.000000e+00 : f32
      %parallel_loop3A_283 = vector.broadcast %parallel_loop3A_282 : f32 to vector<16xf32>
      %parallel_loop3A_284 = arith.mulf %parallel_loop3A_283, %parallel_loop3A_281 : vector<16xf32>
      %parallel_loop3A_285 = arith.constant 8388607 : i32
      %parallel_loop3A_286 = vector.broadcast %parallel_loop3A_285 : i32 to vector<16xi32>
      %parallel_loop3A_287 = arith.andi %parallel_loop3A_274, %parallel_loop3A_286 : vector<16xi32>
      %parallel_loop3A_288 = arith.constant 1065353216 : i32
      %parallel_loop3A_289 = vector.broadcast %parallel_loop3A_288 : i32 to vector<16xi32>
      %parallel_loop3A_290 = arith.ori %parallel_loop3A_287, %parallel_loop3A_289 : vector<16xi32>
      %parallel_loop3A_291 = tpu.bitcast %parallel_loop3A_290 : vector<16xi32> -> vector<16xf32>
      %parallel_loop3A_292 = arith.constant 1.000000e+00 : f32
      %parallel_loop3A_293 = vector.broadcast %parallel_loop3A_292 : f32 to vector<16xf32>
      %parallel_loop3A_294 = arith.subf %parallel_loop3A_291, %parallel_loop3A_293 : vector<16xf32>
      %parallel_loop3A_295 = arith.constant 1.000000e+00 : f32
      %parallel_loop3A_296 = vector.broadcast %parallel_loop3A_295 : f32 to vector<16xf32>
      %parallel_loop3A_297 = arith.addf %parallel_loop3A_291, %parallel_loop3A_296 : vector<16xf32>
      %parallel_loop3A_298 = arith.divf %parallel_loop3A_294, %parallel_loop3A_297 : vector<16xf32>
      %parallel_loop3A_299 = arith.mulf %parallel_loop3A_298, %parallel_loop3A_298 : vector<16xf32>
      %parallel_loop3A_300 = arith.constant 0.222222224 : f32
      %parallel_loop3A_301 = vector.broadcast %parallel_loop3A_300 : f32 to vector<16xf32>
      %parallel_loop3A_302 = arith.mulf %parallel_loop3A_299, %parallel_loop3A_301 : vector<16xf32>
      %parallel_loop3A_303 = arith.constant 0.285714298 : f32
      %parallel_loop3A_304 = vector.broadcast %parallel_loop3A_303 : f32 to vector<16xf32>
      %parallel_loop3A_305 = arith.addf %parallel_loop3A_304, %parallel_loop3A_302 : vector<16xf32>
      %parallel_loop3A_306 = arith.mulf %parallel_loop3A_299, %parallel_loop3A_305 : vector<16xf32>
      %parallel_loop3A_307 = arith.constant 4.000000e-01 : f32
      %parallel_loop3A_308 = vector.broadcast %parallel_loop3A_307 : f32 to vector<16xf32>
      %parallel_loop3A_309 = arith.addf %parallel_loop3A_308, %parallel_loop3A_306 : vector<16xf32>
      %parallel_loop3A_310 = arith.mulf %parallel_loop3A_299, %parallel_loop3A_309 : vector<16xf32>
      %parallel_loop3A_311 = arith.constant 0.666666686 : f32
      %parallel_loop3A_312 = vector.broadcast %parallel_loop3A_311 : f32 to vector<16xf32>
      %parallel_loop3A_313 = arith.addf %parallel_loop3A_312, %parallel_loop3A_310 : vector<16xf32>
      %parallel_loop3A_314 = arith.mulf %parallel_loop3A_299, %parallel_loop3A_313 : vector<16xf32>
      %parallel_loop3A_315 = arith.constant 2.000000e+00 : f32
      %parallel_loop3A_316 = vector.broadcast %parallel_loop3A_315 : f32 to vector<16xf32>
      %parallel_loop3A_317 = arith.addf %parallel_loop3A_316, %parallel_loop3A_314 : vector<16xf32>
      %parallel_loop3A_318 = arith.mulf %parallel_loop3A_298, %parallel_loop3A_317 : vector<16xf32>
      %parallel_loop3A_319 = arith.constant 0.693147182 : f32
      %parallel_loop3A_320 = vector.broadcast %parallel_loop3A_319 : f32 to vector<16xf32>
      %parallel_loop3A_321 = arith.mulf %parallel_loop3A_284, %parallel_loop3A_320 : vector<16xf32>
      %parallel_loop3A_322 = arith.addf %parallel_loop3A_321, %parallel_loop3A_318 : vector<16xf32>
      %parallel_loop3A_323 = arith.addf %parallel_loop3A_210, %parallel_loop3A_322 : vector<16xf32>
      %parallel_loop3A_324 = arith.constant 5824 : i32
      %parallel_loop3A_325 = arith.addi %parallel_loop3A_324, %parallel_loop3A_106 : i32
      %parallel_loop3A_326 = arith.index_cast %parallel_loop3A_325 : i32 to index
      %parallel_loop3A_327 = tpu.vector_load %arg7[%parallel_loop3A_326] {strides = array<i32>} : memref<7280xf32, #tpu.memory_space<vmem>>, vector<16xf32>,
      %parallel_loop3A_328 = arith.fptosi %parallel_loop3A_327 : vector<16xf32> to vector<16xi32>
      %parallel_loop3A_329 = arith.constant 0 : i32
      %parallel_loop3A_330 = vector.broadcast %parallel_loop3A_329 : i32 to vector<16xi32>
      %parallel_loop3A_331 = arith.cmpi sgt, %parallel_loop3A_328, %parallel_loop3A_330 : vector<16xi32>
      %parallel_loop3A_332 = arith.constant 0 : i32
      %parallel_loop3A_333 = arith.constant 20 : i32
      %parallel_loop3A_334 = vector.broadcast %parallel_loop3A_332 : i32 to vector<16xi32>
      %parallel_loop3A_335 = arith.maxsi %parallel_loop3A_334, %parallel_loop3A_328 : vector<16xi32>
      %parallel_loop3A_336 = vector.broadcast %parallel_loop3A_333 : i32 to vector<16xi32>
      %parallel_loop3A_337 = arith.minsi %parallel_loop3A_336, %parallel_loop3A_335 : vector<16xi32>
      %parallel_loop3A_338 = arith.constant 0 : i32
      %parallel_loop3A_339 = vector.broadcast %parallel_loop3A_338 : i32 to vector<16xi32>
      %parallel_loop3A_340 = arith.select %parallel_loop3A_331, %parallel_loop3A_337, %parallel_loop3A_339 : vector<16xi1>, vector<16xi32>
      %parallel_loop3A_341 = arith.constant 1456 : i32
      %parallel_loop3A_342 = vector.broadcast %parallel_loop3A_341 : i32 to vector<16xi32>
      %parallel_loop3A_343 = arith.muli %parallel_loop3A_340, %parallel_loop3A_342 : vector<16xi32>
      %parallel_loop3A_344 = vector.broadcast %parallel_loop3A_106 : i32 to vector<16xi32>
      %parallel_loop3A_345 = arith.addi %parallel_loop3A_343, %parallel_loop3A_344 : vector<16xi32>
      %parallel_loop3A_346 = arith.addi %parallel_loop3A_345, %iota3A : vector<16xi32>
      %parallel_loop3A_347 = tpu.vector_load_idx %arg6[%parallel_loop3A_346] : memref<30576xf32, #tpu.memory_space<vmem>>[vector<16xi32>], vector<16xf32>,
      %parallel_loop3A_348 = arith.constant 7280 : i32
      %parallel_loop3A_349 = arith.addi %parallel_loop3A_348, %parallel_loop3A_106 : i32
      %parallel_loop3A_350 = vector.broadcast %parallel_loop3A_349 : i32 to vector<16xi32>
      %parallel_loop3A_351 = arith.addi %parallel_loop3A_350, %iota3A : vector<16xi32>
      %parallel_loop3A_352 = arith.constant 8732 : i32
      %parallel_loop3A_353 = vector.broadcast %parallel_loop3A_352 : i32 to vector<16xi32>
      %parallel_loop3A_354 = arith.cmpi slt, %parallel_loop3A_351, %parallel_loop3A_353 : vector<16xi32>
      %parallel_loop3A_355 = arith.andi %parallel_loop3A_331, %parallel_loop3A_354 : vector<16xi1>
      %parallel_loop3A_356 = arith.constant dense<true> : vector<16xi1>
      %parallel_loop3A_357 = arith.xori %parallel_loop3A_354, %parallel_loop3A_356 : vector<16xi1>
      %parallel_loop3A_358 = arith.ori %parallel_loop3A_331, %parallel_loop3A_357 : vector<16xi1>
      %parallel_loop3A_359 = arith.subf %parallel_loop3A_323, %parallel_loop3A_347 : vector<16xf32>
      %parallel_loop3A_360 = arith.constant 0.000000e+00 : f32
      %parallel_loop3A_361 = vector.broadcast %parallel_loop3A_360 : f32 to vector<16xf32>
      %parallel_loop3A_362 = arith.select %parallel_loop3A_355, %parallel_loop3A_359, %parallel_loop3A_361 : vector<16xi1>, vector<16xf32>
      %parallel_loop3A_363 = arith.addf %parallel_loop3A_102, %parallel_loop3A_362 : vector<16xf32>
      %parallel_loop3A_364 = arith.constant 1.000000e+00 : f32
      %parallel_loop3A_365 = arith.constant 0.000000e+00 : f32
      %parallel_loop3A_366 = vector.broadcast %parallel_loop3A_364 : f32 to vector<16xf32>
      %parallel_loop3A_367 = vector.broadcast %parallel_loop3A_365 : f32 to vector<16xf32>
      %parallel_loop3A_368 = arith.select %parallel_loop3A_355, %parallel_loop3A_366, %parallel_loop3A_367 : vector<16xi1>, vector<16xf32>
      %parallel_loop3A_369 = arith.addf %parallel_loop3A_103, %parallel_loop3A_368 : vector<16xf32>
      %parallel_loop3A_370 = arith.subf %parallel_loop3A_323, %parallel_loop3A_110 : vector<16xf32>
      %parallel_loop3A_371 = arith.constant -1.000000e+30 : f32
      %parallel_loop3A_372 = vector.broadcast %parallel_loop3A_371 : f32 to vector<16xf32>
      %parallel_loop3A_373 = arith.select %parallel_loop3A_358, %parallel_loop3A_372, %parallel_loop3A_370 : vector<16xi1>, vector<16xf32>
      %parallel_loop3A_374 = tpu.bitcast %parallel_loop3A_373 : vector<16xf32> -> vector<16xi32>
      %parallel_loop3A_375 = arith.constant 31 : i32
      %parallel_loop3A_376 = vector.broadcast %parallel_loop3A_375 : i32 to vector<16xi32>
      %parallel_loop3A_377 = arith.shrui %parallel_loop3A_374, %parallel_loop3A_376 : vector<16xi32>
      %parallel_loop3A_378 = arith.constant 0 : i32
      %parallel_loop3A_379 = vector.broadcast %parallel_loop3A_378 : i32 to vector<16xi32>
      %parallel_loop3A_380 = arith.cmpi ugt, %parallel_loop3A_377, %parallel_loop3A_379 : vector<16xi32>
      %parallel_loop3A_381 = arith.constant dense<-1> : vector<16xi32>
      %parallel_loop3A_382 = arith.xori %parallel_loop3A_374, %parallel_loop3A_381 : vector<16xi32>
      %parallel_loop3A_383 = arith.constant -2147483648 : i32
      %parallel_loop3A_384 = vector.broadcast %parallel_loop3A_383 : i32 to vector<16xi32>
      %parallel_loop3A_385 = arith.xori %parallel_loop3A_374, %parallel_loop3A_384 : vector<16xi32>
      %parallel_loop3A_386 = arith.select %parallel_loop3A_380, %parallel_loop3A_382, %parallel_loop3A_385 : vector<16xi1>, vector<16xi32>
      %parallel_loop3A_387 = arith.constant 7280 : i32
      %parallel_loop3A_388 = arith.addi %parallel_loop3A_387, %parallel_loop3A_106 : i32
      %parallel_loop3A_389 = arith.index_cast %parallel_loop3A_388 : i32 to index
      %parallel_loop3A_390 = tpu.vector_load %arg9[%parallel_loop3A_389] {strides = array<i32>} : memref<8736xi32, #tpu.memory_space<vmem>>, vector<16xi32>,
      tpu.vector_store %arg9[%parallel_loop3A_389], %parallel_loop3A_386 {strides = array<i32>} : memref<8736xi32, #tpu.memory_space<vmem>>, vector<16xi32>,
      %parallel_loop3A_391 = arith.constant 0 : i32
      %parallel_loop3A_392 = arith.addi %parallel_loop3A_391, %parallel_loop3A_106 : i32
      %parallel_loop3A_393 = arith.index_cast %parallel_loop3A_392 : i32 to index
      %parallel_loop3A_394 = tpu.vector_load %arg8[%parallel_loop3A_393] {strides = array<i32>} : memref<5824xf32, #tpu.memory_space<vmem>>, vector<16xf32>,
      %parallel_loop3A_395 = arith.constant 1456 : i32
      %parallel_loop3A_396 = arith.addi %parallel_loop3A_395, %parallel_loop3A_106 : i32
      %parallel_loop3A_397 = arith.index_cast %parallel_loop3A_396 : i32 to index
      %parallel_loop3A_398 = tpu.vector_load %arg8[%parallel_loop3A_397] {strides = array<i32>} : memref<5824xf32, #tpu.memory_space<vmem>>, vector<16xf32>,
      %parallel_loop3A_399 = arith.constant 2912 : i32
      %parallel_loop3A_400 = arith.addi %parallel_loop3A_399, %parallel_loop3A_106 : i32
      %parallel_loop3A_401 = arith.index_cast %parallel_loop3A_400 : i32 to index
      %parallel_loop3A_402 = tpu.vector_load %arg8[%parallel_loop3A_401] {strides = array<i32>} : memref<5824xf32, #tpu.memory_space<vmem>>, vector<16xf32>,
      %parallel_loop3A_403 = arith.constant 4368 : i32
      %parallel_loop3A_404 = arith.addi %parallel_loop3A_403, %parallel_loop3A_106 : i32
      %parallel_loop3A_405 = arith.index_cast %parallel_loop3A_404 : i32 to index
      %parallel_loop3A_406 = tpu.vector_load %arg8[%parallel_loop3A_405] {strides = array<i32>} : memref<5824xf32, #tpu.memory_space<vmem>>, vector<16xf32>,
      %parallel_loop3A_407 = arith.constant 0 : i32
      %parallel_loop3A_408 = arith.addi %parallel_loop3A_407, %parallel_loop3A_106 : i32
      %parallel_loop3A_409 = arith.index_cast %parallel_loop3A_408 : i32 to index
      %parallel_loop3A_410 = tpu.vector_load %arg7[%parallel_loop3A_409] {strides = array<i32>} : memref<7280xf32, #tpu.memory_space<vmem>>, vector<16xf32>,
      %parallel_loop3A_411 = arith.constant 1456 : i32
      %parallel_loop3A_412 = arith.addi %parallel_loop3A_411, %parallel_loop3A_106 : i32
      %parallel_loop3A_413 = arith.index_cast %parallel_loop3A_412 : i32 to index
      %parallel_loop3A_414 = tpu.vector_load %arg7[%parallel_loop3A_413] {strides = array<i32>} : memref<7280xf32, #tpu.memory_space<vmem>>, vector<16xf32>,
      %parallel_loop3A_415 = arith.constant 2912 : i32
      %parallel_loop3A_416 = arith.addi %parallel_loop3A_415, %parallel_loop3A_106 : i32
      %parallel_loop3A_417 = arith.index_cast %parallel_loop3A_416 : i32 to index
      %parallel_loop3A_418 = tpu.vector_load %arg7[%parallel_loop3A_417] {strides = array<i32>} : memref<7280xf32, #tpu.memory_space<vmem>>, vector<16xf32>,
      %parallel_loop3A_419 = arith.constant 4368 : i32
      %parallel_loop3A_420 = arith.addi %parallel_loop3A_419, %parallel_loop3A_106 : i32
      %parallel_loop3A_421 = arith.index_cast %parallel_loop3A_420 : i32 to index
      %parallel_loop3A_422 = tpu.vector_load %arg7[%parallel_loop3A_421] {strides = array<i32>} : memref<7280xf32, #tpu.memory_space<vmem>>, vector<16xf32>,
      %parallel_loop3A_423 = arith.maximumf %parallel_loop3A_394, %parallel_loop3A_410 : vector<16xf32>
      %parallel_loop3A_424 = arith.maximumf %parallel_loop3A_398, %parallel_loop3A_414 : vector<16xf32>
      %parallel_loop3A_425 = arith.minimumf %parallel_loop3A_402, %parallel_loop3A_418 : vector<16xf32>
      %parallel_loop3A_426 = arith.minimumf %parallel_loop3A_406, %parallel_loop3A_422 : vector<16xf32>
      %parallel_loop3A_427 = arith.cmpf ogt, %parallel_loop3A_426, %parallel_loop3A_424 : vector<16xf32>
      %parallel_loop3A_428 = arith.cmpf ogt, %parallel_loop3A_425, %parallel_loop3A_423 : vector<16xf32>
      %parallel_loop3A_429 = arith.andi %parallel_loop3A_427, %parallel_loop3A_428 : vector<16xi1>
      %parallel_loop3A_430 = arith.subf %parallel_loop3A_425, %parallel_loop3A_423 : vector<16xf32>
      %parallel_loop3A_431 = arith.subf %parallel_loop3A_426, %parallel_loop3A_424 : vector<16xf32>
      %parallel_loop3A_432 = arith.mulf %parallel_loop3A_430, %parallel_loop3A_431 : vector<16xf32>
      %parallel_loop3A_433 = arith.constant 0.000000e+00 : f32
      %parallel_loop3A_434 = vector.broadcast %parallel_loop3A_433 : f32 to vector<16xf32>
      %parallel_loop3A_435 = arith.select %parallel_loop3A_429, %parallel_loop3A_432, %parallel_loop3A_434 : vector<16xi1>, vector<16xf32>
      %parallel_loop3A_436 = arith.subf %parallel_loop3A_402, %parallel_loop3A_394 : vector<16xf32>
      %parallel_loop3A_437 = arith.subf %parallel_loop3A_406, %parallel_loop3A_398 : vector<16xf32>
      %parallel_loop3A_438 = arith.mulf %parallel_loop3A_436, %parallel_loop3A_437 : vector<16xf32>
      %parallel_loop3A_439 = arith.subf %parallel_loop3A_418, %parallel_loop3A_410 : vector<16xf32>
      %parallel_loop3A_440 = arith.subf %parallel_loop3A_422, %parallel_loop3A_414 : vector<16xf32>
      %parallel_loop3A_441 = arith.mulf %parallel_loop3A_439, %parallel_loop3A_440 : vector<16xf32>
      %parallel_loop3A_442 = arith.addf %parallel_loop3A_438, %parallel_loop3A_441 : vector<16xf32>
      %parallel_loop3A_443 = arith.subf %parallel_loop3A_442, %parallel_loop3A_435 : vector<16xf32>
      %parallel_loop3A_444 = arith.constant 1.000000e-07 : f32
      %parallel_loop3A_445 = vector.broadcast %parallel_loop3A_444 : f32 to vector<16xf32>
      %parallel_loop3A_446 = arith.addf %parallel_loop3A_443, %parallel_loop3A_445 : vector<16xf32>
      %parallel_loop3A_447 = arith.divf %parallel_loop3A_435, %parallel_loop3A_446 : vector<16xf32>
      %parallel_loop3A_448 = arith.maximumf %parallel_loop3A_402, %parallel_loop3A_418 : vector<16xf32>
      %parallel_loop3A_449 = arith.minimumf %parallel_loop3A_394, %parallel_loop3A_410 : vector<16xf32>
      %parallel_loop3A_450 = arith.subf %parallel_loop3A_448, %parallel_loop3A_449 : vector<16xf32>
      %parallel_loop3A_451 = arith.maximumf %parallel_loop3A_406, %parallel_loop3A_422 : vector<16xf32>
      %parallel_loop3A_452 = arith.minimumf %parallel_loop3A_398, %parallel_loop3A_414 : vector<16xf32>
      %parallel_loop3A_453 = arith.subf %parallel_loop3A_451, %parallel_loop3A_452 : vector<16xf32>
      %parallel_loop3A_454 = arith.mulf %parallel_loop3A_450, %parallel_loop3A_453 : vector<16xf32>
      %parallel_loop3A_455 = arith.subf %parallel_loop3A_454, %parallel_loop3A_443 : vector<16xf32>
      %parallel_loop3A_456 = arith.constant 1.000000e-07 : f32
      %parallel_loop3A_457 = vector.broadcast %parallel_loop3A_456 : f32 to vector<16xf32>
      %parallel_loop3A_458 = arith.addf %parallel_loop3A_454, %parallel_loop3A_457 : vector<16xf32>
      %parallel_loop3A_459 = arith.divf %parallel_loop3A_455, %parallel_loop3A_458 : vector<16xf32>
      %parallel_loop3A_460 = arith.subf %parallel_loop3A_447, %parallel_loop3A_459 : vector<16xf32>
      %parallel_loop3A_461 = arith.constant 1.000000e+00 : f32
      %parallel_loop3A_462 = vector.broadcast %parallel_loop3A_461 : f32 to vector<16xf32>
      %parallel_loop3A_463 = arith.subf %parallel_loop3A_462, %parallel_loop3A_460 : vector<16xf32>
      %parallel_loop3A_464 = arith.constant 0.000000e+00 : f32
      %parallel_loop3A_465 = vector.broadcast %parallel_loop3A_464 : f32 to vector<16xf32>
      %parallel_loop3A_466 = arith.select %parallel_loop3A_355, %parallel_loop3A_463, %parallel_loop3A_465 : vector<16xi1>, vector<16xf32>
      %parallel_loop3A_467 = arith.addf %parallel_loop3A_104, %parallel_loop3A_466 : vector<16xf32>
      scf.yield %parallel_loop3A_363, %parallel_loop3A_369, %parallel_loop3A_467 : vector<16xf32>, vector<16xf32>, vector<16xf32>
    } {sc.loop_unroll_factor = 2 : i64, sc.parallel_access}
    %reduce_sum3A = arith.constant true
    %reduce_sum3A_38 = vector.broadcast %reduce_sum3A : i1 to vector<16xi1>
    %reduce_sum3A_39 = tpu.scan <sum>, %parallel_loop3A_37#0 masked %reduce_sum3A_38 : vector<16xf32>, vector<16xi1> -> vector<16xf32>
    %reduce_sum3A_40 = vector.extract %reduce_sum3A_39[15] : f32 from vector<16xf32>
    %reduce_sum3A_41 = arith.constant true
    %reduce_sum3A_42 = vector.broadcast %reduce_sum3A_41 : i1 to vector<16xi1>
    %reduce_sum3A_43 = tpu.scan <sum>, %parallel_loop3A_37#1 masked %reduce_sum3A_42 : vector<16xf32>, vector<16xi1> -> vector<16xf32>
    %reduce_sum3A_44 = vector.extract %reduce_sum3A_43[15] : f32 from vector<16xf32>
    %reduce_sum3A_45 = arith.constant true
    %reduce_sum3A_46 = vector.broadcast %reduce_sum3A_45 : i1 to vector<16xi1>
    %reduce_sum3A_47 = tpu.scan <sum>, %parallel_loop3A_37#2 masked %reduce_sum3A_46 : vector<16xf32>, vector<16xi1> -> vector<16xf32>
    %reduce_sum3A_48 = vector.extract %reduce_sum3A_47[15] : f32 from vector<16xf32>
    %convert_element_type3A = arith.fptosi %reduce_sum3A_44 : f32 to i32
    %mul3A_49 = arith.constant 3 : i32
    %mul3A_50 = arith.muli %mul3A_49, %convert_element_type3A : i32
    %sub3A = arith.constant 8732 : i32
    %sub3A_51 = arith.subi %sub3A, %convert_element_type3A : i32
    %min3A = arith.minsi %mul3A_50, %sub3A_51 : i32
    %convert_element_type3A_52 = arith.sitofp %min3A : i32 to f32
    %scan3A_53 = arith.constant -2147483648 : i32
    %scan3A_54 = arith.constant 1 : i32
    %scan3A_55 = arith.constant 31 : i32
    %scan3A_56 = arith.addi %scan3A_54, %scan3A_55 : i32
    %scan3A_57 = arith.constant 1 : i32
    %scan3A_58 = scf.for %scan3A_101 = %scan3A_54 to %scan3A_56 step %scan3A_57 iter_args(%scan3A_102 = %scan3A_53) -> (i32)  : i32 {
      %sub3A_103 = arith.constant 31 : i32
      %sub3A_104 = arith.subi %sub3A_103, %scan3A_101 : i32
      %shift_left3A = arith.constant 1 : i32
      %shift_left3A_105 = arith.shli %shift_left3A, %sub3A_104 : i32
      %or3A = arith.ori %scan3A_102, %shift_left3A_105 : i32
      %broadcast_in_dim3A_106 = vector.broadcast %or3A : i32 to vector<16xi32>
      %parallel_loop3A_107 = arith.constant 0 : i32
      %parallel_loop3A_108 = arith.constant 546 : i32
      %parallel_loop3A_109 = arith.constant 1 : i32
      %parallel_loop3A_110 = scf.for %parallel_loop3A_116 = %parallel_loop3A_107 to %parallel_loop3A_108 step %parallel_loop3A_109 iter_args(%parallel_loop3A_117 = %broadcast_in_dim3A_1) -> (vector<16xf32>)  : i32 {
        %parallel_loop3A_118 = arith.constant 16 : i32
        %parallel_loop3A_119 = arith.muli %parallel_loop3A_116, %parallel_loop3A_118 : i32
        %parallel_loop3A_120 = arith.index_cast %parallel_loop3A_119 : i32 to index
        %parallel_loop3A_121 = tpu.vector_load %arg9[%parallel_loop3A_120] {strides = array<i32>} : memref<8736xi32, #tpu.memory_space<vmem>>, vector<16xi32>,
        %parallel_loop3A_122 = arith.cmpi uge, %parallel_loop3A_121, %broadcast_in_dim3A_106 : vector<16xi32>
        %parallel_loop3A_123 = arith.constant 1.000000e+00 : f32
        %parallel_loop3A_124 = arith.constant 0.000000e+00 : f32
        %parallel_loop3A_125 = vector.broadcast %parallel_loop3A_123 : f32 to vector<16xf32>
        %parallel_loop3A_126 = vector.broadcast %parallel_loop3A_124 : f32 to vector<16xf32>
        %parallel_loop3A_127 = arith.select %parallel_loop3A_122, %parallel_loop3A_125, %parallel_loop3A_126 : vector<16xi1>, vector<16xf32>
        %parallel_loop3A_128 = arith.addf %parallel_loop3A_117, %parallel_loop3A_127 : vector<16xf32>
        scf.yield %parallel_loop3A_128 : vector<16xf32>
      } {sc.loop_unroll_factor = 6 : i64, sc.parallel_access}
      %reduce_sum3A_111 = arith.constant true
      %reduce_sum3A_112 = vector.broadcast %reduce_sum3A_111 : i1 to vector<16xi1>
      %reduce_sum3A_113 = tpu.scan <sum>, %parallel_loop3A_110 masked %reduce_sum3A_112 : vector<16xf32>, vector<16xi1> -> vector<16xf32>
      %reduce_sum3A_114 = vector.extract %reduce_sum3A_113[15] : f32 from vector<16xf32>
      %ge3A = arith.cmpf oge, %reduce_sum3A_114, %convert_element_type3A_52 : f32
      %select_n3A_115 = arith.select %ge3A, %or3A, %scan3A_102 : i32
      scf.yield %select_n3A_115 : i32
    }
    %scan3A_59 = arith.constant 31 : i32
    %broadcast_in_dim3A_60 = vector.broadcast %scan3A_58 : i32 to vector<16xi32>
    %parallel_loop3A_61 = arith.constant 0 : i32
    %parallel_loop3A_62 = arith.constant 546 : i32
    %parallel_loop3A_63 = arith.constant 1 : i32
    %parallel_loop3A_64:2 = scf.for %parallel_loop3A_101 = %parallel_loop3A_61 to %parallel_loop3A_62 step %parallel_loop3A_63 iter_args(%parallel_loop3A_102 = %broadcast_in_dim3A_1, %parallel_loop3A_103 = %broadcast_in_dim3A_1) -> (vector<16xf32>, vector<16xf32>)  : i32 {
      %parallel_loop3A_104 = arith.constant 16 : i32
      %parallel_loop3A_105 = arith.muli %parallel_loop3A_101, %parallel_loop3A_104 : i32
      %parallel_loop3A_106 = arith.index_cast %parallel_loop3A_105 : i32 to index
      %parallel_loop3A_107 = tpu.vector_load %arg9[%parallel_loop3A_106] {strides = array<i32>} : memref<8736xi32, #tpu.memory_space<vmem>>, vector<16xi32>,
      %parallel_loop3A_108 = arith.cmpi ugt, %parallel_loop3A_107, %broadcast_in_dim3A_60 : vector<16xi32>
      %parallel_loop3A_109 = arith.constant 1.000000e+00 : f32
      %parallel_loop3A_110 = arith.constant 0.000000e+00 : f32
      %parallel_loop3A_111 = vector.broadcast %parallel_loop3A_109 : f32 to vector<16xf32>
      %parallel_loop3A_112 = vector.broadcast %parallel_loop3A_110 : f32 to vector<16xf32>
      %parallel_loop3A_113 = arith.select %parallel_loop3A_108, %parallel_loop3A_111, %parallel_loop3A_112 : vector<16xi1>, vector<16xf32>
      %parallel_loop3A_114 = arith.addf %parallel_loop3A_102, %parallel_loop3A_113 : vector<16xf32>
      %parallel_loop3A_115 = arith.constant 31 : i32
      %parallel_loop3A_116 = vector.broadcast %parallel_loop3A_115 : i32 to vector<16xi32>
      %parallel_loop3A_117 = arith.shrui %parallel_loop3A_107, %parallel_loop3A_116 : vector<16xi32>
      %parallel_loop3A_118 = arith.constant 0 : i32
      %parallel_loop3A_119 = vector.broadcast %parallel_loop3A_118 : i32 to vector<16xi32>
      %parallel_loop3A_120 = arith.cmpi ugt, %parallel_loop3A_117, %parallel_loop3A_119 : vector<16xi32>
      %parallel_loop3A_121 = arith.constant -2147483648 : i32
      %parallel_loop3A_122 = vector.broadcast %parallel_loop3A_121 : i32 to vector<16xi32>
      %parallel_loop3A_123 = arith.xori %parallel_loop3A_107, %parallel_loop3A_122 : vector<16xi32>
      %parallel_loop3A_124 = arith.constant dense<-1> : vector<16xi32>
      %parallel_loop3A_125 = arith.xori %parallel_loop3A_107, %parallel_loop3A_124 : vector<16xi32>
      %parallel_loop3A_126 = arith.select %parallel_loop3A_120, %parallel_loop3A_123, %parallel_loop3A_125 : vector<16xi1>, vector<16xi32>
      %parallel_loop3A_127 = tpu.bitcast %parallel_loop3A_126 : vector<16xi32> -> vector<16xf32>
      %parallel_loop3A_128 = arith.constant 0.000000e+00 : f32
      %parallel_loop3A_129 = vector.broadcast %parallel_loop3A_128 : f32 to vector<16xf32>
      %parallel_loop3A_130 = arith.select %parallel_loop3A_108, %parallel_loop3A_127, %parallel_loop3A_129 : vector<16xi1>, vector<16xf32>
      %parallel_loop3A_131 = arith.addf %parallel_loop3A_103, %parallel_loop3A_130 : vector<16xf32>
      scf.yield %parallel_loop3A_114, %parallel_loop3A_131 : vector<16xf32>, vector<16xf32>
    } {sc.loop_unroll_factor = 6 : i64, sc.parallel_access}
    %reduce_sum3A_65 = arith.constant true
    %reduce_sum3A_66 = vector.broadcast %reduce_sum3A_65 : i1 to vector<16xi1>
    %reduce_sum3A_67 = tpu.scan <sum>, %parallel_loop3A_64#0 masked %reduce_sum3A_66 : vector<16xf32>, vector<16xi1> -> vector<16xf32>
    %reduce_sum3A_68 = vector.extract %reduce_sum3A_67[15] : f32 from vector<16xf32>
    %reduce_sum3A_69 = arith.constant true
    %reduce_sum3A_70 = vector.broadcast %reduce_sum3A_69 : i1 to vector<16xi1>
    %reduce_sum3A_71 = tpu.scan <sum>, %parallel_loop3A_64#1 masked %reduce_sum3A_70 : vector<16xf32>, vector<16xi1> -> vector<16xf32>
    %reduce_sum3A_72 = vector.extract %reduce_sum3A_71[15] : f32 from vector<16xf32>
    %gt3A = arith.constant 0 : i32
    %gt3A_73 = arith.cmpi sgt, %min3A, %gt3A : i32
    %sub3A_74 = arith.subf %convert_element_type3A_52, %reduce_sum3A_68 : f32
    %shift_right_logical3A = arith.constant 31 : i32
    %shift_right_logical3A_75 = arith.shrui %scan3A_58, %shift_right_logical3A : i32
    %gt3A_76 = arith.constant 0 : i32
    %gt3A_77 = arith.cmpi ugt, %shift_right_logical3A_75, %gt3A_76 : i32
    %xor3A = arith.constant -2147483648 : i32
    %xor3A_78 = arith.xori %scan3A_58, %xor3A : i32
    %not3A = arith.constant -1 : i32
    %not3A_79 = arith.xori %scan3A_58, %not3A : i32
    %select_n3A = arith.select %gt3A_77, %xor3A_78, %not3A_79 : i32
    %bitcast_convert_type3A = arith.bitcast %select_n3A : i32 to f32
    %mul3A_80 = arith.mulf %sub3A_74, %bitcast_convert_type3A : f32
    %add3A_81 = arith.addf %reduce_sum3A_72, %mul3A_80 : f32
    %jit3A = arith.constant 0.000000e+00 : f32
    %select_n3A_82 = arith.select %gt3A_73, %add3A_81, %jit3A : f32
    %add3A_83 = arith.addf %reduce_sum3A_40, %select_n3A_82 : f32
    %mul3A_84 = arith.constant 1.000000e+00 : f32
    %mul3A_85 = arith.mulf %mul3A_84, %reduce_sum3A_48 : f32
    %add3A_86 = arith.addf %add3A_83, %mul3A_85 : f32
    %eq3A = arith.constant 0 : i32
    %eq3A_87 = vector.broadcast %eq3A : i32 to vector<16xi32>
    %eq3A_88 = arith.cmpi eq, %iota3A, %eq3A_87 : vector<16xi32>
    %eq3A_89 = arith.constant 1 : i32
    %eq3A_90 = vector.broadcast %eq3A_89 : i32 to vector<16xi32>
    %eq3A_91 = arith.cmpi eq, %iota3A, %eq3A_90 : vector<16xi32>
    %jit3A_92 = arith.constant 0.000000e+00 : f32
    %broadcast_in_dim3A_93 = vector.broadcast %reduce_sum3A_44 : f32 to vector<16xf32>
    %broadcast_in_dim3A_94 = vector.broadcast %jit3A_92 : f32 to vector<16xf32>
    %select_n3A_95 = arith.select %eq3A_91, %broadcast_in_dim3A_93, %broadcast_in_dim3A_94 : vector<16xi1>, vector<16xf32>
    %broadcast_in_dim3A_96 = vector.broadcast %add3A_86 : f32 to vector<16xf32>
    %select_n3A_97 = arith.select %eq3A_88, %broadcast_in_dim3A_96, %select_n3A_95 : vector<16xi1>, vector<16xf32>
    %swap3A = arith.constant 0 : index
    %swap3A_98 = tpu.vector_load %arg10[%swap3A] {strides = array<i32>} : memref<16xf32, #tpu.memory_space<vmem>>, vector<16xf32>,
    tpu.vector_store %arg10[%swap3A], %select_n3A_97 {strides = array<i32>} : memref<16xf32, #tpu.memory_space<vmem>>, vector<16xf32>,
    %mul3A_99 = arith.constant 16 : i32
    %mul3A_100 = arith.muli %add3A, %mul3A_99 : i32
    "tpu.region"() ({
      %run_scoped3A = tpu.sem_alloc : memref<!tpu.dma_semaphore, #tpu.memory_space<semaphore_mem>>
      %dma_start3A_101 = tpu.memref_slice %arg5[%mul3A_100] : memref<512xf32, #tpu.memory_space<hbm>> -> memref<16xf32, #tpu.memory_space<hbm>>
      %dma_start3A_102 = tpu.memref_slice %arg5[%mul3A_100] : memref<512xf32, #tpu.memory_space<hbm>> -> memref<16xf32, #tpu.memory_space<hbm>>
      tpu.enqueue_dma source(%arg10 : memref<16xf32, #tpu.memory_space<vmem>>) target(%dma_start3A_102 : memref<16xf32, #tpu.memory_space<hbm>>) target_semaphore(%run_scoped3A : memref<!tpu.dma_semaphore, #tpu.memory_space<semaphore_mem>>)
      %dma_wait3A_103 = tpu.memref_slice %arg5[%mul3A_100] : memref<512xf32, #tpu.memory_space<hbm>> -> memref<16xf32, #tpu.memory_space<hbm>>
      %dma_wait3A_104 = tpu.memref_slice %arg5[%mul3A_100] : memref<512xf32, #tpu.memory_space<hbm>> -> memref<16xf32, #tpu.memory_space<hbm>>
      tpu.wait_dma2 semaphore(%run_scoped3A : memref<!tpu.dma_semaphore, #tpu.memory_space<semaphore_mem>>) src(%arg10 : memref<16xf32, #tpu.memory_space<vmem>>) dst(%dma_wait3A_104 : memref<16xf32, #tpu.memory_space<hbm>>)
      tpu.yield
    }) : () -> ()
    return
  }
}

module attributes {stable_mosaic.version = 14 : i64} {
  func.func @_tc_combine_body(%arg0: memref<32x16xf32, #tpu.memory_space<vmem>>, %arg1: memref<1x1xf32, #tpu.memory_space<vmem>>) attributes {dimension_semantics = [], scalar_prefetch = 0 : i64, scratch_operands = 0 : i64, tpu.core_type = #tpu.core_type<tc>} {
    %get3A = arith.constant 0 : index
    %get3A_0 = arith.constant 0 : index
    %get3A_1 = vector.load %arg0[%get3A, %get3A_0] : memref<32x16xf32, #tpu.memory_space<vmem>>, vector<32x1xf32>
    %reduce_sum3A = vector.shape_cast %get3A_1 : vector<32x1xf32> to vector<1x32x1xf32>
    %reduce_sum3A_2 = arith.constant dense<0.000000e+00> : vector<1xf32>
    %reduce_sum3A_3 = vector.multi_reduction <add>, %reduce_sum3A, %reduce_sum3A_2 [1, 2] : vector<1x32x1xf32> to vector<1xf32>
    %reduce_sum3A_4 = vector.shape_cast %reduce_sum3A_3 : vector<1xf32> to vector<1x1x1xf32>
    %reduce_sum3A_5 = vector.extract %reduce_sum3A_4[0, 0, 0] : f32 from vector<1x1x1xf32>
    %broadcast_in_dim3A = vector.broadcast %reduce_sum3A_5 : f32 to vector<1x1xf32>
    %get3A_6 = arith.constant 0 : index
    %get3A_7 = arith.constant 1 : index
    %get3A_8 = vector.load %arg0[%get3A_6, %get3A_7] : memref<32x16xf32, #tpu.memory_space<vmem>>, vector<32x1xf32>
    %reduce_sum3A_9 = vector.shape_cast %get3A_8 : vector<32x1xf32> to vector<1x32x1xf32>
    %reduce_sum3A_10 = arith.constant dense<0.000000e+00> : vector<1xf32>
    %reduce_sum3A_11 = vector.multi_reduction <add>, %reduce_sum3A_9, %reduce_sum3A_10 [1, 2] : vector<1x32x1xf32> to vector<1xf32>
    %reduce_sum3A_12 = vector.shape_cast %reduce_sum3A_11 : vector<1xf32> to vector<1x1x1xf32>
    %reduce_sum3A_13 = vector.extract %reduce_sum3A_12[0, 0, 0] : f32 from vector<1x1x1xf32>
    %broadcast_in_dim3A_14 = vector.broadcast %reduce_sum3A_13 : f32 to vector<1x1xf32>
    %eq3A = arith.constant 0.000000e+00 : f32
    %eq3A_15 = vector.broadcast %eq3A : f32 to vector<1x1xf32>
    %eq3A_16 = arith.cmpf oeq, %broadcast_in_dim3A_14, %eq3A_15 : vector<1x1xf32>
    %max3A = arith.constant 1.000000e+00 : f32
    %max3A_17 = vector.broadcast %max3A : f32 to vector<1x1xf32>
    %max3A_18 = arith.maximumf %broadcast_in_dim3A_14, %max3A_17 : vector<1x1xf32>
    %div3A = arith.divf %broadcast_in_dim3A, %max3A_18 : vector<1x1xf32>
    %jit3A = arith.constant 0.000000e+00 : f32
    %broadcast_in_dim3A_19 = vector.broadcast %jit3A : f32 to vector<1x1xf32>
    %select_n3A = arith.select %eq3A_16, %broadcast_in_dim3A_19, %div3A : vector<1x1xi1>, vector<1x1xf32>
    %swap3A = arith.constant 0 : index
    %swap3A_20 = arith.constant 0 : index
    %swap3A_21 = vector.load %arg1[%swap3A, %swap3A_20] : memref<1x1xf32, #tpu.memory_space<vmem>>, vector<1x1xf32>
    tpu.vector_store %arg1[%swap3A, %swap3A_20], %select_n3A {strides = array<i32>} : memref<1x1xf32, #tpu.memory_space<vmem>>, vector<1x1xf32>,
    return
  }
}

</mosaic_0001>

<sc_bundles>
// kernel: kernel.4.cloned.1.call-start
scs
__scs_entry_jumppad:
0x0: {  	(pc) =	sbr.rel $0x88, $3  }
0x1: {  	(tag) =	ssettag $0x0;
	lr =	simm.s32 $0x1  }
0x2: {  	[smem:$0x3F9E] =	sst lr;
	_ =	strace $0xD0000000  }
0x3: {  	_ = 	snop  }
0x4: {  	_ = 	snop  }
0x5: {  	_ = 	snop  }
0x6: {  	_ = 	snop  }
0x7: {  	_ = 	snop  }
__scs_overlays_trampoline_lowered:
0x8: {  	[smem:$0x3FAD] =	sst s0  }
0x9: {  	[smem:$0x3FAE] =	sst s1  }
0xa: {  	[smem:$0x3FAF] =	sst s2  }
0xb: {  	[smem:$0x3FB0] =	sst s3  }
0xc: {  	[smem:$0x3FB1] =	sst s4  }
0xd: {  	[smem:$0x3FB2] =	sst s5  }
0xe: {  	[smem:$0x3FB3] =	sst s6  }
0xf: {  	[smem:$0x3FB4] =	sst s7  }
0x10: {  	[smem:$0x3FB5] =	sst s8  }
0x11: {  	[smem:$0x3FB6] =	sst s9;
	s0 =	simm.s32 @!p0 $0x0  }
0x12: {  	s1 =	sld [smem:$0x3F9C];
	s0 =	simm.s32 @p0 $0x1  }
0x13: {  	[smem:$0x3FB7] =	sst s0;
	s0 =	simm.s32 @!p1 $0x0  }
0x14: {  	s2 =	sld [smem:$0x3F9B];
	s0 =	simm.s32 @p1 $0x1  }
0x15: {  	[smem:$0x3FB8] =	sst s0;
	s0 =	simm.s32 @!p2 $0x0  }
0x16: {  	s3 =	sld [smem:$0x3FDB];
	s0 =	simm.s32 @p2 $0x1  }
0x17: {  	s4 =	simm.s32 $0x1BF5;
	[smem:$0x3FBA] =	sst s0  }
0x18: {  	s0 =	sld [smem:$0x3F9D];
	_ =	swait.ge [sflag:s4], $0x0  }
0x19: {  	s7 =	sld [smem:$0x3F9E]  }
0x1a: {  	s8 =	sadd.s32 $0xFFFFE003, lr  }
0x1b: {  	s9 =	sadd.s32 $0xFFFFFEF7, lr;
	s5 =	simm.s32 $0xFFFFFFFF;
	p2 =	slt.u32 s8, $0xFFFFF086  }
0x1c: {  	p1 =	slt.u32 s9, $0xF7A;
	s5 =	simm.s32 @!p2 $0x0  }
0x1d: {  	s5 =	simm.s32 @p1 $0x1;
	p0 =	seq.s32 s7, s2  }
0x1e: {  	s7 =	smul.u32 @!p0 $0xF7A, s2;
	p2 =	seq.s32 @!p0 s5, $0x0  }
0x1f: {  	s9 =	smul.u32 $0xF7A, s1;
	s8 =	simm.s32 @!p0 $0x1BF5;
	p2 =	por !p2, p0  }
0x20: {  	[sflag:s8] =	ssyncset.s32 @!p0 $0xFFFFF086;
	s6 =	sadd.s32 @!p0 s3, s7;
	s7 =	simm.s32 @!p0 $0x108  }
0x21: {  	s3 =	sadd.s32 s3, s9;
	s6 =	sadd.s32 @!p0 $0x88, s6;
	s7 =	simm.s32 @p2 $0x1082  }
0x22: {  	[simem:s7], [sflag:s8] =	dma.local @!p0 [hbm:s6], $0xF7A  }
0x23: {  	s9 =	sor.u32 $0xD0000000, s2;
	s6 =	simm.s32 $0x108;
	_ =	swait.ge @!p0 [sflag:s8], $0x0  }
0x24: {  	s3 =	sadd.s32 $0x88, s3;
	s6 =	simm.s32 @!p1 $0x1082;
	[sflag:s4] =	ssyncset.s32 $0xFFFFF086  }
0x25: {  	[simem:s6], [sflag:s4] =	dma.local [hbm:s3], $0xF7A  }
0x26: {  	[smem:$0x3F9E] =	sst s1;
	(tag) =	ssettag s2;
	_ =	strace s9  }
0x27: {  	s1 =	sld [smem:$0x3FAE]  }
0x28: {  	s2 =	sld [smem:$0x3FAF]  }
0x29: {  	s4 =	sld [smem:$0x3FB1]  }
0x2a: {  	p0 =	seq.s32 s5, $0x0;
	s5 =	sld [smem:$0x3FB2]  }
0x2b: {  	s6 =	sld [smem:$0x3FB3]  }
0x2c: {  	s7 =	sld [smem:$0x3FB4]  }
0x2d: {  	s3 =	simm.s32 $0x108;
	s8 =	sld [smem:$0x3FB5]  }
0x2e: {  	s3 =	simm.s32 @!p0 $0x1082;
	s9 =	sld [smem:$0x3FB6]  }
0x2f: {  	lr =	sadd.s32 s0, s3;
	s0 =	sld [smem:$0x3FAD]  }
0x30: {  	s3 =	sld [smem:$0x3FB0]  }
0x31: {  	[smem:$0x3FB9] =	sst s10  }
0x32: {  	s10 =	sld [smem:$0x3FB7];
	_ =	sdelay $0x3  }
0x33: {  	p0 =	seq.s32 s10, $0x1;
	s10 =	sld [smem:$0x3FB9];
	_ =	sdelay $0x3  }
0x34: {  	[smem:$0x3FB9] =	sst s10  }
0x35: {  	s10 =	sld [smem:$0x3FB8];
	_ =	sdelay $0x3  }
0x36: {  	p1 =	seq.s32 s10, $0x1;
	s10 =	sld [smem:$0x3FB9];
	_ =	sdelay $0x3  }
0x37: {  	[smem:$0x3FB9] =	sst s10  }
0x38: {  	s10 =	sld [smem:$0x3FBA]  }
0x39: {  	_ = 	snop;
	(pc) =	sbr.ind lr, $3  }
0x3a: {  	_ = 	snop  }
0x3b: {  	_ = 	snop  }
0x3c: {  	p2 =	seq.s32 s10, $0x1;
	s10 =	sld [smem:$0x3FB9]  }
0x3d: {  	_ =	shalt  }
0x3e: {  	_ =	shalt  }
0x3f: {  	_ =	shalt  }
0x40: {  	_ =	shalt  }
0x41: {  	_ =	shalt  }
0x42: {  	_ =	shalt  }
0x43: {  	_ =	shalt  }
0x44: {  	_ =	shalt  }
0x45: {  	_ =	shalt  }
0x46: {  	_ =	shalt  }
0x47: {  	_ =	shalt  }
0x48: {  	_ =	shalt  }
0x49: {  	_ =	shalt  }
0x4a: {  	_ =	shalt  }
0x4b: {  	_ =	shalt  }
0x4c: {  	_ =	shalt  }
0x4d: {  	_ =	shalt  }
0x4e: {  	_ =	shalt  }
0x4f: {  	_ =	shalt  }
0x50: {  	_ =	shalt  }
0x51: {  	_ =	shalt  }
0x52: {  	_ =	shalt  }
0x53: {  	_ =	shalt  }
0x54: {  	_ =	shalt  }
0x55: {  	_ =	shalt  }
0x56: {  	_ =	shalt  }
0x57: {  	_ =	shalt  }
0x58: {  	_ =	shalt  }
0x59: {  	_ =	shalt  }
0x5a: {  	_ =	shalt  }
0x5b: {  	_ =	shalt  }
0x5c: {  	_ =	shalt  }
0x5d: {  	_ =	shalt  }
0x5e: {  	_ =	shalt  }
0x5f: {  	_ =	shalt  }
0x60: {  	_ =	shalt  }
0x61: {  	_ =	shalt  }
0x62: {  	_ =	shalt  }
0x63: {  	_ =	shalt  }
0x64: {  	_ =	shalt  }
0x65: {  	_ =	shalt  }
0x66: {  	_ =	shalt  }
0x67: {  	_ =	shalt  }
0x68: {  	_ =	shalt  }
0x69: {  	_ =	shalt  }
0x6a: {  	_ =	shalt  }
0x6b: {  	_ =	shalt  }
0x6c: {  	_ =	shalt  }
0x6d: {  	_ =	shalt  }
0x6e: {  	_ =	shalt  }
0x6f: {  	_ =	shalt  }
0x70: {  	_ =	shalt  }
0x71: {  	_ =	shalt  }
0x72: {  	_ =	shalt  }
0x73: {  	_ =	shalt  }
0x74: {  	_ =	shalt  }
0x75: {  	_ =	shalt  }
0x76: {  	_ =	shalt  }
0x77: {  	_ =	shalt  }
0x78: {  	_ =	shalt  }
0x79: {  	_ =	shalt  }
0x7a: {  	_ =	shalt  }
0x7b: {  	_ =	shalt  }
0x7c: {  	_ =	shalt  }
0x7d: {  	_ =	shalt  }
0x7e: {  	_ =	shalt  }
0x7f: {  	_ =	shalt  }
0x80: {  	_ =	shalt  }
0x81: {  	_ =	shalt  }
0x82: {  	_ =	shalt  }
0x83: {  	_ =	shalt  }
0x84: {  	_ =	shalt  }
0x85: {  	_ =	shalt  }
0x86: {  	_ =	shalt  }
0x87: {  	_ =	shalt  }
.Lfunc_end0:
.L_simem_size_0:
called_computation_lowered:
.L_overlay_start_0:
0x88: {  	s2 =	sld [smem:$0x3FD9]  }
0x89: {  	s3 =	sld [smem:$0x3FFE];
	_ =	sdelay $0x1  }
0x8a: {  	s1 =	srdreg.scid  }
0x8b: {  	s0 =	sand.u32 $0x1, s1  }
0x8c: {  	s16 =	sshll.u32 s0, $0xA;
	s2 =	sadd.s32 s3, s2  }
0x8d: {  	s2 =	sadd.s32 s2, s16  }
0x8e: {  	[smem:$0x3FC5] =	sst s2  }
0x8f: {  	_ = 	snop  }
0x90: {  	(tm) =	ssettm $0x1  }
0x91: {  	s17 =	sld [smem:$0x3FFB];
	_ =	sdelay $0x3  }
0x92: {  	_ =	strace s17  }
0x93: {  	s2 =	sld [smem:$0x3FFC];
	_ =	sdelay $0x3  }
0x94: {  	_ =	strace s2  }
0x95: {  	s2 =	sld [smem:$0x3FFD];
	_ =	sdelay $0x3  }
0x96: {  	_ =	strace s2  }
0x97: {  	_ =	strace $0x8FFFFFFF  }
0x98: {  	s18 =	sld [smem:$0x3FDB];
	_ =	sdelay $0x1  }
0x99: {  	s19 =	simm.s32 $_scs_section_size  }
0x9a: {  	s4 =	simm.s32 $_size__tile_overlayer_lowered;
	s5 =	simm.s32 $_tile_overlayer_lowered  }
0x9b: {  	s22 =	simm.s32 $0x1BFF;
	s21 =	sshll.u32 s5, $0x1;
	s2 =	sadd.s32 s19, s18  }
0x9c: {  	s6 =	simm.s32 $0x0;
	s20 =	sshll.u32 s4, $0x1;
	s4 =	sadd.s32 s21, s2  }
0x9d: {  	[timem:s6], [sflag:s22] =	dma.local [hbm:s4], s20  }
0x9e: {  	_ =	swait.ge [sflag:s22], s20  }
0x9f: {  	s3 =	ssub.s32 $0x0, s20;
	[sflag:s22] =	ssyncset.done $0x0  }
0xa0: {  	[sflag:s22] =	ssyncadd.s32 s3;
	_ =	sdelay $0x1  }
0xa1: {  	s23 =	simm.s32 $0x1B8B  }
0xa2: {  	_ =	swait.ge [sflag:s23], $0x1  }
0xa3: {  	[sflag:s23] =	ssyncset.done $0x0  }
0xa4: {  	s25 =	simm.s32 $0x1B8E;
	s24 =	sld [smem:$0x3FFE];
	[sflag:s23] =	ssyncadd.s32 $0xFFFFFFFF  }
0xa5: {  	s26 =	simm.s32 $execute0_lowered;
	[smem:$0x3FD2] =	sst s25  }
0xa6: {  	s4 =	sshll.u32 s26, $0x1;
	_ =	strace $0x80000046;
	[dreg:$0x1] =	wrdreg $0xFFFFFFFF  }
0xa7: {  	s28 =	simm.s32 $_size_execute0_lowered;
	s2 =	sadd.s32 s2, s4;
	[dreg:$0x0] =	wrdreg $0x0  }
0xa8: {  	s4 =	sshll.u32 s28, $0x1;
	[dreg:$0x2] =	wrdreg s2  }
0xa9: {  	[dreg:$0x3] =	wrdreg s4  }
0xaa: {  	[dreg:$0x4] =	wrdreg $0xC0  }
0xab: {  	_ =	task [dreg:s6], $0x5FFFF  }
0xac: {  	[dreg:$0x1] =	wrdreg $0xFFFFFFFF  }
0xad: {  	[dreg:$0x0] =	wrdreg $0x60  }
0xae: {  	[dreg:$0x2] =	wrdreg s24  }
0xaf: {  	[dreg:$0x3] =	wrdreg $0x9  }
0xb0: {  	_ =	task.clear_ibuf [dreg:s6], $0x4FFFF;
	_ =	strace $0x90000046  }
0xb1: {  	s29 =	simm.s32 $0x9;
	_ =	strace $0x80000048  }
0xb2: {  	_ =	swait.ge [sflag:s29], $0x1  }
0xb3: {  	[sflag:s29] =	ssyncadd.s32 $0xFFFFFFFF  }
0xb4: {  	_ =	strace $0x90000048  }
0xb5: {  	_ =	sfence  }
0xb6: {  	s30 =	sld [smem:$0x0];
	_ =	sdelay $0x2  }
0xb7: {  	s31 =	sshll.u32 s1, $0xD;
	s1 =	sshrl.u32 s1, $0x2  }
0xb8: {  	s3 =	sand.u32 $0x4000, s31;
	s1 =	sadd.s32 s1, s30  }
0xb9: {  	s0 =	sor.u32 s3, s0;
	s1 =	sshll.u32 s1, $0x11  }
0xba: {  	s0 =	sor.u32 s1, s0  }
0xbb: {  	s0 =	sadd.s32 $0x8F2B, s0  }
0xbc: {  	[sflag:s0] =	ssyncadd.remote.s32 $0x1  }
0xbd: {  	_ =	sfence.sel $0xFFFF  }
0xbe: {  	[dreg:$0x0] =	wrdreg $0xFFFFFFFF;
	(pc) =	sbr.abs _section_cstart, $3  }
0xbf: {  	[dreg:$0x1] =	wrdreg $0xFFFFFFFF  }
0xc0: {  	_ =	task.clear_ibuf [dreg:s6], $0x2FFFF;
	_ =	strace $0x9FFFFFFF  }
0xc1: {  	(tm) =	ssettm $0x7FFFFFFF  }
tec
execute0_lowered:
.L_overlay_start_1:
0x0: {  	(tag) =	ssettag $0x1  }
0x1: {  	s1 =	srdreg.scid;
	s0 =	stileid.u32  }
0x2: {  	s8 =	rddreg [dreg:$0x0];
	s6 =	sand.u32 $0x1, s1;
	s31 =	sshll.u32 s0, $0x1  }
0x3: {  	s3 =	simm.s32 $0x0;
	s15 =	simm.s32 $0x80000000;
	s7 =	sor.u32 s6, s31  }
0x4: {  	s16 =	simm.s32 $0xCD80;
	s1 =	rddreg [dreg:$0x1];
	s2 =	smul.u32 $0x6, s7  }
0x5: {  	s17 =	simm.s32 $0x2;
	s18 =	simm.s32 $0x0;
	[smem:$0x7FF] =	sst s3  }
0x6: {  	s4 =	sadd.s32 $0xD8C00, s8;
	s5 =	sadd.s32 $0xC00, s8;
	s9 =	sadd.s32 $0x5, s2  }
0x7: {  	_ =	strace $0x80000047;
	s11 =	ssub.s32 $0x2, s6;
	s10 =	smul.u32 $0xEEE, s9  }
0x8: {  	s6 =	sadd.s32 $0x2B800, s8;
	s13 =	sshrl.u32 s11, $0x1;
	s12 =	smul.u32 $0x38E, s9  }
0x9: {  	s7 =	sshll.u32 s7, $0x1;
	s11 =	ssub.s32 s11, s13;
	s9 =	smul.u32 $0x2D8, s9  }
0xa: {  	s14 =	sadd.s32 s7, s8;
	s13 =	simm.s32 $0x9400;
	s11 =	smax.u32 s11, $0x1  }
0xb: {  	s7 =	sadd.s32 s4, s10;
	s8 =	sadd.s32 s5, s12;
	s9 =	sadd.s32 s6, s9  }
0xc: {  	vm0 =	vcmask $0x3F30;
	vm1 =	vcmask $0x2F00;
	vm2 =	vcmask $0x704;
	s10 =	sadd.s32 $0x4DA00, s14;
	s12 =	simm.s32 $0x7780;
	s14 =	simm.s32 $0x1  }
.LBB2_1:
0xd: {  	s19 =	simm.s32 $0xAB00;
	v42 =	vimm.f32 $0.0e+00;
	v43 =	vimm.f32 $0.0e+00;
	v45 =	vimm.f32 $0.0e+00;
	s20 =	simm.s32 $0x0  }
.LBB2_2:
0xe: {  	s21 =	sadd.s32 s2, s20  }
0xf: {  	s22 =	smul.u32 $0xEEE, s21;
	_ =	sdelay $0x1  }
0x10: {  	[tilespmem:$0x1FF30] =	vst v45;
	s23 =	simm.s32 $0x0;
	s24 =	smul.u32 $0x38E, s21;
	s22 =	sadd.s32 s4, s22  }
0x11: {  	[tilespmem:s23], [sflag:$0x1] =	stream.linear.gather [hbm4b:s22+s23], $0x7770, $0x38;
	[tilespmem:$0xCE00] =	vst v63  }
0x12: {  	[tilespmem:$0x1FF40] =	vst v43;
	s21 =	smul.u32 $0x2D8, s21;
	s30 =	sadd.s32 s5, s24  }
0x13: {  	[tilespmem:s12], [sflag:$0x1] =	stream.linear.gather [hbm4b:s30+s23], $0x1C70, $0x38;
	[tilespmem:$0xCE00] =	vst v63  }
0x14: {  	[tilespmem:$0x1FF50] =	vst v42;
	s21 =	sadd.s32 s6, s21  }
0x15: {  	[tilespmem:s13], [sflag:$0x1] =	stream.linear.gather [hbm4b:s21+s23], $0x16C0, $0x38;
	[tilespmem:$0xCE00] =	vst v63  }
0x16: {  	_ =	swait.ge [sflag:s14], $0x7770  }
0x17: {  	[sflag:s14] =	ssyncset.done $0x0  }
0x18: {  	[sflag:s14] =	ssyncadd.s32 $0xFFFF8890  }
0x19: {  	_ =	swait.ge [sflag:s14], $0x1C70  }
0x1a: {  	[sflag:s14] =	ssyncset.done $0x0  }
0x1b: {  	[sflag:s14] =	ssyncadd.s32 $0xFFFFE390  }
0x1c: {  	_ =	swait.ge [sflag:s14], $0x16C0  }
0x1d: {  	[sflag:s14] =	ssyncset.done $0x0  }
0x1e: {  	s31 =	simm.s32 $0x0;
	[sflag:s14] =	ssyncadd.s32 $0xFFFFE940  }
0x1f: {  	v12 =	vld [tilespmem:s31+$0x71D0]  }
0x20: {  	v8 =	vld [tilespmem:s31+$0x6C20]  }
0x21: {  	v9 =	vld [tilespmem:s31+$0x6670]  }
0x22: {  	v7 =	vld [tilespmem:s31+$0x60C0]  }
0x23: {  	v16 =	vld [tilespmem:s31+$0x5B10]  }
0x24: {  	v30 =	vld [tilespmem:s31+$0x4FB0]  }
0x25: {  	v28 =	vld [tilespmem:s31+$0x4450]  }
0x26: {  	v25 =	vld [tilespmem:s31+$0x3EA0]  }
0x27: {  	v23 =	vld [tilespmem:s31+$0x38F0]  }
0x28: {  	v26 =	vld [tilespmem:s31+$0x3340]  }
0x29: {  	v18 =	vld [tilespmem:s31+$0x38E0]  }
0x2a: {  	v31 =	vld [tilespmem:s31+$0x2D90]  }
0x2b: {  	v53 =	vld [tilespmem:s31+$0x10]  }
0x2c: {  	v34 =	vld [tilespmem:s31+$0x5C0]  }
0x2d: {  	v6 =	vld [tilespmem:s31+$0x0]  }
0x2e: {  	v35 =	vld [tilespmem:s31+$0x5B0]  }
0x2f: {  	v36 =	vld [tilespmem:s31+$0xB70]  }
0x30: {  	v32 =	vld [tilespmem:s31+$0xB60]  }
0x31: {  	v37 =	vld [tilespmem:s31+$0x1120]  }
0x32: {  	v38 =	vld [tilespmem:s31+$0x1110]  }
0x33: {  	s26 =	simm.s32 $0x0;
	v39 =	vld [tilespmem:s31+$0x16D0]  }
0x34: {  	s29 =	sand.u32 $0x7E0, s26;
	v40 =	vld [tilespmem:s31+$0x16C0]  }
0x35: {  	v41 =	vld [tilespmem:s29+$0x1C80]  }
0x36: {  	v54 =	vld [tilespmem:s31+$0x2230]  }
0x37: {  	v55 =	vld [tilespmem:s31+$0x27E0];
	v10 =	vmax.f32 v53, v34  }
0x38: {  	v44 =	vld [tilespmem:s31+$0x1C70];
	v10 =	vmax.f32 v10, v36  }
0x39: {  	v33 =	vld [tilespmem:s31+$0x2220];
	v10 =	vmax.f32 v10, v37  }
0x3a: {  	v56 =	vld [tilespmem:s31+$0x27D0];
	v11 =	vmax.f32 v6, v35;
	v10 =	vmax.f32 v10, v39  }
0x3b: {  	v29 =	vld [tilespmem:s29+$0x2D80];
	v11 =	vmax.f32 v11, v32;
	v10 =	vmax.f32 v10, v41  }
0x3c: {  	v27 =	vld [tilespmem:s31+$0x3330];
	v11 =	vmax.f32 v11, v38;
	v10 =	vmax.f32 v10, v54  }
0x3d: {  	v46 =	vld [tilespmem:s29+$0x4A00];
	v11 =	vmax.f32 v11, v40;
	v10 =	vmax.f32 v10, v55  }
0x3e: {  	v47 =	vld [tilespmem:s31+$0x3E90];
	v11 =	vmax.f32 v11, v44;
	v10 =	vmax.f32 v10, v31  }
0x3f: {  	v48 =	vld [tilespmem:s31+$0x5560];
	v11 =	vmax.f32 v11, v33;
	v10 =	vmax.f32 v10, v26  }
0x40: {  	v49 =	vld [tilespmem:s31+$0x4440];
	v11 =	vmax.f32 v11, v56;
	v10 =	vmax.f32 v10, v23  }
0x41: {  	v24 =	vld [tilespmem:s31+$0x49F0];
	v11 =	vmax.f32 v11, v29;
	v10 =	vmax.f32 v10, v25  }
0x42: {  	v22 =	vld [tilespmem:s31+$0x4FA0];
	v11 =	vmax.f32 v11, v27;
	v10 =	vmax.f32 v10, v28  }
0x43: {  	v21 =	vld [tilespmem:s31+$0x5550];
	v11 =	vmax.f32 v11, v18;
	v10 =	vmax.f32 v10, v46  }
0x44: {  	v20 =	vld [tilespmem:s29+$0x5B00];
	v11 =	vmax.f32 v11, v47;
	v10 =	vmax.f32 v10, v30  }
0x45: {  	v19 =	vld [tilespmem:s31+$0x60B0];
	v11 =	vmax.f32 v11, v49;
	v10 =	vmax.f32 v10, v48  }
0x46: {  	v17 =	vld [tilespmem:s31+$0x6660];
	v11 =	vmax.f32 v11, v24;
	v10 =	vmax.f32 v10, v16  }
0x47: {  	v15 =	vld [tilespmem:s31+$0x6C10];
	v50 =	vmax.f32 v11, v22;
	v10 =	vmax.f32 v10, v7  }
0x48: {  	v50 =	vmax.f32 v50, v21;
	v10 =	vmax.f32 v10, v9  }
0x49: {  	v50 =	vmax.f32 v50, v20;
	v10 =	vmax.f32 v10, v8  }
0x4a: {  	v11 =	vld [tilespmem:s31+$0x71C0];
	v50 =	vmax.f32 v50, v19;
	v10 =	vmax.f32 v10, v12  }
0x4b: {  	v50 =	vmax.f32 v50, v17;
	v16 =	vsub.f32 v16, v10  }
0x4c: {  	v50 =	vmax.f32 v50, v15;
	v48 =	vsub.f32 v48, v10;
	v30 =	vsub.f32 v30, v10  }
0x4d: {  	v31 =	vsub.f32 v31, v10;
	v43 =	vsub.f32 v55, v10;
	v51 =	vmul.f32 $1.442695020e+00, v16  }
0x4e: {  	v57 =	vsub.f32 v53, v10;
	v48 =	vmul.f32 $1.442695020e+00, v48;
	v30 =	vmul.f32 $1.442695020e+00, v30  }
0x4f: {  	v16 =	vmax.f32 v50, v11;
	v31 =	vmul.f32 $1.442695020e+00, v31;
	(erf) = vpow2.f32 v51  }
0x50: {  	v43 =	vmul.f32 $1.442695020e+00, v43;
	v45 =	vsub.f32 v56, v16;
	(erf) = vpow2.f32 v48  }
0x51: {  	v58 =	vmul.f32 $1.442695020e+00, v57;
	v35 =	vsub.f32 v35, v16;
	(erf) = vpow2.f32 v30  }
0x52: {  	v45 =	vmul.f32 $1.442695020e+00, v45;
	v30 =	vsub.f32 v6, v16;
	(erf) = vpow2.f32 v31  }
0x53: {  	v35 =	vmul.f32 $1.442695020e+00, v35;
	v31 =	vsub.f32 v34, v10;
	(erf) = vpow2.f32 v43  }
0x54: {  	v59 =	vsub.f32 v41, v10;
	v30 =	vmul.f32 $1.442695020e+00, v30;
	(erf) = vpow2.f32 v45  }
0x55: {  	v42 =	vsub.f32 v54, v10;
	v31 =	vmul.f32 $1.442695020e+00, v31;
	(erf) = vpow2.f32 v58  }
0x56: {  	v34 =	vmul.f32 $1.442695020e+00, v59;
	(erf) = vpow2.f32 v30  }
0x57: {  	v42 =	vmul.f32 $1.442695020e+00, v42;
	v60 =	vsub.f32 v44, v16;
	(erf) = vpow2.f32 v31  }
0x58: {  	v39 =	vsub.f32 v39, v10;
	(erf) = vpow2.f32 v35;
	v30 =	vpop (erf)  }
0x59: {  	v61 =	vsub.f32 v40, v16;
	v62 =	vmul.f32 $1.442695020e+00, v60;
	(erf) = vpow2.f32 v42;
	v31 =	vpop (erf)  }
0x5a: {  	v37 =	vsub.f32 v37, v10;
	v39 =	vmul.f32 $1.442695020e+00, v39;
	(erf) = vpow2.f32 v34;
	v34 =	vpop (erf)  }
0x5b: {  	v38 =	vsub.f32 v38, v16;
	v35 =	vmul.f32 $1.442695020e+00, v61;
	(erf) = vpow2.f32 v62;
	v40 =	vpop (erf)  }
0x5c: {  	v36 =	vsub.f32 v36, v10;
	v37 =	vmul.f32 $1.442695020e+00, v37;
	(erf) = vpow2.f32 v39;
	v63 =	vpop (erf)  }
0x5d: {  	v38 =	vmul.f32 $1.442695020e+00, v38;
	(erf) = vpow2.f32 v35;
	v0 =	vpop (erf)  }
0x5e: {  	v36 =	vmul.f32 $1.442695020e+00, v36;
	v1 =	vpop (erf);
	(erf) = vpow2.f32 v37  }
0x5f: {  	v2 =	vpop (erf);
	(erf) = vpow2.f32 v38  }
0x60: {  	v3 =	vpop (erf);
	(erf) = vpow2.f32 v36  }
0x61: {  	v52 =	vpop (erf)  }
0x62: {  	v42 =	vpop (erf)  }
0x63: {  	v32 =	vsub.f32 v32, v16;
	v54 =	vpop (erf)  }
0x64: {  	v55 =	vpop (erf)  }
0x65: {  	v32 =	vmul.f32 $1.442695020e+00, v32;
	v56 =	vpop (erf)  }
0x66: {  	v46 =	vsub.f32 v46, v10;
	v41 =	vadd.f32 $0.0e+00, v1;
	v57 =	vpop (erf)  }
0x67: {  	v28 =	vsub.f32 v28, v10;
	v25 =	vsub.f32 v25, v10;
	(erf) = vpow2.f32 v32;
	v58 =	vpop (erf)  }
0x68: {  	v26 =	vsub.f32 v26, v10;
	v38 =	vadd.f32 v41, v3;
	v59 =	vpop (erf)  }
0x69: {  	v23 =	vsub.f32 v23, v10;
	v33 =	vsub.f32 v33, v16;
	v60 =	vpop (erf)  }
0x6a: {  	v46 =	vmul.f32 $1.442695020e+00, v46;
	v26 =	vmul.f32 $1.442695020e+00, v26;
	v38 =	vadd.f32 v38, v60  }
0x6b: {  	v49 =	vsub.f32 v49, v16;
	v47 =	vsub.f32 v47, v16;
	v33 =	vmul.f32 $1.442695020e+00, v33  }
0x6c: {  	v23 =	vmul.f32 $1.442695020e+00, v23;
	v29 =	vsub.f32 v29, v16;
	v32 =	vadd.f32 v38, v58  }
0x6d: {  	v27 =	vsub.f32 v27, v16;
	v61 =	vadd.f32 $0.0e+00, v2;
	(erf) = vpow2.f32 v33  }
0x6e: {  	(erf) = vpow2.f32 v26;
	v26 =	vmul.f32 $1.442695020e+00, v28;
	v28 =	vadd.f32 v32, v56  }
0x6f: {  	v49 =	vmul.f32 $1.442695020e+00, v49;
	v62 =	vadd.f32 v61, v52;
	(erf) = vpow2.f32 v46  }
0x70: {  	(erf) = vpow2.f32 v23;
	v23 =	vmul.f32 $1.442695020e+00, v25;
	v25 =	vpop (erf);
	v28 =	vadd.f32 v28, v54  }
0x71: {  	v18 =	vsub.f32 v18, v16;
	(erf) = vpow2.f32 v26;
	v25 =	vadd.f32 v62, v25  }
0x72: {  	v26 =	vmul.f32 $1.442695020e+00, v29;
	(erf) = vpow2.f32 v49;
	v28 =	vadd.f32 v28, v42  }
0x73: {  	(erf) = vpow2.f32 v23;
	v23 =	vadd.f32 v25, v59;
	v25 =	vmul.f32 $1.442695020e+00, v27  }
0x74: {  	(erf) = vpow2.f32 v26;
	v26 =	vmul.f32 $1.442695020e+00, v47;
	v27 =	vadd.f32 v28, v63  }
0x75: {  	v18 =	vmul.f32 $1.442695020e+00, v18  }
0x76: {  	v28 =	vpop (erf);
	v27 =	vadd.f32 v27, v40  }
0x77: {  	(erf) = vpow2.f32 v25;
	v25 =	vpop (erf)  }
0x78: {  	v23 =	vadd.f32 v23, v57;
	(erf) = vpow2.f32 v26;
	v26 =	vpop (erf);
	v25 =	vadd.f32 v27, v25  }
0x79: {  	v12 =	vsub.f32 v12, v10;
	(erf) = vpow2.f32 v18;
	v18 =	vpop (erf)  }
0x7a: {  	v9 =	vsub.f32 v9, v10;
	v23 =	vadd.f32 v23, v55;
	v27 =	vpop (erf)  }
0x7b: {  	s21 =	simm.s32 $0x20;
	v8 =	vsub.f32 v8, v10;
	v18 =	vadd.f32 v25, v18;
	v63 =	vpop (erf)  }
0x7c: {  	v5 =	vld [tilespmem:s21+$0x71D0];
	v7 =	vsub.f32 v7, v10;
	v12 =	vmul.f32 $1.442695020e+00, v12;
	v23 =	vadd.f32 v23, v28;
	v25 =	vpop (erf)  }
0x7d: {  	v9 =	vmul.f32 $1.442695020e+00, v9;
	v24 =	vsub.f32 v24, v16;
	v48 =	vld [tilespmem:s21+$0x4FB0];
	v18 =	vadd.f32 v18, v25  }
0x7e: {  	v7 =	vmul.f32 $1.442695020e+00, v7;
	v22 =	vsub.f32 v22, v16;
	v3 =	vld [tilespmem:s21+$0x4450];
	v23 =	vadd.f32 v23, v0  }
0x7f: {  	v8 =	vmul.f32 $1.442695020e+00, v8;
	v24 =	vmul.f32 $1.442695020e+00, v24;
	v41 =	vld [tilespmem:s31+$0x8E40];
	v18 =	vadd.f32 v18, v27  }
0x80: {  	v21 =	vsub.f32 v21, v16;
	v22 =	vmul.f32 $1.442695020e+00, v22;
	v40 =	vld [tilespmem:s31+$0x8E50];
	(erf) = vpow2.f32 v7;
	v25 =	vpop (erf)  }
0x81: {  	v20 =	vsub.f32 v20, v16;
	(erf) = vpow2.f32 v24;
	v7 =	vadd.f32 v23, v25;
	v25 =	vld [tilespmem:s21+$0x6C20]  }
0x82: {  	v19 =	vsub.f32 v19, v16;
	v23 =	vpop (erf);
	(erf) = vpow2.f32 v9;
	v27 =	vld [tilespmem:s21+$0x6670];
	v9 =	vadd.f32 v18, v26  }
0x83: {  	v21 =	vmul.f32 $1.442695020e+00, v21;
	(erf) = vpow2.f32 v22;
	v7 =	vadd.f32 v7, v23;
	v23 =	vld [tilespmem:s21+$0x5B10];
	[tilespmem:$0x1FFD0] =	vst v3;
	v18 =	vpop (erf)  }
0x84: {  	v20 =	vmul.f32 $1.442695020e+00, v20;
	(erf) = vpow2.f32 v8;
	v28 =	vld [tilespmem:s21+$0x3EA0];
	v8 =	vadd.f32 v9, v34;
	v22 =	vpop (erf)  }
0x85: {  	(erf) = vpow2.f32 v21;
	v9 =	vmul.f32 $1.442695020e+00, v19;
	v7 =	vadd.f32 v7, v22  }
0x86: {  	(erf) = vpow2.f32 v12;
	v19 =	vsub.f32 v17, v16;
	v8 =	vadd.f32 v8, v31  }
0x87: {  	(erf) = vpow2.f32 v20;
	v7 =	vadd.f32 v7, v18  }
0x88: {  	v15 =	vsub.f32 v15, v16;
	v12 =	vmul.f32 $1.442695020e+00, v19;
	v8 =	vadd.f32 v8, v30  }
0x89: {  	v11 =	vsub.f32 v11, v16;
	(erf) = vpow2.f32 v9;
	[tilespmem:$0x1FFE0] =	vst v28;
	v9 =	vpop (erf);
	v7 =	vadd.f32 v7, v63  }
0x8a: {  	v15 =	vmul.f32 $1.442695020e+00, v15;
	v0 =	vld [tilespmem:s21+$0x38E0];
	v18 =	vpop (erf);
	v8 =	vadd.f32 v8, v9  }
0x8b: {  	v11 =	vmul.f32 $1.442695020e+00, v11;
	(erf) = vpow2.f32 v12;
	v9 =	vpop (erf);
	v7 =	vadd.f32 v7, v18  }
0x8c: {  	v12 =	vpop (erf);
	v9 =	vadd.f32 v8, v9  }
0x8d: {  	v7 =	vadd.f32 v7, v12;
	v12 =	vpop (erf)  }
0x8e: {  	v33 =	vld [tilespmem:s21+$0x38F0];
	(erf) = vpow2.f32 v15;
	v15 =	vpop (erf);
	v9 =	vadd.f32 v9, v12  }
0x8f: {  	v32 =	vld [tilespmem:s21+$0x3340];
	[tilespmem:$0x1FFF0] =	vst v0;
	(erf) = vpow2.f32 v11;
	v18 =	vadd.f32 v7, v15;
	v11 =	vpop (erf)  }
0x90: {  	v2 =	vld [tilespmem:s21+$0x10];
	v12 =	vpop (erf)  }
0x91: {  	v17 =	vld [tilespmem:s21+$0x5C0];
	v11 =	vadd.f32 v9, v11;
	v12 =	vadd.f32 v18, v12  }
0x92: {  	v1 =	vld [tilespmem:s21+$0x0];
	v9 =	vpop (erf)  }
0x93: {  	v47 =	vld [tilespmem:s21+$0x5B0];
	v9 =	vadd.f32 v12, v9;
	v12 =	vand.u32 $0x7FFFFF, v11  }
0x94: {  	v45 =	vld [tilespmem:s21+$0xB70];
	v18 =	vpop (erf);
	v12 =	vor.u32 $0x3F800000, v12  }
0x95: {  	v44 =	vld [tilespmem:s21+$0xB60];
	v9 =	vadd.f32 v9, v18;
	v18 =	vadd.f32 $1.000000000e+00, v12  }
0x96: {  	v30 =	vld [tilespmem:s21+$0x1120]  }
0x97: {  	v46 =	vld [tilespmem:s21+$0x1110];
	v19 =	vpop (erf)  }
0x98: {  	s22 =	simm.s32 $0x20;
	v24 =	vld [tilespmem:s21+$0x16D0];
	v19 =	vadd.f32 v9, v19  }
0x99: {  	s25 =	sand.u32 $0x7E0, s22;
	v26 =	vld [tilespmem:s21+$0x16C0];
	(erf) = vrcp.f32 v18;
	v18 =	vpop (erf)  }
0x9a: {  	v50 =	vld [tilespmem:s25+$0x1C80];
	v51 =	vadd.f32 v19, v18  }
0x9b: {  	v15 =	vld [tilespmem:s21+$0x2230];
	v20 =	vmax.f32 v2, v17  }
0x9c: {  	v13 =	vld [tilespmem:s21+$0x27E0];
	v20 =	vmax.f32 v20, v45;
	v22 =	vand.u32 $0x7FFFFF, v51  }
0x9d: {  	v49 =	vld [tilespmem:s21+$0x2D90];
	v21 =	vmax.f32 v1, v47;
	v20 =	vmax.f32 v20, v30;
	v22 =	vor.u32 $0x3F800000, v22  }
0x9e: {  	v14 =	vld [tilespmem:s21+$0x1C70];
	v21 =	vmax.f32 v21, v44;
	v20 =	vmax.f32 v20, v24;
	v43 =	vadd.f32 $1.000000000e+00, v22  }
0x9f: {  	v42 =	vld [tilespmem:s21+$0x2220];
	v11 =	vshra.s32 v11, $0x17;
	v21 =	vmax.f32 v21, v46;
	v20 =	vmax.f32 v20, v50  }
0xa0: {  	v55 =	vld [tilespmem:s21+$0x27D0];
	v11 =	vadd.s32 $0xFFFFFF81, v11;
	v20 =	vmax.f32 v20, v15;
	(erf) = vrcp.f32 v43  }
0xa1: {  	v37 =	vld [tilespmem:s25+$0x2D80];
	v12 =	vadd.f32 $-1.000000000e+00, v12;
	v21 =	vmax.f32 v21, v26;
	v20 =	vmax.f32 v20, v13  }
0xa2: {  	v34 =	vld [tilespmem:s21+$0x3330];
	v20 =	vmax.f32 v20, v49;
	v18 =	vtrunc.f32 v40;
	v19 =	vtrunc.f32 v41;
	v52 =	vpop (erf)  }
0xa3: {  	v36 =	vld [tilespmem:s21+$0x3E90];
	v20 =	vmax.f32 v20, v32;
	v19 =	vcvt.f32.s32 v19;
	v56 =	vmul.f32 v52, v12  }
0xa4: {  	v57 =	vld [tilespmem:s21+$0x5560];
	v21 =	vmax.f32 v21, v14;
	v18 =	vcvt.f32.s32 v18;
	v20 =	vmax.f32 v20, v33  }
0xa5: {  	v20 =	vmax.f32 v20, v28;
	vm4 =	vgt.s32 v19, $0x0;
	v43 =	vld [tilespmem:s25+$0x4A00];
	v58 =	vmul.f32 v56, v56  }
0xa6: {  	v35 =	vld [tilespmem:s21+$0x49F0];
	vm3 =	vgt.s32 v18, $0x0;
	v20 =	vmax.f32 v20, v3;
	v12 =	vmax.f32 v21, v42  }
0xa7: {  	v41 =	vld [tilespmem:s21+$0x4440];
	v18 =	vnsel vm3, $0x0, v18;
	v12 =	vmax.f32 v12, v55;
	v21 =	vmul.f32 $2.222222240e-01, v58  }
0xa8: {  	v39 =	vld [tilespmem:s21+$0x60C0];
	v19 =	vnsel vm4, $0x0, v19;
	v59 =	vadd.f32 $-1.000000000e+00, v22;
	v12 =	vmax.f32 v12, v37  }
0xa9: {  	v38 =	vld [tilespmem:s21+$0x4FA0];
	v61 =	vmin.u32 v19, $0x14;
	v12 =	vmax.f32 v12, v34;
	v21 =	vadd.f32 $2.857142980e-01, v21;
	v60 =	vpop (erf)  }
0xaa: {  	v40 =	vld [tilespmem:s21+$0x5550];
	v12 =	vmax.f32 v12, v0;
	v20 =	vmax.f32 v20, v43;
	v59 =	vmul.f32 v60, v59  }
0xab: {  	v22 =	vld [tilespmem:s25+$0x5B00];
	v20 =	vmax.f32 v20, v48;
	v12 =	vmax.f32 v12, v36;
	v54 =	vmul.f32 v21, v58  }
0xac: {  	v7 =	vld [tilespmem:s21+$0x60B0];
	v20 =	vmax.f32 v20, v57;
	v12 =	vmax.f32 v12, v41;
	v62 =	vmul.f32 v59, v59  }
0xad: {  	v19 =	vmax.f32 v20, v23;
	v12 =	vmax.f32 v12, v35;
	v20 =	vld [tilespmem:s21+$0x6660];
	v60 =	vadd.f32 $4.000000060e-01, v54  }
0xae: {  	v9 =	vld [tilespmem:s21+$0x6C10];
	v18 =	vmin.u32 v18, $0x14;
	v12 =	vmax.f32 v12, v38;
	v52 =	vmul.f32 $2.222222240e-01, v62  }
0xaf: {  	v8 =	vld [tilespmem:s21+$0x71C0];
	v19 =	vmax.f32 v19, v39;
	v12 =	vmax.f32 v12, v40;
	v60 =	vmul.f32 v60, v58  }
0xb0: {  	v3 =	vmax.f32 v19, v27;
	v12 =	vmax.f32 v12, v22;
	v52 =	vadd.f32 $2.857142980e-01, v52  }
0xb1: {  	v3 =	vmax.f32 v3, v25;
	v54 =	vmax.f32 v12, v7;
	v60 =	vadd.f32 $6.666666860e-01, v60  }
0xb2: {  	v12 =	vmax.f32 v3, v5;
	v3 =	vmax.f32 v54, v20;
	v52 =	vmul.f32 v52, v62  }
0xb3: {  	v63 =	vmul.u32 $0x5B0, v18;
	v3 =	vmax.f32 v3, v9;
	v54 =	vmul.f32 v60, v58  }
0xb4: {  	v60 =	vcvt.s32.f32 v11;
	v11 =	vmax.f32 v3, v8;
	v3 =	vadd.f32 $4.000000060e-01, v52  }
0xb5: {  	v58 =	vnsel vm3, $0x0, v63;
	v63 =	vadd.f32 $2.000000000e+00, v54  }
0xb6: {  	v3 =	vmul.f32 v3, v62  }
0xb7: {  	s30 =	simm.s32 $0x10;
	v60 =	vmul.f32 $6.931471820e-01, v60;
	v52 =	vmul.f32 v63, v56  }
0xb8: {  	v0 =	vlaneseq.u32;
	v58 =	vadd.s32 s30, v58;
	v3 =	vadd.f32 $6.666666860e-01, v3  }
0xb9: {  	v54 =	vsub.f32 v57, v12;
	v57 =	vor.u32 v0, v58;
	v52 =	vadd.f32 v52, v60  }
0xba: {  	v61 =	vmul.u32 $0x5B0, v61;
	v3 =	vmul.f32 v3, v62  }
0xbb: {  	v18 =	vmov v5;
	v5 =	vadd.f32 v52, v10  }
0xbc: {  	[tilespmem:$0x1FF70] =	vst v2;
	v63 =	vnsel vm4, $0x0, v61;
	v3 =	vadd.f32 $2.000000000e+00, v3  }
0xbd: {  	v51 =	vshra.s32 v51, $0x17;
	v56 =	vadd.s32 s26, v63;
	[tilespmem:$0x1FF60] =	vst v5  }
0xbe: {  	v52 =	vsub.f32 v15, v12;
	v15 =	vadd.s32 $0xFFFFFF81, v51;
	v3 =	vmul.f32 v3, v59;
	v59 =	vld.idx.msk [tilespmem:v57+s3+$0x0], $0xffff  }
0xbf: {  	v56 =	vor.u32 v0, v56;
	v15 =	vcvt.s32.f32 v15;
	v60 =	vsub.f32 v5, v53  }
0xc0: {  	v23 =	vsub.f32 v23, v12  }
0xc1: {  	v48 =	vsub.f32 v48, v12;
	v15 =	vmul.f32 $6.931471820e-01, v15;
	v61 =	vsel vm3, $0xF149F2CA, v60  }
0xc2: {  	v49 =	vsub.f32 v49, v12;
	v23 =	vmul.f32 $1.442695020e+00, v23;
	v63 =	vshra.s32 v61, $0x1F  }
0xc3: {  	v13 =	vsub.f32 v13, v12;
	v3 =	vadd.f32 v3, v15;
	v15 =	vor.u32 $0x80000000, v63;
	[tilespmem:$0x1FF80] =	vst v59  }
0xc4: {  	v50 =	vsub.f32 v50, v12;
	(erf) = vpow2.f32 v23;
	v23 =	vxor.u32 v61, v15;
	v61 =	vld.idx.msk [tilespmem:v56+s3+$0x0], $0xffff  }
0xc5: {  	v4 =	vmov s19;
	v43 =	vsub.f32 v43, v12;
	v32 =	vsub.f32 v32, v12  }
0xc6: {  	v39 =	vsub.f32 v39, v12;
	v48 =	vmul.f32 $1.442695020e+00, v48;
	v49 =	vmul.f32 $1.442695020e+00, v49  }
0xc7: {  	v13 =	vmul.f32 $1.442695020e+00, v13;
	v47 =	vsub.f32 v47, v11;
	v62 =	vmul.f32 $1.442695020e+00, v54  }
0xc8: {  	v50 =	vmul.f32 $1.442695020e+00, v50;
	v55 =	vsub.f32 v55, v11;
	v14 =	vsub.f32 v14, v11  }
0xc9: {  	v58 =	vsub.f32 v17, v12;
	v47 =	vmul.f32 $1.442695020e+00, v47;
	(erf) = vpow2.f32 v62;
	[tilespmem:$0x1FF90] =	vst v61  }
0xca: {  	v54 =	vsub.f32 v2, v12;
	(erf) = vpow2.f32 v48;
	v60 =	vadd.f32 v3, v16;
	[tilespmem:v4+s31+$0x10 ss:$0x1] =	vst.idx.msk $0xffff, v23  }
0xcb: {  	v62 =	vsub.f32 v1, v11;
	(erf) = vpow2.f32 v49;
	v63 =	vmul.f32 $1.442695020e+00, v55;
	[tilespmem:$0x1FFA0] =	vst v1  }
0xcc: {  	v54 =	vmul.f32 $1.442695020e+00, v54;
	(erf) = vpow2.f32 v13;
	v16 =	vsub.f32 v60, v6;
	v29 =	vld [tilespmem:s31+$0x9410];
	[tilespmem:$0x1FFB0] =	vst v60  }
0xcd: {  	v44 =	vsub.f32 v44, v11;
	v3 =	vmul.f32 $1.442695020e+00, v62;
	(erf) = vpow2.f32 v63;
	v51 =	vld [tilespmem:s31+$0x99C0]  }
0xce: {  	v17 =	vmul.f32 $1.442695020e+00, v58;
	(erf) = vpow2.f32 v54;
	v13 =	vsel vm4, $0xF149F2CA, v16;
	v55 =	vld [tilespmem:s31+$0x9F70]  }
0xcf: {  	v14 =	vmul.f32 $1.442695020e+00, v14;
	(erf) = vpow2.f32 v3;
	v60 =	vshra.s32 v13, $0x1F;
	v48 =	vld [tilespmem:s31+$0xA520]  }
0xd0: {  	v52 =	vmul.f32 $1.442695020e+00, v52;
	(erf) = vpow2.f32 v17;
	v56 =	vld [tilespmem:s31+$0x7790];
	v61 =	vor.u32 $0x80000000, v60  }
0xd1: {  	(erf) = vpow2.f32 v47;
	v54 =	vld [tilespmem:s31+$0x7D40];
	v3 =	vxor.u32 v13, v61;
	v13 =	vsub.f32 v24, v12;
	v24 =	vpop (erf)  }
0xd2: {  	v44 =	vmul.f32 $1.442695020e+00, v44;
	v62 =	vsub.f32 v26, v11;
	(erf) = vpow2.f32 v52;
	v49 =	vld [tilespmem:s31+$0x82F0];
	[tilespmem:$0x1FFC0] =	vst v4;
	v26 =	vpop (erf)  }
0xd3: {  	v63 =	vsub.f32 v30, v12;
	v23 =	vld [tilespmem:s31+$0x88A0];
	(erf) = vpow2.f32 v50;
	[tilespmem:v4+s31+$0x0 ss:$0x1] =	vst.idx.msk $0xffff, v3;
	v13 =	vmul.f32 $1.442695020e+00, v13;
	v30 =	vpop (erf)  }
0xd4: {  	v0 =	vsub.f32 v46, v11;
	v47 =	vmul.f32 $1.442695020e+00, v62;
	(erf) = vpow2.f32 v14;
	v52 =	vld [tilespmem:s31+$0x9400];
	v46 =	vpop (erf)  }
0xd5: {  	v57 =	vmul.f32 $1.442695020e+00, v63;
	v1 =	vsub.f32 v45, v12;
	v14 =	vld [tilespmem:s31+$0x9F60];
	(erf) = vpow2.f32 v13;
	v31 =	vpop (erf)  }
0xd6: {  	v42 =	vsub.f32 v42, v11;
	v50 =	vmul.f32 $1.442695020e+00, v0;
	v59 =	vld [tilespmem:s31+$0xA510];
	(erf) = vpow2.f32 v47;
	v45 =	vpop (erf)  }
0xd7: {  	v58 =	vmul.f32 $1.442695020e+00, v1;
	v16 =	vld [tilespmem:s31+$0x7D30];
	v62 =	vmin.f32 v29, v56;
	v2 =	vpop (erf);
	(erf) = vpow2.f32 v57  }
0xd8: {  	v28 =	vmin.f32 v51, v54;
	v17 =	vmax.f32 v29, v56;
	v47 =	vld [tilespmem:s31+$0x7780];
	(erf) = vpow2.f32 v50  }
0xd9: {  	v63 =	vmax.f32 v48, v23;
	v57 =	vld [tilespmem:s31+$0x82E0];
	v61 =	vpop (erf);
	v60 =	vadd.f32 $0.0e+00, v2;
	(erf) = vpow2.f32 v58  }
0xda: {  	v29 =	vsub.f32 v55, v29;
	v28 =	vsub.f32 v63, v28;
	v50 =	vld [tilespmem:s31+$0x8890];
	v3 =	vpop (erf);
	(erf) = vpow2.f32 v44  }
0xdb: {  	v58 =	vld [tilespmem:s31+$0x99B0];
	v44 =	vadd.f32 v60, v3;
	v60 =	vmax.f32 v55, v49;
	v55 =	vmin.f32 v55, v49  }
0xdc: {  	v49 =	vsub.f32 v49, v56;
	v56 =	vmax.f32 v51, v54;
	v51 =	vsub.f32 v48, v51  }
0xdd: {  	v48 =	vmin.f32 v48, v23;
	v23 =	vsub.f32 v23, v54;
	v13 =	vmin.f32 v52, v47  }
0xde: {  	v21 =	vmovc v27;
	v0 =	vmax.f32 v52, v47;
	v52 =	vsub.f32 v14, v52;
	v60 =	vsub.f32 v60, v62  }
0xdf: {  	v19 =	vmovc v25;
	v3 =	vsub.f32 v55, v17;
	v27 =	vmax.f32 v14, v57;
	v25 =	vmax.f32 v59, v50  }
0xe0: {  	v53 =	vsub.f32 v50, v16;
	v50 =	vmin.f32 v59, v50;
	v2 =	vmax.f32 v58, v16  }
0xe1: {  	vm7 =	vgt.f32 v55, v17;
	v13 =	vsub.f32 v27, v13;
	v27 =	vsub.f32 v50, v2  }
0xe2: {  	v17 =	vadd.f32 $0.0e+00, v61;
	vm8 =	vgt.f32 v48, v56;
	v14 =	vmin.f32 v14, v57  }
0xe3: {  	v48 =	vsub.f32 v48, v56;
	vm5 =	vgt.f32 v14, v0;
	v14 =	vsub.f32 v14, v0  }
0xe4: {  	v55 =	vsub.f32 v18, v12;
	v47 =	vsub.f32 v57, v47;
	v29 =	vmul.f32 v51, v29  }
0xe5: {  	v3 =	vmul.f32 v48, v3;
	v1 =	vmin.f32 v58, v16;
	v14 =	vmul.f32 v27, v14;
	v27 =	vpop (erf)  }
0xe6: {  	v48 =	vld [tilespmem:$0x1FFE0];
	v58 =	vsub.f32 v59, v58;
	v25 =	vsub.f32 v25, v1;
	v47 =	vmul.f32 v53, v47;
	v53 =	vpop (erf)  }
0xe7: {  	v23 =	vmul.f32 v23, v49;
	v61 =	vmul.f32 v28, v60;
	vm6 =	vgt.f32 v50, v2;
	v50 =	vpop (erf)  }
0xe8: {  	v56 =	vsub.f32 v21, v12;
	v60 =	vsub.f32 v36, v11;
	v16 =	vmul.f32 v58, v52;
	v51 =	vpop (erf)  }
0xe9: {  	v42 =	vmul.f32 $1.442695020e+00, v42;
	v29 =	vadd.f32 v23, v29;
	v0 =	vadd.f32 $1.000000010e-07, v61;
	v57 =	vpop (erf)  }
0xea: {  	vm5 =	vmand vm5, vm6;
	v13 =	vmul.f32 v25, v13;
	v47 =	vadd.f32 v47, v16;
	v25 =	vpop (erf)  }
0xeb: {  	v49 =	vsub.f32 v48, v12;
	v14 =	vnsel vm5, $0x0, v14;
	vm5 =	vmand vm7, vm8;
	v58 =	vpop (erf)  }
0xec: {  	v59 =	vadd.f32 $1.000000010e-07, v13;
	v47 =	vsub.f32 v47, v14;
	v23 =	vnsel vm5, $0x0, v3;
	v28 =	vpop (erf)  }
0xed: {  	v16 =	vmul.f32 $1.442695020e+00, v43;
	v27 =	vadd.f32 v17, v27;
	v29 =	vsub.f32 v29, v23;
	v63 =	vpop (erf)  }
0xee: {  	v62 =	vadd.f32 $1.000000010e-07, v47;
	v13 =	vsub.f32 v13, v47;
	(erf) = vpow2.f32 v42;
	v1 =	vpop (erf)  }
0xef: {  	v43 =	vld [tilespmem:$0x1FFD0];
	(erf) = vrcp.f32 v59;
	v59 =	vsub.f32 v34, v11;
	v27 =	vadd.f32 v27, v1  }
0xf0: {  	v32 =	vmul.f32 $1.442695020e+00, v32;
	v2 =	vadd.f32 $1.000000010e-07, v29;
	v44 =	vadd.f32 v44, v63  }
0xf1: {  	(erf) = vrcp.f32 v62;
	v63 =	vmul.f32 $1.442695020e+00, v59;
	v27 =	vadd.f32 v27, v28  }
0xf2: {  	(erf) = vrcp.f32 v0;
	v44 =	vadd.f32 v44, v58;
	v28 =	vsub.f32 v33, v12  }
0xf3: {  	(erf) = vrcp.f32 v2;
	v25 =	vadd.f32 v27, v25;
	v27 =	vsub.f32 v41, v11  }
0xf4: {  	(erf) = vpow2.f32 v32;
	v17 =	vadd.f32 v44, v57;
	v44 =	vsub.f32 v43, v12  }
0xf5: {  	v58 =	vsub.f32 v38, v11;
	v28 =	vmul.f32 $1.442695020e+00, v28;
	v27 =	vmul.f32 $1.442695020e+00, v27  }
0xf6: {  	(erf) = vpow2.f32 v16;
	v57 =	vsub.f32 v19, v12;
	v33 =	vmul.f32 $1.442695020e+00, v44  }
0xf7: {  	v36 =	vmul.f32 $1.442695020e+00, v58;
	v32 =	vadd.f32 v17, v50;
	(erf) = vpow2.f32 v28  }
0xf8: {  	v50 =	vmul.f32 $1.442695020e+00, v49;
	v25 =	vadd.f32 v25, v51;
	(erf) = vpow2.f32 v33  }
0xf9: {  	v34 =	vmul.f32 $1.442695020e+00, v57;
	v28 =	vsub.f32 v37, v11;
	(erf) = vpow2.f32 v27;
	v27 =	vpop (erf)  }
0xfa: {  	v44 =	vmul.f32 $1.442695020e+00, v60;
	v54 =	vadd.f32 v25, v27;
	v27 =	vsub.f32 v61, v29;
	v61 =	vld [tilespmem:$0x1FFF0]  }
0xfb: {  	v37 =	vmul.f32 $1.442695020e+00, v39;
	v32 =	vadd.f32 v32, v53;
	v53 =	vimm.f32 $0.0e+00  }
0xfc: {  	v33 =	vmul.f32 $1.442695020e+00, v55;
	v28 =	vmul.f32 $1.442695020e+00, v28;
	v29 =	vsub.f32 v35, v11  }
0xfd: {  	v51 =	vsel vm4, $0x3F800000, v53;
	(erf) = vpow2.f32 v50;
	v31 =	vadd.f32 v32, v31  }
0xfe: {  	v50 =	vsel vm3, $0x3F800000, v53;
	v32 =	vsub.f32 v40, v11;
	(erf) = vpow2.f32 v28;
	v52 =	vpop (erf)  }
0xff: {  	s31 =	smul.u32 $0x16C0, s20;
	v35 =	vmul.f32 $1.442695020e+00, v56;
	v25 =	vpop (erf);
	v28 =	vmul.f32 v13, v52;
	v62 =	vsub.f32 v61, v11  }
0x100: {  	s28 =	simm.s32 $0x100;
	s24 =	simm.s32 $0x30;
	v42 =	vadd.f32 v31, v46;
	v49 =	vmul.f32 v25, v14;
	v38 =	vmul.f32 $1.442695020e+00, v29;
	v29 =	vpop (erf)  }
0x101: {  	s25 =	simm.s32 $0x30;
	s26 =	simm.s32 $0x2;
	s23 =	sshra.s32 s31, $0x2;
	v40 =	vld [tilespmem:s21+$0x8E50];
	v39 =	vadd.f32 v54, v45;
	(erf) = vpow2.f32 v63;
	v31 =	vpop (erf);
	v41 =	vmul.f32 $1.442695020e+00, v62  }
.LBB2_3:
0x102: {  	v3 =	vld [tilespmem:s21+$0x8E40]  }
0x103: {  	v0 =	vld [tilespmem:$0x1FFB0]  }
0x104: {  	v1 =	vld [tilespmem:$0x1FF90]  }
0x105: {  	v55 =	vld [tilespmem:$0x1FF60]  }
0x106: {  	v23 =	vmul.f32 v31, v23;
	v56 =	vld [tilespmem:$0x1FF80];
	v22 =	vsub.f32 v22, v11;
	v20 =	vsub.f32 v20, v11  }
0x107: {  	v62 =	vld [tilespmem:$0x1FF50];
	v19 =	vsub.f32 v9, v11;
	v43 =	vpop (erf);
	v25 =	vsub.f32 v28, v49;
	v27 =	vmul.f32 v27, v29  }
0x108: {  	v58 =	vld [tilespmem:$0x1FF30];
	v18 =	vsub.f32 v8, v11;
	(erf) = vpow2.f32 v44;
	v2 =	vadd.f32 v42, v43;
	v31 =	vpop (erf)  }
0x109: {  	s29 =	sshra.s32 s28, $0x2;
	v61 =	vld [tilespmem:$0x1FF40];
	(erf) = vpow2.f32 v41;
	v29 =	vpop (erf);
	v25 =	vadd.f32 $1.000000000e+00, v25;
	v4 =	vsub.f32 v27, v23  }
0x10a: {  	v16 =	vld [tilespmem:s29+$0x6C20];
	v22 =	vmul.f32 $1.442695020e+00, v22;
	v27 =	vadd.f32 v2, v29;
	v28 =	vpop (erf);
	v17 =	vsub.f32 v0, v1  }
0x10b: {  	v47 =	vld [tilespmem:s29+$0x6670];
	v21 =	vsub.f32 v7, v11;
	v10 =	vsub.f32 v55, v56;
	v57 =	vpop (erf);
	v59 =	vnsel vm4, $0x0, v25  }
0x10c: {  	v46 =	vld [tilespmem:s29+$0x60C0];
	v60 =	vadd.f32 $1.000000000e+00, v4;
	v23 =	vpop (erf);
	v4 =	vadd.f32 v59, v62;
	v17 =	vnsel vm4, $0x0, v17  }
0x10d: {  	v49 =	vld [tilespmem:s29+$0x5B10];
	v3 =	vtrunc.f32 v3;
	v63 =	vadd.f32 v27, v23;
	v5 =	vadd.f32 v17, v58  }
0x10e: {  	v48 =	vld [tilespmem:s29+$0x4FB0];
	v3 =	vcvt.f32.s32 v3;
	v10 =	vnsel vm3, $0x0, v10;
	v15 =	vpop (erf);
	(erf) = vpow2.f32 v37  }
0x10f: {  	v42 =	vld [tilespmem:s29+$0x5B0];
	v13 =	vadd.f32 v63, v28;
	v44 =	vadd.f32 v10, v5;
	v10 =	vnsel vm3, $0x0, v60  }
0x110: {  	v43 =	vld [tilespmem:s29+$0x16C0];
	v14 =	vpop (erf);
	(erf) = vpow2.f32 v38;
	v52 =	vadd.f32 v10, v4;
	v10 =	vadd.f32 v39, v15  }
0x111: {  	v41 =	vld [tilespmem:s29+$0x2220];
	vm4 =	vgt.s32 v3, $0x0;
	(erf) = vpow2.f32 v35;
	v15 =	vmul.f32 $1.442695020e+00, v32  }
0x112: {  	v29 =	vld [tilespmem:s29+$0x38F0];
	v13 =	vadd.f32 v13, v31;
	v10 =	vadd.f32 v10, v14;
	v14 =	vpop (erf);
	(erf) = vpow2.f32 v36  }
0x113: {  	v6 =	vadd.f32 v51, v61;
	v0 =	vld [tilespmem:s29+$0x38E0];
	v3 =	vnsel vm4, $0x0, v3;
	v27 =	vpop (erf);
	(erf) = vpow2.f32 v34  }
0x114: {  	v23 =	vld [tilespmem:s29+$0x3340];
	v13 =	vadd.f32 v13, v30;
	v27 =	vadd.f32 v10, v27;
	(erf) = vpow2.f32 v15  }
0x115: {  	v54 =	vmul.f32 $1.442695020e+00, v21;
	v37 =	vld [tilespmem:s29+$0x27E0];
	v3 =	vmin.u32 v3, $0x14;
	(erf) = vpow2.f32 v33  }
0x116: {  	v39 =	vld [tilespmem:s29+$0xB70];
	v13 =	vadd.f32 v13, v26;
	v14 =	vadd.f32 v27, v14;
	(erf) = vpow2.f32 v22  }
0x117: {  	v55 =	vmul.f32 $1.442695020e+00, v20;
	v56 =	vmul.f32 $1.442695020e+00, v19;
	v31 =	vld [tilespmem:s29+$0xB60];
	v3 =	vmul.u32 $0x5B0, v3  }
0x118: {  	v15 =	vld [tilespmem:s29+$0x10];
	v21 =	vpop (erf);
	v13 =	vadd.f32 v13, v24;
	(erf) = vpow2.f32 v54;
	v14 =	vadd.f32 v14, v57  }
0x119: {  	v51 =	vadd.f32 v50, v6;
	v61 =	vsel vm4, $0x3F800000, v53;
	v5 =	vlaneseq.u32;
	v26 =	vld [tilespmem:s29+$0x0];
	v24 =	vpop (erf)  }
0x11a: {  	v3 =	vnsel vm4, $0x0, v3;
	v10 =	vld [tilespmem:s29+$0x5C0];
	v20 =	vpop (erf);
	v13 =	vadd.f32 v13, v21;
	v14 =	vadd.f32 v14, v24  }
0x11b: {  	s25 =	sadd.s32 $0x20, s25;
	v30 =	vld [tilespmem:s29+$0x1120];
	v3 =	vadd.s32 s22, v3;
	v22 =	vtrunc.f32 v40;
	(erf) = vpow2.f32 v55;
	v21 =	vpop (erf)  }
0x11c: {  	s30 =	sadd.s32 $0xFFFFFFF0, s25;
	v40 =	vld [tilespmem:s29+$0x1110];
	v22 =	vcvt.f32.s32 v22;
	v13 =	vadd.f32 v13, v20;
	v14 =	vadd.f32 v14, v21;
	v19 =	vpop (erf)  }
0x11d: {  	s31 =	sand.u32 $0x7E0, s30;
	v3 =	vor.u32 v5, v3;
	v57 =	vmul.f32 $1.442695020e+00, v18;
	v24 =	vld [tilespmem:s29+$0x16D0];
	(erf) = vpow2.f32 v56;
	v27 =	vpop (erf)  }
0x11e: {  	v35 =	vld [tilespmem:s31+$0x1C80];
	v20 =	vmax.f32 v26, v42;
	v13 =	vadd.f32 v13, v19;
	v14 =	vadd.f32 v14, v27;
	v18 =	vpop (erf)  }
0x11f: {  	v33 =	vld [tilespmem:s29+$0x2230];
	v58 =	vmax.f32 v15, v10;
	(erf) = vpow2.f32 v57;
	v19 =	vmax.f32 v20, v31;
	v21 =	vpop (erf)  }
0x120: {  	v17 =	vld [tilespmem:s29+$0x3EA0];
	v20 =	vmax.f32 v58, v39;
	v38 =	vadd.f32 v13, v18;
	v14 =	vadd.f32 v14, v21  }
0x121: {  	v34 =	vld [tilespmem:s29+$0x2D90];
	vm3 =	vgt.s32 v22, $0x0;
	v20 =	vmax.f32 v20, v30;
	v13 =	vmax.f32 v19, v40;
	v18 =	vpop (erf)  }
0x122: {  	[tilespmem:$0x1FF40] =	vst v51;
	v51 =	vld [tilespmem:s29+$0x27D0];
	v19 =	vmax.f32 v20, v24;
	v14 =	vadd.f32 v14, v18;
	v18 =	vand.u32 $0x7FFFFF, v38  }
0x123: {  	v36 =	vld [tilespmem:s29+$0x1C70];
	v59 =	vsel vm3, $0x3F800000, v53;
	v19 =	vmax.f32 v19, v35;
	v18 =	vor.u32 $0x3F800000, v18  }
0x124: {  	v28 =	vld [tilespmem:s31+$0x2D80];
	v22 =	vnsel vm3, $0x0, v22;
	v21 =	vpop (erf);
	v19 =	vmax.f32 v19, v33;
	v60 =	vadd.f32 $1.000000000e+00, v18  }
0x125: {  	[tilespmem:$0x1FF30] =	vst v44;
	v44 =	vld [tilespmem:s29+$0x4450];
	v54 =	vmin.u32 v22, $0x14;
	v19 =	vmax.f32 v19, v37;
	v21 =	vadd.f32 v14, v21  }
0x126: {  	[tilespmem:$0x1FF50] =	vst v52;
	v52 =	vld [tilespmem:s31+$0x4A00];
	v54 =	vmul.u32 $0x5B0, v54;
	v19 =	vmax.f32 v19, v34;
	v62 =	vpop (erf);
	(erf) = vrcp.f32 v60  }
0x127: {  	v63 =	vld [tilespmem:s29+$0x3330];
	v20 =	vmax.f32 v13, v43;
	v19 =	vmax.f32 v19, v23;
	v21 =	vadd.f32 v21, v62  }
0x128: {  	v32 =	vld [tilespmem:s29+$0x5560];
	v54 =	vnsel vm3, $0x0, v54;
	v20 =	vmax.f32 v20, v36;
	v19 =	vmax.f32 v19, v29;
	v2 =	vpop (erf)  }
0x129: {  	v53 =	vld [tilespmem:s29+$0x3E90];
	v20 =	vmax.f32 v20, v41;
	v19 =	vmax.f32 v19, v17;
	v50 =	vadd.f32 v21, v2  }
0x12a: {  	v55 =	vld [tilespmem:s29+$0x4440];
	v54 =	vadd.s32 s24, v54;
	v20 =	vmax.f32 v20, v51;
	v19 =	vmax.f32 v19, v44  }
0x12b: {  	v56 =	vld [tilespmem:s29+$0x49F0];
	v20 =	vmax.f32 v20, v28;
	v19 =	vmax.f32 v19, v52;
	v21 =	vand.u32 $0x7FFFFF, v50  }
0x12c: {  	v58 =	vld [tilespmem:s29+$0x4FA0];
	v20 =	vmax.f32 v20, v63;
	v19 =	vmax.f32 v19, v48;
	v57 =	vor.u32 $0x3F800000, v21  }
0x12d: {  	v45 =	vld [tilespmem:s29+$0x71D0];
	v20 =	vmax.f32 v20, v0;
	v19 =	vmax.f32 v19, v32;
	v21 =	vadd.f32 $1.000000000e+00, v57  }
0x12e: {  	v18 =	vadd.f32 $-1.000000000e+00, v18;
	v20 =	vmax.f32 v20, v53;
	v19 =	vmax.f32 v19, v49  }
0x12f: {  	[tilespmem:$0x1FEF0] =	vst v61;
	v60 =	vmax.f32 v20, v55;
	v62 =	vmax.f32 v19, v46;
	(erf) = vrcp.f32 v21;
	v61 =	vpop (erf)  }
0x130: {  	[tilespmem:$0x1FEE0] =	vst v59;
	v59 =	vld [tilespmem:s29+$0x5550];
	v60 =	vmax.f32 v60, v56;
	v62 =	vmax.f32 v62, v47;
	v61 =	vmul.f32 v61, v18  }
0x131: {  	[tilespmem:$0x1FF00] =	vst v0;
	v27 =	vld [tilespmem:s31+$0x5B00];
	v54 =	vor.u32 v5, v54;
	v60 =	vmax.f32 v60, v58;
	v62 =	vmax.f32 v62, v16  }
0x132: {  	[tilespmem:$0x1FF10] =	vst v63;
	v0 =	vld [tilespmem:s29+$0x60B0];
	v57 =	vadd.f32 $-1.000000000e+00, v57;
	v62 =	vmax.f32 v62, v45;
	v63 =	vmul.f32 v61, v61  }
0x133: {  	v50 =	vshra.s32 v50, $0x17;
	v21 =	vld [tilespmem:s29+$0x6660];
	v45 =	vsub.f32 v45, v62;
	v47 =	vsub.f32 v47, v62  }
0x134: {  	v22 =	vld [tilespmem:s29+$0x6C10];
	v16 =	vsub.f32 v16, v62;
	v49 =	vsub.f32 v49, v62;
	v1 =	vmul.f32 $2.222222240e-01, v63  }
0x135: {  	v25 =	vld [tilespmem:s29+$0x71C0];
	v60 =	vmax.f32 v60, v59;
	v46 =	vsub.f32 v46, v62;
	v2 =	vsub.f32 v32, v62  }
0x136: {  	v60 =	vmax.f32 v60, v27;
	v48 =	vsub.f32 v48, v62;
	v1 =	vadd.f32 $2.857142980e-01, v1  }
0x137: {  	v60 =	vmax.f32 v60, v0;
	v52 =	vsub.f32 v52, v62;
	v44 =	vsub.f32 v44, v62  }
0x138: {  	[tilespmem:$0x1FF20] =	vst v0;
	v4 =	vsub.f32 v34, v62;
	v60 =	vmax.f32 v60, v21;
	v0 =	vpop (erf);
	v1 =	vmul.f32 v1, v63  }
0x139: {  	v34 =	vshra.s32 v38, $0x17;
	v60 =	vmax.f32 v60, v22;
	v0 =	vmul.f32 v0, v57  }
0x13a: {  	v5 =	vsub.f32 v35, v62;
	v60 =	vmax.f32 v60, v25;
	v1 =	vadd.f32 $4.000000060e-01, v1  }
0x13b: {  	v34 =	vadd.s32 $0xFFFFFF81, v34;
	v57 =	vsub.f32 v58, v60;
	v58 =	vmul.f32 v0, v0  }
0x13c: {  	v6 =	vsub.f32 v10, v62;
	v34 =	vcvt.s32.f32 v34;
	v1 =	vmul.f32 v1, v63  }
0x13d: {  	v35 =	vmul.f32 $1.442695020e+00, v47;
	v32 =	vsub.f32 v59, v60;
	v59 =	vmul.f32 $2.222222240e-01, v58  }
0x13e: {  	v2 =	vmul.f32 $1.442695020e+00, v2;
	v49 =	vmul.f32 $1.442695020e+00, v49;
	v1 =	vadd.f32 $6.666666860e-01, v1  }
0x13f: {  	v4 =	vmul.f32 $1.442695020e+00, v4;
	v6 =	vmul.f32 $1.442695020e+00, v6;
	v59 =	vadd.f32 $2.857142980e-01, v59  }
0x140: {  	v17 =	vsub.f32 v17, v62;
	v5 =	vmul.f32 $1.442695020e+00, v5;
	v1 =	vmul.f32 v1, v63  }
0x141: {  	v56 =	vsub.f32 v56, v60;
	(erf) = vpow2.f32 v49;
	v38 =	vmul.f32 v59, v58  }
0x142: {  	(erf) = vpow2.f32 v2;
	v59 =	vsub.f32 v37, v62;
	v1 =	vadd.f32 $2.000000000e+00, v1  }
0x143: {  	v63 =	vsub.f32 v33, v62;
	v33 =	vmul.f32 $1.442695020e+00, v45;
	v37 =	vadd.f32 $4.000000060e-01, v38  }
0x144: {  	v55 =	vsub.f32 v55, v60;
	v38 =	vmul.f32 $6.931471820e-01, v34;
	v1 =	vmul.f32 v1, v61  }
0x145: {  	v7 =	vld [tilespmem:$0x1FF70];
	v53 =	vsub.f32 v53, v60;
	v34 =	vmul.f32 $1.442695020e+00, v16;
	v45 =	vmul.f32 v37, v58  }
0x146: {  	v61 =	vsub.f32 v36, v60;
	v37 =	vmul.f32 $1.442695020e+00, v46;
	v1 =	vadd.f32 v1, v38  }
0x147: {  	v36 =	vmul.f32 $1.442695020e+00, v57;
	v46 =	vmul.f32 $1.442695020e+00, v17;
	v47 =	vadd.f32 $6.666666860e-01, v45  }
0x148: {  	v17 =	vmul.f32 $1.442695020e+00, v59;
	v45 =	vmul.f32 $1.442695020e+00, v55;
	v8 =	vadd.f32 v1, v12  }
0x149: {  	v38 =	vadd.s32 $0xFFFFFF81, v50;
	v16 =	vmul.f32 v47, v58;
	v1 =	vmul.f32 $1.442695020e+00, v48  }
0x14a: {  	v12 =	vmovc v62;
	v58 =	vcvt.s32.f32 v38;
	v38 =	vmul.f32 $1.442695020e+00, v56;
	[tilespmem:$0x1FF60] =	vst v8;
	v62 =	vsub.f32 v8, v7;
	v8 =	vld [tilespmem:$0x1FFC0]  }
0x14b: {  	v48 =	vmul.f32 $1.442695020e+00, v52;
	v47 =	vmul.f32 $1.442695020e+00, v44;
	v16 =	vadd.f32 $2.000000000e+00, v16;
	v7 =	vmovc v15  }
0x14c: {  	v44 =	vmul.f32 $1.442695020e+00, v53;
	v15 =	vmul.f32 $6.931471820e-01, v58;
	[tilespmem:$0x1FF70] =	vst v7;
	v50 =	vsub.f32 v7, v12;
	v7 =	vld.idx.msk [tilespmem:v54+s3+$0x0], $0xffff  }
0x14d: {  	v51 =	vsub.f32 v51, v60;
	(erf) = vpow2.f32 v1;
	v0 =	vmul.f32 v16, v0  }
0x14e: {  	v59 =	vsub.f32 v30, v12;
	(erf) = vpow2.f32 v4;
	v52 =	vsel vm3, $0xF149F2CA, v62  }
0x14f: {  	v4 =	vld [tilespmem:$0x1FFA0];
	v16 =	vsub.f32 v26, v60;
	v56 =	vshra.s32 v52, $0x1F;
	v0 =	vadd.f32 v0, v15  }
0x150: {  	v62 =	vld.idx.msk [tilespmem:v3+s3+$0x0], $0xffff;
	(erf) = vpow2.f32 v17;
	v53 =	vmul.f32 $1.442695020e+00, v50;
	v57 =	vor.u32 $0x80000000, v56  }
0x151: {  	v58 =	vxor.u32 v52, v57;
	v52 =	vmul.f32 $1.442695020e+00, v51;
	[tilespmem:$0x1FF80] =	vst v7;
	v9 =	vadd.f32 v0, v11;
	v11 =	vmovc v60  }
0x152: {  	v57 =	vmul.f32 $1.442695020e+00, v63;
	v7 =	vmovc v26;
	v0 =	vmul.f32 $1.442695020e+00, v16;
	v26 =	vsub.f32 v42, v11;
	[tilespmem:v8+s21+$0x10 ss:$0x1] =	vst.idx.msk $0xffff, v58  }
0x153: {  	(erf) = vpow2.f32 v52;
	v43 =	vsub.f32 v43, v11;
	v60 =	vsub.f32 v40, v11;
	v1 =	vld [tilespmem:s21+$0x9410]  }
0x154: {  	v41 =	vsub.f32 v41, v11;
	v4 =	vsub.f32 v9, v4;
	(erf) = vpow2.f32 v53;
	v49 =	vld [tilespmem:s21+$0x99C0]  }
0x155: {  	v58 =	vmul.f32 $1.442695020e+00, v61;
	v61 =	vsub.f32 v39, v12;
	v53 =	vmul.f32 $1.442695020e+00, v59;
	v2 =	vld [tilespmem:s21+$0x9F70]  }
0x156: {  	[tilespmem:$0x1FFA0] =	vst v7;
	v50 =	vld [tilespmem:s21+$0x7790];
	v7 =	vmul.f32 $1.442695020e+00, v26;
	(erf) = vpow2.f32 v0;
	v54 =	vsel vm4, $0xF149F2CA, v4  }
0x157: {  	v42 =	vld [tilespmem:s21+$0x7D40];
	v43 =	vmul.f32 $1.442695020e+00, v43;
	(erf) = vpow2.f32 v6;
	v55 =	vshra.s32 v54, $0x1F  }
0x158: {  	v3 =	vld [tilespmem:s21+$0x82F0];
	v6 =	vsub.f32 v24, v12;
	(erf) = vpow2.f32 v7;
	v56 =	vor.u32 $0x80000000, v55  }
0x159: {  	[tilespmem:$0x1FF90] =	vst v62;
	v41 =	vmul.f32 $1.442695020e+00, v41;
	v4 =	vld [tilespmem:s21+$0xA520];
	v24 =	vpop (erf);
	(erf) = vpow2.f32 v57;
	v0 =	vxor.u32 v54, v56  }
0x15a: {  	v62 =	vsub.f32 v31, v11;
	v26 =	vpop (erf);
	v6 =	vmul.f32 $1.442695020e+00, v6;
	v55 =	vmul.f32 $1.442695020e+00, v61;
	[tilespmem:v8+s21+$0x0 ss:$0x1] =	vst.idx.msk $0xffff, v0;
	v0 =	vld [tilespmem:s21+$0x88A0]  }
0x15b: {  	v30 =	vpop (erf);
	(erf) = vpow2.f32 v5;
	v54 =	vmul.f32 $1.442695020e+00, v60;
	v51 =	vld [tilespmem:s21+$0x9400]  }
0x15c: {  	v40 =	vpop (erf);
	v56 =	vmul.f32 $1.442695020e+00, v62;
	v60 =	vsub.f32 v23, v12;
	(erf) = vpow2.f32 v58;
	v5 =	vld [tilespmem:s21+$0x99B0]  }
0x15d: {  	v39 =	vpop (erf);
	v61 =	vmin.f32 v1, v50;
	v8 =	vmax.f32 v1, v50;
	v52 =	vld [tilespmem:s21+$0x9F60];
	(erf) = vpow2.f32 v6  }
0x15e: {  	v10 =	vmax.f32 v49, v42;
	v18 =	vmin.f32 v2, v3;
	(erf) = vpow2.f32 v43;
	v31 =	vpop (erf);
	v43 =	vld [tilespmem:s21+$0x7780]  }
0x15f: {  	v1 =	vsub.f32 v2, v1;
	v6 =	vld [tilespmem:s21+$0xA510];
	vm6 =	vgt.f32 v18, v8;
	v63 =	vpop (erf);
	(erf) = vpow2.f32 v53  }
0x160: {  	v8 =	vsub.f32 v18, v8;
	v53 =	vld [tilespmem:s21+$0x82E0];
	v16 =	vpop (erf);
	(erf) = vpow2.f32 v54;
	v57 =	vadd.f32 $0.0e+00, v63  }
0x161: {  	v54 =	vld [tilespmem:s21+$0x8890];
	v63 =	vmin.f32 v49, v42;
	v7 =	vadd.f32 $0.0e+00, v16;
	v17 =	vpop (erf);
	(erf) = vpow2.f32 v55  }
0x162: {  	v55 =	vld [tilespmem:s21+$0x7D30];
	v62 =	vmax.f32 v4, v0;
	v23 =	vpop (erf);
	(erf) = vpow2.f32 v56;
	v57 =	vadd.f32 v57, v17  }
0x163: {  	v56 =	vadd.f32 v7, v23;
	v23 =	vmax.f32 v2, v3;
	v13 =	vmin.f32 v51, v43  }
0x164: {  	v2 =	vsub.f32 v4, v49;
	v4 =	vmin.f32 v4, v0;
	v3 =	vsub.f32 v3, v50  }
0x165: {  	v50 =	vmax.f32 v51, v43;
	v51 =	vsub.f32 v52, v51;
	v7 =	vmax.f32 v52, v53  }
0x166: {  	v52 =	vmin.f32 v52, v53;
	v43 =	vsub.f32 v53, v43;
	v14 =	vmax.f32 v6, v54  }
0x167: {  	v7 =	vsub.f32 v7, v13;
	v17 =	vmin.f32 v5, v55;
	v19 =	vmax.f32 v5, v55  }
0x168: {  	v5 =	vsub.f32 v6, v5;
	v6 =	vmin.f32 v6, v54;
	v54 =	vsub.f32 v54, v55  }
0x169: {  	v58 =	vpop (erf);
	vm5 =	vgt.f32 v4, v10;
	v55 =	vsub.f32 v23, v61;
	v13 =	vsub.f32 v14, v17  }
0x16a: {  	v59 =	vpop (erf);
	vm7 =	vgt.f32 v6, v19;
	v14 =	vsub.f32 v52, v50;
	v6 =	vsub.f32 v6, v19  }
0x16b: {  	[tilespmem:$0x1FFB0] =	vst v9;
	v9 =	vpop (erf);
	v61 =	vsub.f32 v62, v63;
	v5 =	vmul.f32 v5, v51;
	v63 =	vmul.f32 v54, v43  }
0x16c: {  	v4 =	vsub.f32 v4, v10;
	vm8 =	vgt.f32 v52, v50;
	v15 =	vpop (erf);
	v6 =	vmul.f32 v6, v14  }
0x16d: {  	v1 =	vmul.f32 v2, v1;
	v16 =	vpop (erf);
	vm7 =	vmand vm8, vm7;
	v5 =	vadd.f32 v63, v5  }
0x16e: {  	v4 =	vmul.f32 v4, v8;
	v49 =	vpop (erf);
	v17 =	vmul.f32 v13, v7;
	v2 =	vnsel vm7, $0x0, v6  }
0x16f: {  	v0 =	vsub.f32 v0, v42;
	vm5 =	vmand vm6, vm5;
	v42 =	vpop (erf);
	v5 =	vsub.f32 v5, v2  }
0x170: {  	v23 =	vnsel vm5, $0x0, v4;
	v4 =	vmul.f32 v61, v55;
	v20 =	vpop (erf);
	v54 =	vadd.f32 $1.000000010e-07, v17  }
0x171: {  	v53 =	vpop (erf);
	(erf) = vpow2.f32 v41;
	v6 =	vadd.f32 $1.000000010e-07, v5  }
0x172: {  	v0 =	vmul.f32 v0, v3;
	v8 =	vadd.f32 $1.000000010e-07, v4;
	(erf) = vrcp.f32 v54  }
0x173: {  	(erf) = vrcp.f32 v6  }
0x174: {  	v0 =	vadd.f32 v0, v1;
	v7 =	vadd.f32 v57, v20;
	(erf) = vrcp.f32 v8;
	v8 =	vld [tilespmem:$0x1FF00];
	_ =	sdelay $0x1  }
0x175: {  	v0 =	vsub.f32 v0, v23;
	v7 =	vadd.f32 v7, v49;
	_ =	sdelay $0x1  }
0x176: {  	v10 =	vadd.f32 $1.000000010e-07, v0;
	v7 =	vadd.f32 v7, v15  }
0x177: {  	v6 =	vadd.f32 v56, v53;
	v8 =	vsub.f32 v8, v11  }
0x178: {  	v29 =	vsub.f32 v29, v12;
	v61 =	vmul.f32 $1.442695020e+00, v60;
	v7 =	vadd.f32 v7, v59  }
0x179: {  	(erf) = vrcp.f32 v10;
	v6 =	vadd.f32 v6, v42;
	v41 =	vmul.f32 $1.442695020e+00, v8;
	v8 =	vld [tilespmem:$0x1FF10]  }
0x17a: {  	v62 =	vsub.f32 v28, v11;
	v13 =	vmul.f32 $1.442695020e+00, v29;
	(erf) = vpow2.f32 v61  }
0x17b: {  	v7 =	vadd.f32 v7, v58;
	(erf) = vpow2.f32 v48;
	v6 =	vadd.f32 v6, v16  }
0x17c: {  	s26 =	sadd.s32 $0x2, s26;
	v3 =	vsub.f32 v17, v5;
	v53 =	vimm.f32 $0.0e+00;
	(erf) = vpow2.f32 v13  }
0x17d: {  	p0 =	slt.u32 s26, $0x58;
	v7 =	vadd.f32 v7, v39;
	(erf) = vpow2.f32 v47;
	v6 =	vadd.f32 v6, v9;
	v9 =	vpop (erf)  }
.Ltmp0:
0x17e: {  	v10 =	vmul.f32 $1.442695020e+00, v62;
	(erf) = vpow2.f32 v45;
	v5 =	vpop (erf);
	v8 =	vsub.f32 v8, v11;
	(pc) =	sbr.rel @p0 .LBB2_3-.Ltmp0, $4  }
0x17f: {  	v50 =	vld [tilespmem:$0x1FEE0];
	v20 =	vmovc v21;
	v42 =	vadd.f32 v7, v40;
	(erf) = vpow2.f32 v46;
	v6 =	vadd.f32 v6, v9;
	v9 =	vmovc v22  }
0x180: {  	v51 =	vld [tilespmem:$0x1FEF0];
	v22 =	vmov v27;
	v28 =	vmul.f32 v3, v5;
	v63 =	vpop (erf);
	v13 =	vmul.f32 $1.442695020e+00, v8  }
0x181: {  	s21 =	smov.u32 s29;
	v7 =	vld [tilespmem:$0x1FF20];
	v27 =	vsub.f32 v4, v0;
	(erf) = vpow2.f32 v10;
	v49 =	vmul.f32 v63, v2;
	v29 =	vpop (erf)  }
0x182: {  	s28 =	sadd.s32 $0x80, s28;
	s22 =	smov.u32 s30;
	s24 =	smov.u32 s25;
	v40 =	vld [tilespmem:s21+$0x8E50];
	v39 =	vadd.f32 v6, v31;
	v31 =	vpop (erf);
	(erf) = vpow2.f32 v13;
	v8 =	vmov v25  }
0x183: {  	v0 =	vpop (erf)  }
0x184: {  	v1 =	vpop (erf)  }
0x185: {  	(erf) = vpow2.f32 v44;
	v0 =	vadd.f32 v42, v0;
	v2 =	vpop (erf)  }
0x186: {  	v3 =	vpop (erf)  }
0x187: {  	v0 =	vadd.f32 v0, v2;
	v47 =	vpop (erf)  }
0x188: {  	v4 =	vpop (erf)  }
0x189: {  	(erf) = vpow2.f32 v41;
	v0 =	vadd.f32 v0, v4;
	_ =	sdelay $0x1  }
0x18a: {  	(erf) = vpow2.f32 v37;
	v0 =	vadd.f32 v0, v3  }
0x18b: {  	(erf) = vpow2.f32 v38;
	v48 =	vpop (erf)  }
0x18c: {  	(erf) = vpow2.f32 v35;
	v52 =	vpop (erf);
	v0 =	vadd.f32 v0, v1  }
0x18d: {  	v5 =	vmul.f32 $1.442695020e+00, v32;
	v54 =	vpop (erf);
	(erf) = vpow2.f32 v36  }
0x18e: {  	v4 =	vadd.f32 v39, v48;
	(erf) = vpow2.f32 v34;
	v0 =	vadd.f32 v0, v30  }
0x18f: {  	v6 =	vsub.f32 v22, v11;
	(erf) = vpow2.f32 v5  }
0x190: {  	v3 =	vadd.f32 v4, v52;
	(erf) = vpow2.f32 v33;
	v0 =	vadd.f32 v0, v26  }
0x191: {  	v56 =	vsub.f32 v7, v11;
	v57 =	vpop (erf)  }
0x192: {  	v55 =	vmul.f32 $1.442695020e+00, v6;
	v3 =	vadd.f32 v3, v57;
	v0 =	vadd.f32 v0, v24  }
0x193: {  	v59 =	vsub.f32 v20, v11;
	v61 =	vsub.f32 v9, v11;
	v58 =	vmul.f32 $1.442695020e+00, v56;
	v62 =	vpop (erf)  }
0x194: {  	v9 =	vpop (erf);
	(erf) = vpow2.f32 v55;
	v1 =	vadd.f32 v3, v54;
	v0 =	vadd.f32 v0, v62  }
0x195: {  	v60 =	vmul.f32 $1.442695020e+00, v59;
	v10 =	vpop (erf)  }
0x196: {  	(erf) = vpow2.f32 v58;
	v1 =	vadd.f32 v1, v47;
	v14 =	vpop (erf);
	v0 =	vadd.f32 v0, v10  }
0x197: {  	v63 =	vsub.f32 v8, v11;
	v4 =	vmul.f32 $1.442695020e+00, v61;
	v15 =	vpop (erf)  }
0x198: {  	(erf) = vpow2.f32 v60;
	v1 =	vadd.f32 v1, v9;
	v16 =	vpop (erf);
	v0 =	vadd.f32 v0, v15  }
0x199: {  	v13 =	vmul.f32 $1.442695020e+00, v63;
	v17 =	vpop (erf)  }
0x19a: {  	(erf) = vpow2.f32 v4;
	v1 =	vadd.f32 v1, v14;
	v0 =	vadd.f32 v0, v17;
	_ =	sdelay $0x1  }
0x19b: {  	(erf) = vpow2.f32 v13;
	v1 =	vadd.f32 v1, v16;
	v20 =	vand.u32 $0x7FFFFF, v0  }
0x19c: {  	v18 =	vpop (erf);
	v2 =	vor.u32 $0x3F800000, v20  }
0x19d: {  	v1 =	vadd.f32 v1, v18;
	v22 =	vadd.f32 $1.000000000e+00, v2  }
0x19e: {  	v19 =	vpop (erf)  }
0x19f: {  	v1 =	vadd.f32 v1, v19;
	(erf) = vrcp.f32 v22  }
0x1a0: {  	v21 =	vpop (erf)  }
0x1a1: {  	v1 =	vadd.f32 v1, v21  }
0x1a2: {  	v24 =	vpop (erf)  }
0x1a3: {  	v1 =	vadd.f32 v1, v24  }
0x1a4: {  	v25 =	vpop (erf)  }
0x1a5: {  	v1 =	vadd.f32 v1, v25;
	_ =	sdelay $0x1  }
0x1a6: {  	v2 =	vadd.f32 $-1.000000000e+00, v2;
	v3 =	vand.u32 $0x7FFFFF, v1  }
0x1a7: {  	v3 =	vor.u32 $0x3F800000, v3;
	v30 =	vpop (erf)  }
0x1a8: {  	v26 =	vadd.f32 $1.000000000e+00, v3;
	v2 =	vmul.f32 v30, v2;
	_ =	sdelay $0x1  }
0x1a9: {  	(erf) = vrcp.f32 v26;
	v4 =	vmul.f32 v2, v2;
	_ =	sdelay $0x1  }
0x1aa: {  	v32 =	vmul.f32 $2.222222240e-01, v4;
	_ =	sdelay $0x1  }
0x1ab: {  	v5 =	vadd.f32 $2.857142980e-01, v32;
	_ =	sdelay $0x1  }
0x1ac: {  	v5 =	vmul.f32 v5, v4;
	_ =	sdelay $0x1  }
0x1ad: {  	v3 =	vadd.f32 $-1.000000000e+00, v3;
	v5 =	vadd.f32 $4.000000060e-01, v5  }
0x1ae: {  	v33 =	vpop (erf)  }
0x1af: {  	v3 =	vmul.f32 v33, v3;
	v5 =	vmul.f32 v5, v4  }
0x1b0: {  	v34 =	vld [tilespmem:s21+$0x8E40]  }
0x1b1: {  	v35 =	vmul.f32 v3, v3;
	v5 =	vadd.f32 $6.666666860e-01, v5  }
0x1b2: {  	v36 =	vtrunc.f32 v40;
	v0 =	vshra.s32 v0, $0x17  }
0x1b3: {  	v0 =	vadd.s32 $0xFFFFFF81, v0;
	v37 =	vmul.f32 $2.222222240e-01, v35;
	v4 =	vmul.f32 v5, v4  }
0x1b4: {  	v8 =	vcvt.f32.s32 v36;
	v0 =	vcvt.s32.f32 v0  }
0x1b5: {  	v6 =	vtrunc.f32 v34;
	v9 =	vadd.f32 $2.857142980e-01, v37;
	v4 =	vadd.f32 $2.000000000e+00, v4  }
0x1b6: {  	v6 =	vcvt.f32.s32 v6;
	v0 =	vmul.f32 $6.931471820e-01, v0  }
0x1b7: {  	vm5 =	vgt.s32 v8, $0x0;
	v9 =	vmul.f32 v9, v35;
	v2 =	vmul.f32 v4, v2  }
0x1b8: {  	v52 =	vld [tilespmem:$0x1FF70];
	v38 =	vnsel vm5, $0x0, v8;
	vm6 =	vgt.s32 v6, $0x0  }
0x1b9: {  	v5 =	vmin.u32 v38, $0x14;
	v39 =	vadd.f32 $4.000000060e-01, v9;
	v0 =	vadd.f32 v2, v0  }
0x1ba: {  	v6 =	vnsel vm6, $0x0, v6;
	v5 =	vmul.u32 $0x5B0, v5  }
0x1bb: {  	v57 =	vld [tilespmem:$0x1FFC0];
	v6 =	vmin.u32 v6, $0x14;
	v8 =	vmul.f32 v39, v35;
	v12 =	vadd.f32 v0, v12  }
0x1bc: {  	v48 =	vlaneseq.u32;
	v40 =	vmul.u32 $0x5B0, v6;
	v5 =	vnsel vm5, $0x0, v5  }
0x1bd: {  	v43 =	vadd.s32 s24, v5;
	v41 =	vadd.f32 $6.666666860e-01, v8;
	v5 =	vsub.f32 v12, v52  }
0x1be: {  	v42 =	vnsel vm6, $0x0, v40;
	v46 =	vor.u32 v48, v43  }
0x1bf: {  	v1 =	vshra.s32 v1, $0x17;
	v44 =	vmul.f32 v41, v35;
	v54 =	vsel vm5, $0xF149F2CA, v5  }
0x1c0: {  	v45 =	vadd.s32 s22, v42;
	v1 =	vadd.s32 $0xFFFFFF81, v1;
	v5 =	vshra.s32 v54, $0x1F  }
0x1c1: {  	v1 =	vcvt.s32.f32 v1;
	v47 =	vadd.f32 $2.000000000e+00, v44;
	v55 =	vor.u32 $0x80000000, v5  }
0x1c2: {  	v0 =	vor.u32 v48, v45;
	v56 =	vxor.u32 v54, v55  }
0x1c3: {  	v1 =	vmul.f32 $6.931471820e-01, v1;
	v8 =	vld.idx.msk [tilespmem:v46+s3+$0x0], $0xffff;
	v3 =	vmul.f32 v47, v3;
	[tilespmem:v57+s21+$0x10 ss:$0x1] =	vst.idx.msk $0xffff, v56  }
0x1c4: {  	v58 =	vld [tilespmem:$0x1FFA0]  }
0x1c5: {  	v1 =	vadd.f32 v3, v1;
	_ =	sdelay $0x1  }
0x1c6: {  	v18 =	vld.idx.msk [tilespmem:v0+s3+$0x0], $0xffff;
	v11 =	vadd.f32 v1, v11  }
0x1c7: {  	v0 =	vld [tilespmem:s21+$0x9410]  }
0x1c8: {  	v2 =	vld [tilespmem:s21+$0x99C0];
	v1 =	vsub.f32 v11, v58  }
0x1c9: {  	v59 =	vld [tilespmem:s21+$0x9F70]  }
0x1ca: {  	v44 =	vld [tilespmem:s21+$0xA520];
	v1 =	vsel vm6, $0xF149F2CA, v1  }
0x1cb: {  	v46 =	vld [tilespmem:s21+$0x7790];
	v45 =	vshra.s32 v1, $0x1F  }
0x1cc: {  	v47 =	vld [tilespmem:s21+$0x7D40];
	v5 =	vor.u32 $0x80000000, v45  }
0x1cd: {  	v60 =	vld [tilespmem:s21+$0x82F0];
	v1 =	vxor.u32 v1, v5  }
0x1ce: {  	v61 =	vld [tilespmem:s21+$0x88A0];
	[tilespmem:v57+s21+$0x0 ss:$0x1] =	vst.idx.msk $0xffff, v1  }
0x1cf: {  	v10 =	vld [tilespmem:s21+$0x9400]  }
0x1d0: {  	v13 =	vld [tilespmem:s21+$0x99B0]  }
0x1d1: {  	v14 =	vld [tilespmem:s21+$0x9F60]  }
0x1d2: {  	v15 =	vld [tilespmem:s21+$0xA510]  }
0x1d3: {  	v16 =	vld [tilespmem:s21+$0x7780]  }
0x1d4: {  	v17 =	vld [tilespmem:s21+$0x82E0]  }
0x1d5: {  	v19 =	vld [tilespmem:s21+$0x8890]  }
0x1d6: {  	v20 =	vld [tilespmem:s21+$0x7D30]  }
0x1d7: {  	v9 =	vld [tilespmem:$0x5A0]  }
0x1d8: {  	v21 =	vmax.f32 v59, v60;
	v22 =	vmin.f32 v0, v46;
	v30 =	vld [tilespmem:$0xB50]  }
0x1d9: {  	v24 =	vmax.f32 v44, v61;
	v62 =	vmin.f32 v2, v47;
	v56 =	vmax.f32 v0, v46;
	v33 =	vld [tilespmem:$0x1100]  }
0x1da: {  	v58 =	vmin.f32 v59, v60;
	v0 =	vsub.f32 v59, v0;
	v59 =	vmin.f32 v44, v61;
	v37 =	vld [tilespmem:$0x16B0]  }
0x1db: {  	v22 =	vsub.f32 v21, v22;
	v26 =	vsub.f32 v24, v62;
	vm9 =	vgt.f32 v58, v56;
	v41 =	vld [tilespmem:$0x1C60]  }
0x1dc: {  	v34 =	vsub.f32 v58, v56;
	v5 =	vsub.f32 v60, v46;
	v57 =	vmax.f32 v2, v47;
	v4 =	vld [tilespmem:$0x2210]  }
0x1dd: {  	v2 =	vsub.f32 v44, v2;
	v1 =	vsub.f32 v61, v47;
	v6 =	vld [tilespmem:$0x27C0];
	v60 =	vmax.f32 v9, v30  }
0x1de: {  	v44 =	vld [tilespmem:$0x2D70];
	v63 =	vmax.f32 v14, v17;
	v52 =	vmin.f32 v10, v16;
	v7 =	vmax.f32 v60, v33  }
0x1df: {  	v45 =	vld [tilespmem:$0x3320];
	v61 =	vmax.f32 v10, v16;
	v10 =	vsub.f32 v14, v10;
	v7 =	vmax.f32 v7, v37  }
0x1e0: {  	v14 =	vmin.f32 v14, v17;
	v16 =	vsub.f32 v17, v16;
	v17 =	vld [tilespmem:$0x38D0];
	v7 =	vmax.f32 v7, v41  }
0x1e1: {  	v22 =	vmul.f32 v26, v22;
	v46 =	vld [tilespmem:$0x3E80];
	v54 =	vmax.f32 v15, v19;
	v7 =	vmax.f32 v7, v4  }
0x1e2: {  	v47 =	vld [tilespmem:$0x4430];
	v55 =	vmin.f32 v13, v20;
	v43 =	vmax.f32 v13, v20;
	v7 =	vmax.f32 v7, v6  }
0x1e3: {  	v35 =	vld [tilespmem:$0x49E0];
	v13 =	vsub.f32 v15, v13;
	v15 =	vmin.f32 v15, v19;
	v7 =	vmax.f32 v7, v44  }
0x1e4: {  	v36 =	vld [tilespmem:$0x4F90];
	v19 =	vsub.f32 v19, v20;
	vm7 =	vgt.f32 v14, v61;
	v7 =	vmax.f32 v7, v45  }
0x1e5: {  	v42 =	vld [tilespmem:$0x5540];
	v14 =	vsub.f32 v14, v61;
	vm8 =	vgt.f32 v15, v43;
	v7 =	vmax.f32 v7, v17  }
0x1e6: {  	v15 =	vsub.f32 v15, v43;
	v32 =	vmul.f32 v19, v16;
	v16 =	vld [tilespmem:$0x5AF0];
	v7 =	vmax.f32 v7, v46  }
0x1e7: {  	v38 =	vld [tilespmem:$0x60A0];
	vm15 =	vgt.f32 v59, v57;
	v3 =	vsub.f32 v59, v57;
	v7 =	vmax.f32 v7, v47  }
0x1e8: {  	v0 =	vmul.f32 v2, v0;
	v14 =	vmul.f32 v15, v14;
	v15 =	vld [tilespmem:$0x6650];
	v7 =	vmax.f32 v7, v35  }
0x1e9: {  	v39 =	vld [tilespmem:$0x6C00];
	v1 =	vmul.f32 v1, v5;
	vm12 =	vmand vm9, vm15;
	v7 =	vmax.f32 v7, v36  }
0x1ea: {  	v2 =	vld [tilespmem:$0x71B0];
	v3 =	vmul.f32 v3, v34;
	v10 =	vmul.f32 v13, v10;
	v7 =	vmax.f32 v7, v42  }
0x1eb: {  	v5 =	vld [tilespmem:$0x7760];
	v62 =	vsub.f32 v63, v52;
	v63 =	vsub.f32 v54, v55;
	v7 =	vmax.f32 v7, v16  }
0x1ec: {  	vm7 =	vmand vm7, vm8;
	v10 =	vadd.f32 v32, v10;
	v7 =	vmax.f32 v7, v38  }
0x1ed: {  	v20 =	vmul.f32 v63, v62;
	v19 =	vnsel vm7, $0x0, v14;
	v7 =	vmax.f32 v7, v15  }
0x1ee: {  	v0 =	vadd.f32 v1, v0;
	v24 =	vsub.f32 v10, v19;
	v7 =	vmax.f32 v7, v39  }
0x1ef: {  	v21 =	vnsel vm12, $0x0, v3;
	v40 =	vadd.f32 $1.000000010e-07, v20;
	v43 =	vmax.f32 v7, v2  }
0x1f0: {  	v26 =	vsub.f32 v0, v21;
	v10 =	vadd.f32 $1.000000010e-07, v24;
	v7 =	vmax.f32 v43, v5  }
0x1f1: {  	v52 =	vadd.f32 $1.000000010e-07, v22;
	(erf) = vrcp.f32 v40;
	v54 =	vsub.f32 v9, v7  }
0x1f2: {  	v55 =	vadd.f32 $1.000000010e-07, v26;
	(erf) = vrcp.f32 v10  }
0x1f3: {  	(erf) = vrcp.f32 v52;
	v57 =	vsub.f32 v30, v7;
	v56 =	vmul.f32 $1.442695020e+00, v54  }
0x1f4: {  	(erf) = vrcp.f32 v55  }
0x1f5: {  	v59 =	vsub.f32 v33, v7;
	v58 =	vmul.f32 $1.442695020e+00, v57;
	(erf) = vpow2.f32 v56;
	_ =	sdelay $0x1  }
0x1f6: {  	v61 =	vsub.f32 v37, v7;
	v60 =	vmul.f32 $1.442695020e+00, v59;
	(erf) = vpow2.f32 v58;
	_ =	sdelay $0x1  }
0x1f7: {  	v63 =	vsub.f32 v41, v7;
	v62 =	vmul.f32 $1.442695020e+00, v61;
	(erf) = vpow2.f32 v60  }
0x1f8: {  	v32 =	vpop (erf)  }
0x1f9: {  	v34 =	vpop (erf);
	v13 =	vsub.f32 v4, v7;
	v10 =	vmul.f32 $1.442695020e+00, v63;
	(erf) = vpow2.f32 v62  }
0x1fa: {  	v30 =	vpop (erf)  }
0x1fb: {  	v25 =	vsub.f32 v6, v7;
	v33 =	vpop (erf);
	v14 =	vmul.f32 $1.442695020e+00, v13;
	(erf) = vpow2.f32 v10  }
0x1fc: {  	v43 =	vsub.f32 v44, v7;
	v37 =	vpop (erf)  }
0x1fd: {  	v40 =	vmul.f32 $1.442695020e+00, v25;
	(erf) = vpow2.f32 v14;
	v3 =	vadd.f32 $0.0e+00, v37  }
0x1fe: {  	v52 =	vmul.f32 $1.442695020e+00, v43;
	v41 =	vpop (erf)  }
0x1ff: {  	v54 =	vsub.f32 v45, v7;
	(erf) = vpow2.f32 v40;
	v1 =	vadd.f32 v3, v41  }
0x200: {  	v57 =	vsub.f32 v17, v7;
	v44 =	vpop (erf)  }
0x201: {  	v56 =	vmul.f32 $1.442695020e+00, v54;
	(erf) = vpow2.f32 v52;
	v0 =	vadd.f32 v1, v44  }
0x202: {  	v59 =	vmul.f32 $1.442695020e+00, v57;
	v55 =	vpop (erf)  }
0x203: {  	v60 =	vsub.f32 v46, v7;
	(erf) = vpow2.f32 v56;
	v0 =	vadd.f32 v0, v55  }
0x204: {  	v63 =	vsub.f32 v47, v7;
	v58 =	vpop (erf)  }
0x205: {  	v62 =	vmul.f32 $1.442695020e+00, v60;
	(erf) = vpow2.f32 v59;
	v0 =	vadd.f32 v0, v58  }
0x206: {  	v14 =	vsub.f32 v35, v7;
	v61 =	vpop (erf)  }
0x207: {  	v13 =	vmul.f32 $1.442695020e+00, v63;
	(erf) = vpow2.f32 v62;
	v0 =	vadd.f32 v0, v61  }
0x208: {  	v25 =	vsub.f32 v36, v7;
	v17 =	vmul.f32 $1.442695020e+00, v14;
	v10 =	vpop (erf)  }
0x209: {  	(erf) = vpow2.f32 v13;
	v0 =	vadd.f32 v0, v10  }
0x20a: {  	v36 =	vmul.f32 $1.442695020e+00, v25;
	v35 =	vpop (erf);
	(erf) = vpow2.f32 v17  }
0x20b: {  	v40 =	vsub.f32 v42, v7;
	v0 =	vadd.f32 v0, v35  }
0x20c: {  	v43 =	vsub.f32 v16, v7;
	v37 =	vpop (erf);
	(erf) = vpow2.f32 v36  }
0x20d: {  	v42 =	vmul.f32 $1.442695020e+00, v40;
	v0 =	vadd.f32 v0, v37  }
0x20e: {  	v45 =	vmul.f32 $1.442695020e+00, v43;
	v41 =	vpop (erf)  }
0x20f: {  	v46 =	vsub.f32 v38, v7;
	(erf) = vpow2.f32 v42;
	v0 =	vadd.f32 v0, v41  }
0x210: {  	v54 =	vsub.f32 v15, v7;
	v44 =	vpop (erf)  }
0x211: {  	v52 =	vmul.f32 $1.442695020e+00, v46;
	(erf) = vpow2.f32 v45;
	v0 =	vadd.f32 v0, v44  }
0x212: {  	v57 =	vsub.f32 v39, v7;
	v47 =	vpop (erf)  }
0x213: {  	v56 =	vmul.f32 $1.442695020e+00, v54;
	v55 =	vpop (erf);
	(erf) = vpow2.f32 v52;
	v0 =	vadd.f32 v0, v47  }
0x214: {  	v2 =	vsub.f32 v2, v7  }
0x215: {  	v59 =	vmul.f32 $1.442695020e+00, v57;
	v58 =	vpop (erf);
	(erf) = vpow2.f32 v56;
	v0 =	vadd.f32 v0, v55  }
0x216: {  	v60 =	vmul.f32 $1.442695020e+00, v2  }
0x217: {  	v61 =	vsub.f32 v5, v7;
	(erf) = vpow2.f32 v59;
	v0 =	vadd.f32 v0, v58  }
0x218: {  	v62 =	vpop (erf)  }
0x219: {  	v63 =	vmul.f32 $1.442695020e+00, v61;
	(erf) = vpow2.f32 v60;
	v0 =	vadd.f32 v0, v62  }
0x21a: {  	v4 =	vpop (erf)  }
0x21b: {  	(erf) = vpow2.f32 v63;
	v0 =	vadd.f32 v0, v4  }
0x21c: {  	v5 =	vpop (erf)  }
0x21d: {  	v0 =	vadd.f32 v0, v5  }
0x21e: {  	v6 =	vpop (erf)  }
0x21f: {  	v0 =	vadd.f32 v0, v6  }
0x220: {  	v10 =	vpop (erf)  }
0x221: {  	v0 =	vadd.f32 v0, v10  }
0x222: {  	v13 =	vpop (erf)  }
0x223: {  	v0 =	vadd.f32 v0, v13  }
0x224: {  	v14 =	vpop (erf)  }
0x225: {  	v0 =	vadd.f32 v0, v14;
	_ =	sdelay $0x1  }
0x226: {  	v1 =	vand.u32 $0x7FFFFF, v0  }
0x227: {  	v1 =	vor.u32 $0x3F800000, v1  }
0x228: {  	v15 =	vadd.f32 $1.000000000e+00, v1;
	_ =	sdelay $0x1  }
0x229: {  	(erf) = vrcp.f32 v15;
	_ =	sdelay $0x7  }
0x22a: {  	v1 =	vadd.f32 $-1.000000000e+00, v1  }
0x22b: {  	v2 =	vpop (erf)  }
0x22c: {  	v1 =	vmul.f32 v2, v1;
	_ =	sdelay $0x1  }
0x22d: {  	v2 =	vmul.f32 v1, v1;
	_ =	sdelay $0x1  }
0x22e: {  	v16 =	vmul.f32 $2.222222240e-01, v2;
	_ =	sdelay $0x1  }
0x22f: {  	v3 =	vadd.f32 $2.857142980e-01, v16;
	_ =	sdelay $0x1  }
0x230: {  	v3 =	vmul.f32 v3, v2;
	_ =	sdelay $0x1  }
0x231: {  	v3 =	vadd.f32 $4.000000060e-01, v3;
	_ =	sdelay $0x1  }
0x232: {  	v3 =	vmul.f32 v3, v2  }
0x233: {  	v17 =	vld [tilespmem:$0x93E0]  }
0x234: {  	v3 =	vadd.f32 $6.666666860e-01, v3;
	_ =	sdelay $0x1  }
0x235: {  	v0 =	vshra.s32 v0, $0x17;
	v2 =	vmul.f32 v3, v2  }
0x236: {  	v0 =	vadd.s32 $0xFFFFFF81, v0  }
0x237: {  	v25 =	vtrunc.f32 v17;
	v0 =	vcvt.s32.f32 v0;
	v2 =	vadd.f32 $2.000000000e+00, v2  }
0x238: {  	v3 =	vcvt.f32.s32 v25  }
0x239: {  	v0 =	vmul.f32 $6.931471820e-01, v0;
	v1 =	vmul.f32 v2, v1  }
0x23a: {  	vm13 =	vgt.s32 v3, $0x0  }
0x23b: {  	v35 =	vnsel vm13, $0x0, v3;
	v0 =	vadd.f32 v1, v0  }
0x23c: {  	v36 =	vmin.u32 v35, $0x14  }
0x23d: {  	v1 =	vmul.u32 $0x5B0, v36;
	v0 =	vadd.f32 v0, v7  }
0x23e: {  	v39 =	vor.u32 $0x5A0, v48  }
0x23f: {  	v1 =	vadd.s32 v39, v1;
	v37 =	vsub.f32 v0, v9  }
0x240: {  	v1 =	vsel vm13, v1, v39  }
0x241: {  	v2 =	vsel vm13, $0xF149F2CA, v37  }
0x242: {  	v38 =	vshra.s32 v2, $0x1F  }
0x243: {  	v3 =	vor.u32 $0x80000000, v38  }
0x244: {  	v2 =	vxor.u32 v2, v3  }
0x245: {  	v1 =	vld.idx.msk [tilespmem:v1+s3+$0x0], $0xffff;
	[tilespmem:s23+$0xB0A0] =	vst v2  }
0x246: {  	v2 =	vld [tilespmem:$0x99A0]  }
0x247: {  	v40 =	vld [tilespmem:$0x9F50]  }
0x248: {  	v41 =	vld [tilespmem:$0xA500]  }
0x249: {  	v42 =	vld [tilespmem:$0xAAB0]  }
0x24a: {  	v43 =	vld [tilespmem:$0x7D20]  }
0x24b: {  	v44 =	vld [tilespmem:$0x82D0]  }
0x24c: {  	v45 =	vld [tilespmem:$0x8880]  }
0x24d: {  	v46 =	vld [tilespmem:$0x8E30];
	_ =	sdelay $0x3  }
0x24e: {  	v47 =	vmax.f32 v2, v43;
	v48 =	vmax.f32 v40, v44;
	v52 =	vmin.f32 v41, v45  }
0x24f: {  	v54 =	vsub.f32 v41, v2;
	v55 =	vsub.f32 v42, v40;
	v56 =	vmin.f32 v42, v46  }
0x250: {  	v57 =	vsub.f32 v45, v43;
	v58 =	vsub.f32 v46, v44;
	v4 =	vmax.f32 v41, v45  }
0x251: {  	v2 =	vmin.f32 v2, v43;
	v14 =	vsub.f32 v52, v47;
	v15 =	vsub.f32 v56, v48  }
0x252: {  	v5 =	vmax.f32 v42, v46;
	v59 =	vmul.f32 v55, v54;
	v60 =	vmul.f32 v58, v57  }
0x253: {  	vm14 =	vgt.f32 v52, v47;
	vm15 =	vgt.f32 v56, v48;
	v14 =	vmul.f32 v15, v14  }
0x254: {  	v3 =	vmin.f32 v40, v44;
	vm8 =	vmand vm14, vm15;
	v61 =	vadd.f32 v60, v59  }
0x255: {  	v2 =	vsub.f32 v4, v2;
	v3 =	vsub.f32 v5, v3;
	v62 =	vnsel vm8, $0x0, v14  }
0x256: {  	v36 =	vld [tilespmem:$0x1FFB0];
	v63 =	vsub.f32 v61, v62  }
0x257: {  	v37 =	vld [tilespmem:$0x1FF90];
	v2 =	vmul.f32 v3, v2  }
0x258: {  	v25 =	vsub.f32 v28, v49;
	v28 =	vmul.f32 v31, v23;
	v31 =	vadd.f32 $1.000000010e-07, v63  }
0x259: {  	v41 =	vld [tilespmem:$0x1FF60];
	v38 =	vadd.f32 $1.000000010e-07, v2  }
0x25a: {  	v8 =	vsub.f32 v12, v8;
	v11 =	vsub.f32 v11, v18;
	v42 =	vld [tilespmem:$0x1FF80];
	(erf) = vrcp.f32 v31  }
0x25b: {  	v49 =	vsub.f32 v22, v26;
	v35 =	vmul.f32 v27, v29;
	v43 =	vld [tilespmem:$0x1FF30];
	(erf) = vrcp.f32 v38  }
0x25c: {  	v13 =	vsub.f32 v36, v37;
	v44 =	vsub.f32 v20, v24;
	v45 =	vld [tilespmem:$0x1FF40]  }
0x25d: {  	v0 =	vsub.f32 v0, v1;
	v5 =	vsub.f32 v35, v28;
	v47 =	vld [tilespmem:$0x1FF50]  }
0x25e: {  	v40 =	vnsel vm4, $0x0, v13;
	v48 =	vmul.f32 v34, v19;
	v13 =	vmul.f32 v44, v32  }
0x25f: {  	v11 =	vnsel vm6, $0x0, v11;
	v3 =	vadd.f32 $1.000000000e+00, v25;
	v5 =	vadd.f32 $1.000000000e+00, v5  }
0x260: {  	v52 =	vsel vm5, $0x3F800000, v53;
	v13 =	vsub.f32 v13, v48;
	v10 =	vsub.f32 v41, v42  }
0x261: {  	v9 =	vadd.f32 v40, v43;
	v3 =	vnsel vm4, $0x0, v3;
	v46 =	vadd.f32 v51, v45  }
0x262: {  	v51 =	vmul.f32 v33, v21;
	v3 =	vadd.f32 v3, v47;
	v10 =	vnsel vm3, $0x0, v10  }
0x263: {  	v9 =	vadd.f32 v10, v9;
	v10 =	vmul.f32 v49, v30;
	v2 =	vsub.f32 v2, v63;
	v54 =	vpop (erf)  }
0x264: {  	v5 =	vnsel vm3, $0x0, v5;
	v55 =	vadd.f32 $1.000000000e+00, v13;
	v14 =	vadd.f32 v50, v46;
	v56 =	vpop (erf)  }
0x265: {  	v10 =	vsub.f32 v10, v51;
	v6 =	vmul.f32 v54, v62;
	v2 =	vmul.f32 v2, v56  }
0x266: {  	s20 =	sadd.s32 $0x1, s20;
	v57 =	vsel vm6, $0x3F800000, v53;
	v3 =	vadd.f32 v5, v3;
	v9 =	vadd.f32 v11, v9  }
0x267: {  	p0 =	sne.s32 s20, $0x5;
	v4 =	vnsel vm6, $0x0, v55;
	v10 =	vadd.f32 $1.000000000e+00, v10;
	v2 =	vsub.f32 v2, v6  }
.Ltmp1:
0x268: {  	v59 =	vnsel vm5, $0x0, v8;
	v58 =	vadd.f32 v57, v14;
	v3 =	vadd.f32 v4, v3;
	(pc) =	sbr.rel @p0 .LBB2_2-.Ltmp1, $4  }
0x269: {  	v60 =	vadd.f32 v59, v9;
	v61 =	vnsel vm5, $0x0, v10;
	v2 =	vadd.f32 $1.000000000e+00, v2  }
0x26a: {  	v0 =	vnsel vm13, $0x0, v0;
	v5 =	vadd.f32 v52, v58;
	v3 =	vadd.f32 v61, v3  }
0x26b: {  	v45 =	vadd.f32 v0, v60;
	v62 =	vsel vm13, $0x3F800000, v53;
	v63 =	vnsel vm13, $0x0, v2  }
0x26c: {  	s19 =	sadd.s32 $0x5B0, s19;
	v43 =	vadd.f32 v62, v5;
	v42 =	vadd.f32 v63, v3;
	v63 =	vlaneseq.u32  }
0x26d: {  	s19 =	simm.s32 $0x0  }
0x26e: {  	[tilespmem:s19], [sflag:$0x1] =	stream.linear.gather [hbm4b:s7+s19], $0x7770, $0x38;
	[tilespmem:$0xCE00] =	vst v63  }
0x26f: {  	_ = 	snop  }
0x270: {  	[tilespmem:s12], [sflag:$0x1] =	stream.linear.gather [hbm4b:s8+s19], $0x1C70, $0x38;
	[tilespmem:$0xCE00] =	vst v63  }
0x271: {  	[tilespmem:$0x1FEC0] =	vst v39  }
0x272: {  	[tilespmem:s13], [sflag:$0x1] =	stream.linear.gather [hbm4b:s9+s19], $0x16C0, $0x38;
	[tilespmem:$0xCE00] =	vst v63  }
0x273: {  	_ =	swait.ge [sflag:s14], $0x7770  }
0x274: {  	[sflag:s14] =	ssyncset.done $0x0  }
0x275: {  	[sflag:s14] =	ssyncadd.s32 $0xFFFF8890  }
0x276: {  	_ =	swait.ge [sflag:s14], $0x1C70  }
0x277: {  	[sflag:s14] =	ssyncset.done $0x0  }
0x278: {  	[sflag:s14] =	ssyncadd.s32 $0xFFFFE390  }
0x279: {  	_ =	swait.ge [sflag:s14], $0x16C0  }
0x27a: {  	[sflag:s14] =	ssyncset.done $0x0  }
0x27b: {  	s19 =	simm.s32 $0x0;
	[sflag:s14] =	ssyncadd.s32 $0xFFFFE940  }
0x27c: {  	v55 =	vld [tilespmem:s19+$0x10]  }
0x27d: {  	v0 =	vld [tilespmem:s19+$0x5C0]  }
0x27e: {  	s20 =	simm.s32 $0x0;
	s23 =	simm.s32 $0x1C80;
	v1 =	vld [tilespmem:s19+$0xB70]  }
0x27f: {  	s21 =	sand.u32 $0x60, s20;
	s22 =	sand.u32 $0x3F80, s23;
	v2 =	vld [tilespmem:s19+$0x1120]  }
0x280: {  	s21 =	sor.u32 s21, s22;
	v3 =	vld [tilespmem:s19+$0x16D0]  }
0x281: {  	v4 =	vld [tilespmem:s21+$0x0]  }
0x282: {  	v6 =	vld [tilespmem:s19+$0x2230];
	v5 =	vmax.f32 v55, v0  }
0x283: {  	v12 =	vld [tilespmem:s19+$0x27E0];
	v5 =	vmax.f32 v5, v1  }
0x284: {  	v14 =	vld [tilespmem:s19+$0x2D90];
	v5 =	vmax.f32 v5, v2  }
0x285: {  	v15 =	vld [tilespmem:s19+$0x3340];
	v5 =	vmax.f32 v5, v3  }
0x286: {  	v25 =	vld [tilespmem:s19+$0x38F0];
	v5 =	vmax.f32 v5, v4  }
0x287: {  	v26 =	vld [tilespmem:s19+$0x3EA0];
	v5 =	vmax.f32 v5, v6  }
0x288: {  	s31 =	sand.u32 $0x7E0, s20;
	v27 =	vld [tilespmem:s19+$0x4450];
	v5 =	vmax.f32 v5, v12  }
0x289: {  	v32 =	vld [tilespmem:s31+$0x4A00];
	v5 =	vmax.f32 v5, v14  }
0x28a: {  	v33 =	vld [tilespmem:s19+$0x4FB0];
	v5 =	vmax.f32 v5, v15  }
0x28b: {  	v34 =	vld [tilespmem:s19+$0x5560];
	v5 =	vmax.f32 v5, v25  }
0x28c: {  	v35 =	vld [tilespmem:s19+$0x5B10];
	v5 =	vmax.f32 v5, v26  }
0x28d: {  	v36 =	vld [tilespmem:s19+$0x60C0];
	v5 =	vmax.f32 v5, v27  }
0x28e: {  	v37 =	vld [tilespmem:s19+$0x6670];
	v5 =	vmax.f32 v5, v32  }
0x28f: {  	v31 =	vld [tilespmem:s19+$0x6C20];
	v5 =	vmax.f32 v5, v33  }
0x290: {  	v38 =	vld [tilespmem:s19+$0x71D0];
	v5 =	vmax.f32 v5, v34  }
0x291: {  	v5 =	vmax.f32 v5, v35  }
0x292: {  	v5 =	vmax.f32 v5, v36  }
0x293: {  	v5 =	vmax.f32 v5, v37  }
0x294: {  	v5 =	vmax.f32 v5, v31  }
0x295: {  	v44 =	vld [tilespmem:s19+$0x0];
	v10 =	vmax.f32 v5, v38  }
0x296: {  	v39 =	vld [tilespmem:s19+$0x5B0];
	v16 =	vsub.f32 v55, v10;
	_ =	sdelay $0x1  }
0x297: {  	v30 =	vld [tilespmem:s19+$0xB60];
	v0 =	vsub.f32 v0, v10;
	v16 =	vmul.f32 $1.442695020e+00, v16;
	_ =	sdelay $0x1  }
0x298: {  	v24 =	vld [tilespmem:s19+$0x1110];
	v1 =	vsub.f32 v1, v10;
	v0 =	vmul.f32 $1.442695020e+00, v0;
	(erf) = vpow2.f32 v16  }
0x299: {  	v58 =	vmax.f32 v44, v39;
	v6 =	vsub.f32 v6, v10  }
0x29a: {  	v23 =	vld [tilespmem:s19+$0x16C0];
	v60 =	vsub.f32 v2, v10;
	v59 =	vmul.f32 $1.442695020e+00, v1;
	(erf) = vpow2.f32 v0  }
0x29b: {  	v13 =	vld [tilespmem:s19+$0x1C70];
	v5 =	vmax.f32 v58, v30;
	v62 =	vmul.f32 $1.442695020e+00, v6  }
0x29c: {  	v11 =	vld [tilespmem:s19+$0x2220];
	v3 =	vsub.f32 v3, v10;
	v6 =	vmul.f32 $1.442695020e+00, v60;
	(erf) = vpow2.f32 v59  }
0x29d: {  	v20 =	vld [tilespmem:s19+$0x27D0];
	v5 =	vmax.f32 v5, v24;
	(erf) = vpow2.f32 v62  }
0x29e: {  	v18 =	vld [tilespmem:s31+$0x2D80];
	v40 =	vsub.f32 v4, v10;
	v3 =	vmul.f32 $1.442695020e+00, v3;
	(erf) = vpow2.f32 v6  }
0x29f: {  	v17 =	vld [tilespmem:s19+$0x3330];
	v5 =	vmax.f32 v5, v23  }
0x2a0: {  	v19 =	vld [tilespmem:s19+$0x38E0];
	v5 =	vmax.f32 v5, v13;
	v46 =	vmul.f32 $1.442695020e+00, v40;
	(erf) = vpow2.f32 v3  }
0x2a1: {  	v21 =	vld [tilespmem:s19+$0x3E90];
	v48 =	vsub.f32 v12, v10;
	v61 =	vmax.f32 v5, v11;
	v47 =	vpop (erf)  }
0x2a2: {  	v22 =	vld [tilespmem:s19+$0x4440];
	v7 =	vmax.f32 v61, v20;
	(erf) = vpow2.f32 v46;
	v2 =	vadd.f32 $0.0e+00, v47  }
0x2a3: {  	v50 =	vsub.f32 v14, v10;
	v41 =	vmax.f32 v7, v18;
	v49 =	vpop (erf)  }
0x2a4: {  	v29 =	vld [tilespmem:s19+$0x49F0];
	v0 =	vmax.f32 v41, v17;
	v3 =	vmul.f32 $1.442695020e+00, v48;
	v1 =	vadd.f32 v2, v49  }
0x2a5: {  	v51 =	vsub.f32 v15, v10;
	v4 =	vmul.f32 $1.442695020e+00, v50;
	v0 =	vmax.f32 v0, v19;
	v52 =	vpop (erf)  }
0x2a6: {  	v16 =	vld [tilespmem:s19+$0x4FA0];
	v0 =	vmax.f32 v0, v21;
	v54 =	vpop (erf);
	(erf) = vpow2.f32 v3;
	v1 =	vadd.f32 v1, v52  }
0x2a7: {  	v15 =	vld [tilespmem:s19+$0x5550];
	v56 =	vsub.f32 v25, v10;
	v0 =	vmax.f32 v0, v22;
	v57 =	vpop (erf)  }
0x2a8: {  	v14 =	vld [tilespmem:s31+$0x5B00];
	v2 =	vmul.f32 $1.442695020e+00, v51;
	(erf) = vpow2.f32 v4;
	v1 =	vadd.f32 v1, v57  }
0x2a9: {  	v28 =	vld [tilespmem:s19+$0x60B0];
	v58 =	vsub.f32 v26, v10;
	v0 =	vmax.f32 v0, v29;
	v59 =	vpop (erf)  }
0x2aa: {  	v26 =	vld [tilespmem:s19+$0x6660];
	v3 =	vmul.f32 $1.442695020e+00, v56;
	(erf) = vpow2.f32 v2;
	v1 =	vadd.f32 v1, v59  }
0x2ab: {  	v61 =	vsub.f32 v27, v10;
	v62 =	vmul.f32 $1.442695020e+00, v58;
	v0 =	vmax.f32 v0, v16;
	v60 =	vpop (erf)  }
0x2ac: {  	v25 =	vld [tilespmem:s19+$0x6C10];
	v0 =	vmax.f32 v0, v15;
	(erf) = vpow2.f32 v3;
	v1 =	vadd.f32 v1, v60  }
0x2ad: {  	v40 =	vsub.f32 v32, v10;
	v41 =	vmul.f32 $1.442695020e+00, v61;
	v0 =	vmax.f32 v0, v14  }
0x2ae: {  	v27 =	vld [tilespmem:s19+$0x71C0];
	v0 =	vmax.f32 v0, v28;
	(erf) = vpow2.f32 v62;
	v1 =	vadd.f32 v1, v54  }
0x2af: {  	v50 =	vsub.f32 v35, v10;
	v46 =	vsub.f32 v33, v10;
	v0 =	vmax.f32 v0, v26;
	v47 =	vpop (erf)  }
0x2b0: {  	v3 =	vmul.f32 $1.442695020e+00, v40;
	(erf) = vpow2.f32 v41;
	v1 =	vadd.f32 v1, v47  }
0x2b1: {  	v58 =	vsub.f32 v37, v10;
	v48 =	vsub.f32 v34, v10;
	v0 =	vmax.f32 v0, v25;
	v49 =	vpop (erf)  }
0x2b2: {  	v2 =	vmul.f32 $1.442695020e+00, v46;
	(erf) = vpow2.f32 v3;
	v1 =	vadd.f32 v1, v49  }
0x2b3: {  	v4 =	vmul.f32 $1.442695020e+00, v48;
	v12 =	vmax.f32 v0, v27;
	v52 =	vsub.f32 v36, v10;
	v51 =	vpop (erf)  }
0x2b4: {  	v61 =	vsub.f32 v39, v12;
	(erf) = vpow2.f32 v2;
	v1 =	vadd.f32 v1, v51  }
0x2b5: {  	v5 =	vmul.f32 $1.442695020e+00, v58;
	v34 =	vsub.f32 v30, v12;
	v57 =	vsub.f32 v44, v12;
	v56 =	vpop (erf)  }
0x2b6: {  	v3 =	vmul.f32 $1.442695020e+00, v50;
	(erf) = vpow2.f32 v4;
	v1 =	vadd.f32 v1, v56  }
0x2b7: {  	v37 =	vsub.f32 v24, v12;
	v48 =	vsub.f32 v13, v12;
	v0 =	vmul.f32 $1.442695020e+00, v52;
	v59 =	vpop (erf)  }
0x2b8: {  	v60 =	vmul.f32 $1.442695020e+00, v57;
	(erf) = vpow2.f32 v3;
	v1 =	vadd.f32 v1, v59  }
0x2b9: {  	v62 =	vsub.f32 v31, v10;
	v33 =	vmul.f32 $1.442695020e+00, v61;
	v31 =	vpop (erf);
	(erf) = vpow2.f32 v0  }
0x2ba: {  	v40 =	vmul.f32 $1.442695020e+00, v37;
	(erf) = vpow2.f32 v60;
	v1 =	vadd.f32 v1, v31  }
0x2bb: {  	v36 =	vmul.f32 $1.442695020e+00, v62;
	v54 =	vsub.f32 v38, v10;
	(erf) = vpow2.f32 v5;
	v35 =	vpop (erf)  }
0x2bc: {  	s22 =	simm.s32 $0x1C70;
	v4 =	vmul.f32 $1.442695020e+00, v34;
	(erf) = vpow2.f32 v33;
	v1 =	vadd.f32 v1, v35  }
0x2bd: {  	v13 =	vmov s22;
	v39 =	vmul.f32 $1.442695020e+00, v54;
	v38 =	vpop (erf);
	(erf) = vpow2.f32 v36  }
0x2be: {  	v41 =	vsub.f32 v23, v12;
	(erf) = vpow2.f32 v4;
	v0 =	vadd.f32 v1, v38  }
0x2bf: {  	v18 =	vsub.f32 v18, v12;
	v15 =	vsub.f32 v15, v12;
	v46 =	vpop (erf);
	(erf) = vpow2.f32 v39  }
0x2c0: {  	v47 =	vmul.f32 $1.442695020e+00, v41;
	(erf) = vpow2.f32 v40;
	v0 =	vadd.f32 v0, v46  }
0x2c1: {  	v52 =	vsub.f32 v11, v12;
	v23 =	vsub.f32 v19, v12;
	v57 =	vmov s23;
	v49 =	vpop (erf)  }
0x2c2: {  	v51 =	vmul.f32 $1.442695020e+00, v48;
	v54 =	vpop (erf);
	(erf) = vpow2.f32 v47;
	v0 =	vadd.f32 v0, v49  }
0x2c3: {  	v50 =	vmul.u32 $0xFFFFFFFF, v63;
	v3 =	vmul.f32 $1.442695020e+00, v52;
	v56 =	vsub.f32 v20, v12;
	v58 =	vpop (erf)  }
0x2c4: {  	v6 =	vadd.f32 $0.0e+00, v58;
	(erf) = vpow2.f32 v51;
	v59 =	vpop (erf);
	v0 =	vadd.f32 v0, v54  }
0x2c5: {  	v7 =	vadd.s32 $0x221C, v50;
	v50 =	vmul.f32 $1.442695020e+00, v23;
	v61 =	vmul.f32 $1.442695020e+00, v56;
	v60 =	vpop (erf)  }
0x2c6: {  	(erf) = vpow2.f32 v3;
	v2 =	vadd.f32 v6, v60;
	v39 =	vpop (erf);
	v0 =	vadd.f32 v0, v59  }
0x2c7: {  	v62 =	vld [tilespmem:s19+$0x8E40];
	vm3 =	vlt.u32 v57, v7;
	v40 =	vsub.f32 v17, v12;
	(erf) = vpow2.f32 v61;
	v41 =	vpop (erf)  }
0x2c8: {  	v19 =	vld [tilespmem:s19+$0xA510];
	v46 =	vmul.f32 $1.442695020e+00, v18;
	v2 =	vadd.f32 v2, v41;
	v47 =	vpop (erf);
	v0 =	vadd.f32 v0, v39  }
0x2c9: {  	vm4 =	vlt.u32 v13, v7;
	v17 =	vld [tilespmem:s19+$0x9400];
	v51 =	vsub.f32 v21, v12;
	v49 =	vmul.f32 $1.442695020e+00, v40;
	v48 =	vpop (erf)  }
0x2ca: {  	v21 =	vld [tilespmem:s19+$0x7780];
	(erf) = vpow2.f32 v46;
	v32 =	vadd.f32 v0, v47;
	v0 =	vadd.f32 v2, v48  }
0x2cb: {  	vm5 =	vge.u32 v57, v7;
	v20 =	vld [tilespmem:s19+$0x9F60];
	v58 =	vsub.f32 v29, v12;
	(erf) = vpow2.f32 v49;
	v23 =	vpop (erf)  }
0x2cc: {  	v38 =	vtrunc.f32 v62;
	v57 =	vmul.f32 $1.442695020e+00, v51;
	v18 =	vld [tilespmem:s19+$0x99B0];
	v0 =	vadd.f32 v0, v23  }
0x2cd: {  	v3 =	vmul.f32 $1.442695020e+00, v58;
	v54 =	vsub.f32 v22, v12;
	v22 =	vld [tilespmem:s19+$0x7D30];
	v56 =	vpop (erf);
	v52 =	vand.u32 $0x7FFFFF, v32  }
0x2ce: {  	v60 =	vsub.f32 v16, v12;
	v23 =	vld [tilespmem:s19+$0x82E0];
	[tilespmem:$0x1FED0] =	vst v7;
	v39 =	vor.u32 $0x3F800000, v52;
	v0 =	vadd.f32 v0, v56  }
0x2cf: {  	v16 =	vsub.f32 v14, v12;
	v30 =	vmin.f32 v17, v21;
	v59 =	vpop (erf);
	v24 =	vld [tilespmem:s19+$0x8890];
	v6 =	vadd.f32 $1.000000000e+00, v39  }
0x2d0: {  	v36 =	vmul.f32 $1.442695020e+00, v60;
	(erf) = vpow2.f32 v50;
	v0 =	vadd.f32 v0, v59  }
0x2d1: {  	v35 =	vmax.f32 v17, v21;
	v61 =	vpop (erf);
	v2 =	vmul.f32 $1.442695020e+00, v54;
	(erf) = vrcp.f32 v6  }
0x2d2: {  	v33 =	vmin.f32 v18, v22;
	(erf) = vpow2.f32 v57;
	v0 =	vadd.f32 v0, v61  }
0x2d3: {  	v34 =	vmax.f32 v18, v22;
	v62 =	vpop (erf);
	v29 =	vmax.f32 v20, v23;
	(erf) = vpow2.f32 v2  }
0x2d4: {  	s24 =	simm.s32 $0x0;
	s25 =	simm.s32 $0x80;
	s23 =	simm.s32 $0x1C70;
	v14 =	vpop (erf);
	v31 =	vmax.f32 v19, v24;
	(erf) = vpow2.f32 v3;
	v37 =	vadd.f32 v0, v62  }
.LBB2_6:
0x2d5: {  	_ =	sdelay $0x1  }
0x2d6: {  	v3 =	vsub.f32 v28, v12;
	v28 =	vsub.f32 v26, v12  }
0x2d7: {  	s26 =	sshra.s32 s25, $0x2;
	v2 =	vld [tilespmem:s19+$0x8E50];
	v40 =	vsub.f32 v20, v17;
	v47 =	vsub.f32 v25, v12  }
0x2d8: {  	v0 =	vadd.f32 v37, v14;
	(erf) = vpow2.f32 v36;
	v7 =	vld [tilespmem:s26+$0x4440];
	v14 =	vadd.f32 $-1.000000000e+00, v39;
	v6 =	vpop (erf)  }
0x2d9: {  	v4 =	vmin.f32 v20, v23;
	v48 =	vsub.f32 v19, v18;
	v49 =	vsub.f32 v27, v12;
	v8 =	vld [tilespmem:s26+$0x3E90];
	v1 =	vpop (erf)  }
0x2da: {  	v27 =	vsub.f32 v23, v21;
	v11 =	vld [tilespmem:s26+$0x38E0];
	v0 =	vadd.f32 v0, v6;
	v1 =	vmul.f32 v1, v14  }
0x2db: {  	v41 =	vmin.f32 v19, v24;
	v50 =	vsub.f32 v24, v22;
	v9 =	vmul.f32 $1.442695020e+00, v15;
	v26 =	vld [tilespmem:s26+$0x0];
	v5 =	vpop (erf)  }
0x2dc: {  	v54 =	vsub.f32 v29, v30;
	v20 =	vld [tilespmem:s26+$0x5B0];
	v0 =	vadd.f32 v0, v5;
	v25 =	vmul.f32 v1, v1  }
0x2dd: {  	v46 =	vmul.f32 $1.442695020e+00, v16;
	v39 =	vld [tilespmem:s26+$0x10];
	vm6 =	vgt.f32 v41, v34;
	(erf) = vpow2.f32 v9;
	v17 =	vpop (erf)  }
0x2de: {  	v19 =	vld [tilespmem:s26+$0x2220];
	vm7 =	vgt.f32 v4, v35;
	v0 =	vadd.f32 v0, v17;
	v21 =	vmul.f32 $2.222222240e-01, v25  }
0x2df: {  	v36 =	vld [tilespmem:s26+$0xB70];
	v4 =	vsub.f32 v4, v35;
	v3 =	vmul.f32 $1.442695020e+00, v3;
	(erf) = vpow2.f32 v46;
	v23 =	vpop (erf)  }
0x2e0: {  	v16 =	vmovc v43;
	v37 =	vld [tilespmem:s26+$0x1120];
	v18 =	vmul.f32 $1.442695020e+00, v28;
	v0 =	vadd.f32 v0, v23;
	v9 =	vadd.f32 $2.857142980e-01, v21  }
0x2e1: {  	v41 =	vsub.f32 v41, v34;
	v34 =	vld [tilespmem:s26+$0x5B10];
	v43 =	vmul.f32 v50, v27;
	(erf) = vpow2.f32 v3;
	v22 =	vpop (erf)  }
0x2e2: {  	[tilespmem:$0x1FF50] =	vst v42;
	v42 =	vld [tilespmem:s26+$0x16D0];
	v27 =	vshra.s32 v32, $0x17;
	v0 =	vadd.f32 v0, v22;
	v22 =	vmul.f32 v9, v25  }
0x2e3: {  	v35 =	vld [tilespmem:s26+$0x5560];
	v27 =	vadd.s32 $0xFFFFFF81, v27;
	v5 =	vmul.f32 $1.442695020e+00, v47;
	(erf) = vpow2.f32 v18  }
0x2e4: {  	v28 =	vld [tilespmem:s26+$0x5C0];
	v4 =	vmul.f32 v41, v4;
	v27 =	vcvt.s32.f32 v27;
	v29 =	vadd.f32 $4.000000060e-01, v22  }
0x2e5: {  	v33 =	vsub.f32 v31, v33;
	s22 =	sadd.s32 $0x20, s22;
	v32 =	vld [tilespmem:s26+$0x60C0];
	v3 =	vmul.f32 $1.442695020e+00, v49;
	(erf) = vpow2.f32 v5  }
0x2e6: {  	s30 =	sadd.s32 $0xFFFFE390, s22;
	s28 =	sadd.s32 $0x10, s22;
	vm7 =	vmand vm7, vm6;
	v41 =	vld [tilespmem:s26+$0x38F0];
	v2 =	vtrunc.f32 v2;
	v21 =	vpop (erf);
	v29 =	vmul.f32 v29, v25  }
0x2e7: {  	s29 =	sand.u32 $0x60, s30;
	s31 =	sand.u32 $0x3F80, s28;
	v6 =	vmul.f32 v48, v40;
	v48 =	vld [tilespmem:s26+$0x2230];
	(erf) = vpow2.f32 v3;
	v0 =	vadd.f32 v0, v21  }
0x2e8: {  	s31 =	sor.u32 s29, s31;
	v4 =	vnsel vm7, $0x0, v4;
	v60 =	vmul.f32 $6.931471820e-01, v27;
	v27 =	vld [tilespmem:s26+$0x4FB0];
	v24 =	vpop (erf);
	v9 =	vadd.f32 $6.666666860e-01, v29  }
0x2e9: {  	v51 =	vmax.f32 v26, v20;
	v2 =	vcvt.f32.s32 v2;
	v46 =	vld [tilespmem:s31+$0x0];
	v0 =	vadd.f32 v0, v24  }
0x2ea: {  	v52 =	vmax.f32 v39, v28;
	v49 =	vld [tilespmem:s26+$0x27E0];
	v6 =	vadd.f32 v43, v6;
	v30 =	vpop (erf);
	v25 =	vmul.f32 v9, v25  }
0x2eb: {  	v18 =	vld [tilespmem:s26+$0x27D0];
	v56 =	vmax.f32 v52, v36;
	vm8 =	vgt.s32 v2, $0x0;
	v0 =	vadd.f32 v0, v30  }
0x2ec: {  	v52 =	vld [tilespmem:s26+$0x3340];
	v58 =	vmax.f32 v56, v37;
	v2 =	vnsel vm8, $0x0, v2;
	v31 =	vpop (erf);
	v25 =	vadd.f32 $2.000000000e+00, v25  }
0x2ed: {  	vm3 =	vmand vm3, vm8;
	vm5 =	vmor vm8, vm5;
	v23 =	vld [tilespmem:s26+$0xB60];
	v0 =	vadd.f32 v0, v31  }
0x2ee: {  	v6 =	vsub.f32 v6, v4;
	v2 =	vmin.u32 v2, $0x14;
	v24 =	vld [tilespmem:s26+$0x1110];
	v57 =	vpop (erf);
	v1 =	vmul.f32 v25, v1  }
0x2ef: {  	v17 =	vld [tilespmem:s26+$0x3330];
	v2 =	vmul.u32 $0x5B0, v2;
	v3 =	vcvt.f32.s32 v38;
	v0 =	vadd.f32 v0, v57  }
0x2f0: {  	v47 =	vmax.f32 v58, v42;
	v43 =	vsel vm3, $0x3F800000, v53;
	v21 =	vld [tilespmem:s26+$0x1C70];
	v59 =	vpop (erf);
	v1 =	vadd.f32 v1, v60  }
0x2f1: {  	v15 =	vmovc v44;
	v56 =	vnsel vm8, $0x0, v2;
	v22 =	vld [tilespmem:s26+$0x16C0];
	vm6 =	vgt.s32 v3, $0x0;
	v44 =	vadd.f32 v0, v59  }
0x2f2: {  	v5 =	vmax.f32 v51, v23;
	v51 =	vld [tilespmem:s26+$0x2D90];
	vm4 =	vmand vm4, vm6;
	v40 =	vadd.f32 v1, v10  }
0x2f3: {  	s29 =	sadd.s32 $0xFFFFE3A0, s23;
	v14 =	vmovc v13;
	v13 =	vsel vm4, $0x3F800000, v53;
	v30 =	vld [tilespmem:s26+$0x71D0];
	v5 =	vmax.f32 v5, v24;
	v61 =	vand.u32 $0x7FFFFF, v44  }
0x2f4: {  	v29 =	vld [tilespmem:s26+$0x6C20];
	v50 =	vor.u32 $0x3F800000, v61;
	v1 =	vadd.s32 s29, v56;
	v58 =	vsub.f32 v40, v55  }
0x2f5: {  	v31 =	vld [tilespmem:s26+$0x6670];
	v57 =	vnsel vm6, $0x0, v3;
	v62 =	vadd.f32 $1.000000000e+00, v50;
	v1 =	vor.u32 v63, v1  }
0x2f6: {  	v9 =	vmovc v39;
	v39 =	vld [tilespmem:s26+$0x3EA0];
	v2 =	vmin.u32 v57, $0x14;
	v0 =	vmul.f32 v33, v54;
	v3 =	vsel vm5, $0xF149F2CA, v58  }
0x2f7: {  	v25 =	vld [tilespmem:s26+$0x4450];
	v10 =	vmax.f32 v47, v46;
	s29 =	sand.u32 $0x7E0, s30;
	(erf) = vrcp.f32 v62;
	v59 =	vshra.s32 v3, $0x1F  }
0x2f8: {  	v2 =	vmul.u32 $0x5B0, v2;
	v10 =	vmax.f32 v10, v48;
	v33 =	vld [tilespmem:s29+$0x2D80];
	v47 =	vor.u32 $0x80000000, v59  }
0x2f9: {  	v5 =	vmax.f32 v5, v22;
	v38 =	vld [tilespmem:s29+$0x4A00];
	v10 =	vmax.f32 v10, v49;
	v3 =	vxor.u32 v3, v47  }
0x2fa: {  	v5 =	vmax.f32 v5, v21;
	v2 =	vnsel vm6, $0x0, v2;
	v10 =	vmax.f32 v10, v51;
	v47 =	vld.idx.msk [tilespmem:v1+s3+$0x0], $0xffff;
	[tilespmem:s21+$0xAB00] =	vst v3  }
0x2fb: {  	v60 =	vadd.f32 $1.000000010e-07, v0;
	v61 =	vmax.f32 v5, v19;
	v56 =	vmax.f32 v10, v52;
	v54 =	vld [tilespmem:s19+$0x9410]  }
0x2fc: {  	v0 =	vsub.f32 v0, v6;
	v6 =	vadd.f32 $1.000000010e-07, v6;
	v62 =	vmax.f32 v56, v41;
	v55 =	vld [tilespmem:s19+$0x99C0]  }
0x2fd: {  	v2 =	vadd.s32 s20, v2;
	v1 =	vmax.f32 v61, v18;
	v3 =	vmax.f32 v62, v39;
	v56 =	vld [tilespmem:s19+$0x9F70]  }
0x2fe: {  	v50 =	vadd.f32 $-1.000000000e+00, v50;
	v1 =	vmax.f32 v1, v33;
	v3 =	vmax.f32 v3, v25;
	v58 =	vld [tilespmem:s19+$0x7790]  }
0x2ff: {  	v2 =	vor.u32 v63, v2;
	v1 =	vmax.f32 v1, v17;
	v61 =	vld [tilespmem:s19+$0x7D40];
	v3 =	vmax.f32 v3, v38  }
0x300: {  	v57 =	vld [tilespmem:s19+$0xA520];
	v10 =	vpop (erf);
	(erf) = vrcp.f32 v60;
	v1 =	vmax.f32 v1, v11;
	v3 =	vmax.f32 v3, v27  }
0x301: {  	v59 =	vld [tilespmem:s19+$0x82F0];
	v5 =	vmul.f32 v10, v50;
	v1 =	vmax.f32 v1, v8;
	v3 =	vmax.f32 v3, v35  }
0x302: {  	(erf) = vrcp.f32 v6;
	v50 =	vmax.f32 v1, v7;
	v3 =	vmax.f32 v3, v34  }
0x303: {  	v60 =	vld [tilespmem:s19+$0x88A0];
	v53 =	vmul.f32 v5, v5;
	v3 =	vmax.f32 v3, v32;
	v6 =	vmin.f32 v54, v58  }
0x304: {  	[tilespmem:$0x1FEB0] =	vst v7;
	v63 =	vmax.f32 v54, v58;
	v7 =	vmax.f32 v55, v61;
	v54 =	vsub.f32 v56, v54  }
0x305: {  	[tilespmem:$0x1FEA0] =	vst v8;
	v8 =	vsub.f32 v57, v55;
	v10 =	vmul.f32 $2.222222240e-01, v53;
	v3 =	vmax.f32 v3, v31  }
0x306: {  	v58 =	vsub.f32 v59, v58;
	v55 =	vmin.f32 v55, v61;
	v3 =	vmax.f32 v3, v29  }
0x307: {  	v62 =	vadd.f32 $2.857142980e-01, v10;
	v10 =	vmax.f32 v3, v30;
	v3 =	vmax.f32 v56, v59  }
0x308: {  	v56 =	vmin.f32 v56, v59;
	v59 =	vsub.f32 v60, v61;
	v3 =	vsub.f32 v3, v6  }
0x309: {  	v8 =	vmul.f32 v8, v54;
	v6 =	vsub.f32 v56, v63;
	v51 =	vsub.f32 v51, v10  }
0x30a: {  	vm7 =	vgt.f32 v56, v63;
	v28 =	vsub.f32 v28, v10;
	v49 =	vsub.f32 v49, v10  }
0x30b: {  	v63 =	vlaneseq.u32;
	v36 =	vsub.f32 v36, v10;
	v61 =	vsub.f32 v46, v10  }
0x30c: {  	v1 =	vmul.f32 v62, v53;
	v62 =	vmax.f32 v57, v60;
	v57 =	vmin.f32 v57, v60  }
0x30d: {  	v37 =	vsub.f32 v37, v10;
	v54 =	vmul.f32 v59, v58;
	v60 =	vsub.f32 v57, v7  }
0x30e: {  	[tilespmem:$0x1FE90] =	vst v11;
	v11 =	vpop (erf);
	v58 =	vsub.f32 v62, v55;
	vm5 =	vgt.f32 v57, v7;
	v7 =	vsub.f32 v52, v10  }
0x30f: {  	v0 =	vmul.f32 v0, v11;
	vm5 =	vmand vm7, vm5;
	v6 =	vmul.f32 v60, v6  }
0x310: {  	v8 =	vadd.f32 v54, v8;
	v1 =	vadd.f32 $4.000000060e-01, v1;
	v3 =	vmul.f32 v58, v3  }
0x311: {  	v28 =	vmul.f32 $1.442695020e+00, v28;
	v46 =	vmul.f32 $1.442695020e+00, v51;
	v6 =	vnsel vm5, $0x0, v6  }
0x312: {  	v1 =	vmul.f32 v1, v53;
	v58 =	vadd.f32 $1.000000010e-07, v3;
	v8 =	vsub.f32 v8, v6  }
0x313: {  	v55 =	vmovc v9;
	v11 =	vsub.f32 v9, v10;
	v9 =	vmul.f32 $1.442695020e+00, v37;
	v51 =	vmul.f32 $1.442695020e+00, v61  }
0x314: {  	v57 =	vpop (erf);
	v1 =	vadd.f32 $6.666666860e-01, v1;
	(erf) = vrcp.f32 v58;
	v59 =	vadd.f32 $1.000000010e-07, v8  }
0x315: {  	v11 =	vmul.f32 $1.442695020e+00, v11;
	v60 =	vsub.f32 v48, v10;
	v4 =	vmul.f32 v57, v4  }
0x316: {  	v57 =	vsub.f32 v40, v47;
	v1 =	vmul.f32 v1, v53;
	(erf) = vrcp.f32 v59  }
0x317: {  	v0 =	vsub.f32 v0, v4;
	(erf) = vpow2.f32 v11;
	v11 =	vshra.s32 v44, $0x17  }
0x318: {  	v1 =	vadd.f32 $2.000000000e+00, v1;
	v11 =	vadd.s32 $0xFFFFFF81, v11;
	(erf) = vpow2.f32 v28  }
0x319: {  	v47 =	vsub.f32 v30, v10;
	v28 =	vmul.f32 $1.442695020e+00, v36;
	v11 =	vcvt.s32.f32 v11  }
0x31a: {  	v48 =	vmul.f32 $1.442695020e+00, v60;
	v0 =	vadd.f32 $1.000000000e+00, v0;
	v1 =	vmul.f32 v1, v5;
	v36 =	vld [tilespmem:s26+$0x49F0]  }
0x31b: {  	v3 =	vsub.f32 v3, v8;
	(erf) = vpow2.f32 v28;
	v62 =	vmul.f32 $6.931471820e-01, v11  }
0x31c: {  	v2 =	vld.idx.msk [tilespmem:v2+s3+$0x0], $0xffff;
	v0 =	vnsel vm4, $0x0, v0;
	v11 =	vsub.f32 v42, v10;
	(erf) = vpow2.f32 v48  }
0x31d: {  	v5 =	vnsel vm3, $0x0, v57;
	v8 =	vpop (erf);
	(erf) = vpow2.f32 v9;
	v9 =	vld [tilespmem:$0x1FF50];
	v1 =	vadd.f32 v1, v62  }
0x31e: {  	v57 =	vsub.f32 v38, v10;
	v38 =	vsub.f32 v34, v10;
	v11 =	vmul.f32 $1.442695020e+00, v11  }
0x31f: {  	v3 =	vmul.f32 v3, v8;
	v61 =	vmax.f32 v50, v36;
	v1 =	vadd.f32 v1, v12;
	v12 =	vpop (erf)  }
0x320: {  	v62 =	vsub.f32 v41, v10;
	v50 =	vsub.f32 v39, v10;
	v28 =	vpop (erf);
	(erf) = vpow2.f32 v11  }
0x321: {  	v52 =	vmul.f32 v12, v6;
	v54 =	vadd.f32 $0.0e+00, v28;
	v8 =	vpop (erf);
	(erf) = vpow2.f32 v51  }
0x322: {  	v49 =	vmul.f32 $1.442695020e+00, v49;
	v2 =	vsub.f32 v1, v2;
	v0 =	vadd.f32 v0, v9  }
0x323: {  	v53 =	vimm.f32 $0.0e+00;
	v1 =	vsub.f32 v1, v15;
	v3 =	vsub.f32 v3, v52  }
0x324: {  	v56 =	vadd.f32 v54, v8;
	v2 =	vnsel vm4, $0x0, v2;
	v8 =	vadd.f32 v13, v16  }
0x325: {  	v58 =	vpop (erf);
	v54 =	vsub.f32 v25, v10;
	v13 =	vmov s22;
	v2 =	vadd.f32 v2, v45  }
0x326: {  	v11 =	vadd.f32 $1.000000000e+00, v3;
	v60 =	vpop (erf);
	(erf) = vpow2.f32 v49;
	v4 =	vadd.f32 v56, v58  }
0x327: {  	v49 =	vmul.f32 $1.442695020e+00, v7;
	v43 =	vadd.f32 v43, v8;
	v48 =	vpop (erf);
	(erf) = vpow2.f32 v46  }
0x328: {  	v37 =	vld [tilespmem:s26+$0x4FA0];
	v56 =	vmul.f32 $1.442695020e+00, v50;
	v46 =	vsub.f32 v32, v10;
	v4 =	vadd.f32 v4, v48  }
0x329: {  	v40 =	vld [tilespmem:s26+$0x5550];
	v58 =	vmul.f32 $1.442695020e+00, v54;
	v50 =	vsub.f32 v31, v10;
	v45 =	vadd.f32 v5, v2;
	v51 =	vpop (erf)  }
0x32a: {  	v41 =	vld [tilespmem:s29+$0x5B00];
	v2 =	vmul.f32 $1.442695020e+00, v62;
	v4 =	vadd.f32 v4, v51;
	v52 =	vpop (erf);
	(erf) = vpow2.f32 v49  }
0x32b: {  	v8 =	vld [tilespmem:$0x1FED0];
	v54 =	vsub.f32 v29, v10;
	v59 =	vnsel vm3, $0x0, v11;
	v62 =	vsub.f32 v35, v10  }
0x32c: {  	v28 =	vld [tilespmem:s26+$0x60B0];
	v42 =	vadd.f32 v59, v0;
	(erf) = vpow2.f32 v2;
	v4 =	vadd.f32 v4, v52  }
0x32d: {  	v44 =	vmovc v26;
	v26 =	vld [tilespmem:s26+$0x6660];
	v0 =	vmax.f32 v61, v37;
	v59 =	vsub.f32 v27, v10;
	v5 =	vmul.f32 $1.442695020e+00, v50  }
0x32e: {  	v25 =	vld [tilespmem:s26+$0x6C10];
	v0 =	vmax.f32 v0, v40;
	(erf) = vpow2.f32 v56;
	v3 =	vadd.f32 v4, v60  }
0x32f: {  	v27 =	vld [tilespmem:s26+$0x71C0];
	v0 =	vmax.f32 v0, v41;
	v2 =	vmul.f32 $1.442695020e+00, v57;
	v60 =	vpop (erf);
	(erf) = vpow2.f32 v58  }
0x330: {  	v9 =	vmul.f32 $1.442695020e+00, v59;
	vm3 =	vge.u32 v14, v8;
	v3 =	vadd.f32 v3, v60  }
0x331: {  	v0 =	vmax.f32 v0, v28;
	vm3 =	vmor vm6, vm3;
	v35 =	vpop (erf);
	(erf) = vpow2.f32 v2  }
0x332: {  	v0 =	vmax.f32 v0, v26;
	v1 =	vsel vm3, $0xF149F2CA, v1;
	v3 =	vadd.f32 v3, v35  }
0x333: {  	v0 =	vmax.f32 v0, v25;
	v4 =	vmul.f32 $1.442695020e+00, v62;
	v39 =	vpop (erf);
	(erf) = vpow2.f32 v9  }
0x334: {  	v61 =	vshra.s32 v1, $0x1F;
	v12 =	vmax.f32 v0, v27;
	v3 =	vadd.f32 v3, v39  }
0x335: {  	v49 =	vsub.f32 v44, v12;
	v2 =	vmul.f32 $1.442695020e+00, v38;
	v48 =	vpop (erf);
	(erf) = vpow2.f32 v4  }
0x336: {  	v0 =	vmul.f32 $1.442695020e+00, v46;
	v7 =	vor.u32 $0x80000000, v61;
	v3 =	vadd.f32 v3, v48  }
0x337: {  	v52 =	vsub.f32 v20, v12;
	v9 =	vmul.f32 $1.442695020e+00, v49;
	v51 =	vpop (erf);
	(erf) = vpow2.f32 v2  }
0x338: {  	v58 =	vsub.f32 v23, v12;
	v56 =	vpop (erf);
	(erf) = vpow2.f32 v0;
	v3 =	vadd.f32 v3, v51  }
0x339: {  	v1 =	vxor.u32 v1, v7;
	v57 =	vmul.f32 $1.442695020e+00, v52;
	(erf) = vpow2.f32 v9  }
0x33a: {  	v60 =	vmul.f32 $1.442695020e+00, v54;
	v59 =	vpop (erf);
	(erf) = vpow2.f32 v5;
	v3 =	vadd.f32 v3, v56  }
0x33b: {  	v62 =	vsub.f32 v24, v12;
	[tilespmem:s19+$0xC770] =	vst v1;
	s19 =	smov.u32 s26;
	v61 =	vmul.f32 $1.442695020e+00, v58;
	(erf) = vpow2.f32 v57  }
0x33c: {  	v1 =	vmul.f32 $1.442695020e+00, v47;
	v20 =	vld [tilespmem:s19+$0x9F60];
	v2 =	vadd.f32 v3, v59;
	v32 =	vpop (erf);
	(erf) = vpow2.f32 v60  }
0x33d: {  	v34 =	vsub.f32 v22, v12;
	v23 =	vld [tilespmem:s19+$0x82E0];
	v5 =	vmul.f32 $1.442695020e+00, v62;
	(erf) = vpow2.f32 v61  }
0x33e: {  	v50 =	vsub.f32 v18, v12;
	v18 =	vld [tilespmem:s19+$0x99B0];
	v35 =	vpop (erf);
	v0 =	vadd.f32 v2, v32;
	(erf) = vpow2.f32 v1  }
0x33f: {  	v38 =	vmul.f32 $1.442695020e+00, v34;
	v22 =	vld [tilespmem:s19+$0x7D30];
	v39 =	vsub.f32 v21, v12;
	(erf) = vpow2.f32 v5  }
0x340: {  	vm4 =	vlt.u32 v13, v8;
	v15 =	vsub.f32 v40, v12;
	v46 =	vpop (erf);
	v0 =	vadd.f32 v0, v35  }
0x341: {  	v47 =	vmul.f32 $1.442695020e+00, v39;
	v48 =	vsub.f32 v19, v12;
	(erf) = vpow2.f32 v38;
	v49 =	vpop (erf)  }
0x342: {  	v16 =	vsub.f32 v41, v12;
	v24 =	vld [tilespmem:s19+$0x8890];
	v29 =	vmax.f32 v20, v23;
	v51 =	vpop (erf);
	v0 =	vadd.f32 v0, v46  }
0x343: {  	v39 =	vld [tilespmem:$0x1FE90];
	v52 =	vmul.f32 $1.442695020e+00, v48;
	(erf) = vpow2.f32 v47;
	v5 =	vadd.f32 $0.0e+00, v51;
	v54 =	vpop (erf)  }
0x344: {  	v19 =	vld [tilespmem:s19+$0xA510];
	v34 =	vmax.f32 v18, v22;
	v9 =	vmul.f32 $1.442695020e+00, v50;
	v57 =	vpop (erf);
	v0 =	vadd.f32 v0, v49  }
0x345: {  	v56 =	vsub.f32 v33, v12;
	(erf) = vpow2.f32 v52;
	v2 =	vadd.f32 v5, v57;
	v59 =	vpop (erf)  }
0x346: {  	v33 =	vmin.f32 v18, v22;
	v60 =	vsub.f32 v17, v12;
	v0 =	vadd.f32 v0, v54;
	v61 =	vpop (erf)  }
0x347: {  	v58 =	vld [tilespmem:s19+$0x8E40];
	v62 =	vmul.f32 $1.442695020e+00, v56;
	(erf) = vpow2.f32 v9;
	v2 =	vadd.f32 v2, v61;
	v38 =	vpop (erf)  }
0x348: {  	v6 =	vsub.f32 v39, v12;
	v47 =	vmul.f32 $1.442695020e+00, v60;
	v49 =	vld [tilespmem:$0x1FEA0];
	v11 =	vadd.f32 v0, v59;
	v46 =	vpop (erf)  }
0x349: {  	v31 =	vmax.f32 v19, v24;
	v52 =	vld [tilespmem:$0x1FEB0];
	(erf) = vpow2.f32 v62;
	v0 =	vadd.f32 v2, v46  }
0x34a: {  	v1 =	vmov s28;
	v51 =	vpop (erf);
	(erf) = vpow2.f32 v47;
	v32 =	vadd.f32 v11, v38  }
0x34b: {  	v48 =	vmul.f32 $1.442695020e+00, v6;
	vm3 =	vlt.u32 v1, v8;
	v0 =	vadd.f32 v0, v51  }
0x34c: {  	v21 =	vld [tilespmem:s19+$0x7780];
	vm5 =	vge.u32 v1, v8;
	v57 =	vsub.f32 v36, v12;
	v54 =	vpop (erf);
	v50 =	vand.u32 $0x7FFFFF, v32  }
0x34d: {  	s24 =	sadd.s32 $0x2, s24;
	v17 =	vld [tilespmem:s19+$0x9400];
	v4 =	vsub.f32 v49, v12;
	v39 =	vor.u32 $0x3F800000, v50;
	v0 =	vadd.f32 v0, v54  }
0x34e: {  	p0 =	slt.u32 s24, $0x58;
	v2 =	vsub.f32 v52, v12;
	v38 =	vtrunc.f32 v58;
	v58 =	vpop (erf);
	v6 =	vadd.f32 $1.000000000e+00, v39  }
.Ltmp2:
0x34f: {  	(erf) = vpow2.f32 v48;
	v56 =	vmul.f32 $1.442695020e+00, v4;
	v0 =	vadd.f32 v0, v58;
	(pc) =	sbr.rel @p0 .LBB2_6-.Ltmp2, $4  }
0x350: {  	v60 =	vsub.f32 v37, v12;
	v59 =	vmul.f32 $1.442695020e+00, v2;
	v61 =	vpop (erf);
	(erf) = vrcp.f32 v6  }
0x351: {  	v3 =	vmul.f32 $1.442695020e+00, v57;
	(erf) = vpow2.f32 v56;
	v0 =	vadd.f32 v0, v61  }
0x352: {  	s25 =	sadd.s32 $0x80, s25;
	v30 =	vmin.f32 v17, v21;
	v35 =	vmax.f32 v17, v21;
	v62 =	vpop (erf);
	(erf) = vpow2.f32 v59  }
0x353: {  	s23 =	smov.u32 s22;
	s20 =	smov.u32 s30;
	s21 =	smov.u32 s31;
	v36 =	vmul.f32 $1.442695020e+00, v60;
	v14 =	vpop (erf);
	v37 =	vadd.f32 v0, v62;
	(erf) = vpow2.f32 v3  }
0x354: {  	_ =	sdelay $0x2  }
0x355: {  	v1 =	vmul.f32 $1.442695020e+00, v15;
	v0 =	vadd.f32 v37, v14;
	(erf) = vpow2.f32 v36  }
0x356: {  	v2 =	vsub.f32 v28, v12;
	v3 =	vpop (erf)  }
0x357: {  	(erf) = vpow2.f32 v1;
	v0 =	vadd.f32 v0, v3;
	v3 =	vmul.f32 $1.442695020e+00, v16;
	v59 =	vpop (erf)  }
0x358: {  	v4 =	vsub.f32 v26, v12;
	v5 =	vpop (erf)  }
0x359: {  	v2 =	vmul.f32 $1.442695020e+00, v2;
	v0 =	vadd.f32 v0, v5;
	(erf) = vpow2.f32 v3  }
0x35a: {  	v4 =	vmul.f32 $1.442695020e+00, v4;
	v3 =	vsub.f32 v25, v12;
	v5 =	vpop (erf)  }
0x35b: {  	(erf) = vpow2.f32 v2;
	v0 =	vadd.f32 v0, v5  }
0x35c: {  	v5 =	vpop (erf);
	v3 =	vmul.f32 $1.442695020e+00, v3  }
0x35d: {  	v60 =	vsub.f32 v27, v12;
	(erf) = vpow2.f32 v4;
	v0 =	vadd.f32 v0, v5  }
0x35e: {  	v4 =	vpop (erf)  }
0x35f: {  	v2 =	vmul.f32 $1.442695020e+00, v60;
	(erf) = vpow2.f32 v3;
	v0 =	vadd.f32 v0, v4  }
0x360: {  	v3 =	vpop (erf)  }
0x361: {  	(erf) = vpow2.f32 v2;
	v0 =	vadd.f32 v0, v3  }
0x362: {  	v61 =	vpop (erf)  }
0x363: {  	v0 =	vadd.f32 v0, v61  }
0x364: {  	v62 =	vpop (erf)  }
0x365: {  	v0 =	vadd.f32 v0, v62  }
0x366: {  	v36 =	vpop (erf)  }
0x367: {  	v0 =	vadd.f32 v0, v36  }
0x368: {  	v37 =	vpop (erf)  }
0x369: {  	v0 =	vadd.f32 v0, v37  }
0x36a: {  	v40 =	vpop (erf)  }
0x36b: {  	v0 =	vadd.f32 v0, v40;
	_ =	sdelay $0x1  }
0x36c: {  	v2 =	vand.u32 $0x7FFFFF, v0  }
0x36d: {  	v2 =	vor.u32 $0x3F800000, v2  }
0x36e: {  	v4 =	vadd.f32 $-1.000000000e+00, v39;
	v3 =	vadd.f32 $1.000000000e+00, v2;
	_ =	sdelay $0x1  }
0x36f: {  	v1 =	vmul.f32 v59, v4;
	(erf) = vrcp.f32 v3;
	_ =	sdelay $0x1  }
0x370: {  	v3 =	vmul.f32 v1, v1;
	_ =	sdelay $0x1  }
0x371: {  	v4 =	vmul.f32 $2.222222240e-01, v3;
	_ =	sdelay $0x1  }
0x372: {  	v4 =	vadd.f32 $2.857142980e-01, v4;
	_ =	sdelay $0x1  }
0x373: {  	v2 =	vadd.f32 $-1.000000000e+00, v2;
	v4 =	vmul.f32 v4, v3  }
0x374: {  	v5 =	vpop (erf)  }
0x375: {  	v4 =	vadd.f32 $4.000000060e-01, v4;
	v2 =	vmul.f32 v5, v2  }
0x376: {  	v5 =	vld [tilespmem:s19+$0x8E50]  }
0x377: {  	v4 =	vmul.f32 v4, v3;
	v6 =	vmul.f32 v2, v2;
	_ =	sdelay $0x1  }
0x378: {  	v4 =	vadd.f32 $6.666666860e-01, v4;
	v7 =	vmul.f32 $2.222222240e-01, v6  }
0x379: {  	v8 =	vshra.s32 v32, $0x17  }
0x37a: {  	v3 =	vmul.f32 v4, v3;
	v5 =	vtrunc.f32 v5;
	v7 =	vadd.f32 $2.857142980e-01, v7  }
0x37b: {  	v4 =	vcvt.f32.s32 v5;
	v5 =	vadd.s32 $0xFFFFFF81, v8  }
0x37c: {  	v3 =	vadd.f32 $2.000000000e+00, v3;
	v5 =	vcvt.s32.f32 v5;
	v7 =	vmul.f32 v7, v6  }
0x37d: {  	vm6 =	vgt.s32 v4, $0x0  }
0x37e: {  	v1 =	vmul.f32 v3, v1;
	v3 =	vmul.f32 $6.931471820e-01, v5;
	v7 =	vadd.f32 $4.000000060e-01, v7  }
0x37f: {  	v4 =	vnsel vm6, $0x0, v4  }
0x380: {  	v4 =	vmin.u32 v4, $0x14;
	v1 =	vadd.f32 v1, v3;
	v5 =	vmul.f32 v7, v6  }
0x381: {  	v3 =	vmul.u32 $0x5B0, v4  }
0x382: {  	v10 =	vadd.f32 v1, v10;
	v4 =	vadd.f32 $6.666666860e-01, v5  }
0x383: {  	s22 =	sadd.s32 $0xFFFFE3A0, s23;
	v0 =	vshra.s32 v0, $0x17;
	v41 =	vnsel vm6, $0x0, v3  }
0x384: {  	v1 =	vadd.s32 s22, v41;
	v3 =	vmul.f32 v4, v6;
	v4 =	vsub.f32 v10, v55  }
0x385: {  	v0 =	vadd.s32 $0xFFFFFF81, v0;
	vm5 =	vmor vm6, vm5;
	v1 =	vor.u32 v63, v1  }
0x386: {  	v7 =	vcvt.f32.s32 v38;
	v3 =	vadd.f32 $2.000000000e+00, v3;
	v4 =	vsel vm5, $0xF149F2CA, v4  }
0x387: {  	v0 =	vcvt.s32.f32 v0;
	v6 =	vshra.s32 v4, $0x1F  }
0x388: {  	vm7 =	vgt.s32 v7, $0x0;
	v2 =	vmul.f32 v3, v2;
	v3 =	vor.u32 $0x80000000, v6  }
0x389: {  	v5 =	vnsel vm7, $0x0, v7;
	v3 =	vxor.u32 v4, v3  }
0x38a: {  	v0 =	vmul.f32 $6.931471820e-01, v0;
	v5 =	vmin.u32 v5, $0x14;
	v9 =	vld.idx.msk [tilespmem:v1+s3+$0x0], $0xffff;
	[tilespmem:s21+$0xAB00] =	vst v3  }
0x38b: {  	v46 =	vmul.u32 $0x5B0, v5;
	v5 =	vld [tilespmem:$0x1FED0]  }
0x38c: {  	v0 =	vadd.f32 v2, v0  }
0x38d: {  	v1 =	vnsel vm7, $0x0, v46  }
0x38e: {  	v1 =	vadd.s32 s20, v1;
	v47 =	vld [tilespmem:s19+$0x9410];
	v12 =	vadd.f32 v0, v12  }
0x38f: {  	v1 =	vor.u32 v63, v1;
	v48 =	vld [tilespmem:s19+$0x99C0]  }
0x390: {  	v3 =	vld [tilespmem:s19+$0x9F70];
	v4 =	vsub.f32 v12, v44;
	vm5 =	vge.u32 v13, v5  }
0x391: {  	v6 =	vld [tilespmem:s19+$0x7790];
	vm5 =	vmor vm7, vm5  }
0x392: {  	v7 =	vld [tilespmem:s19+$0x82F0];
	v4 =	vsel vm5, $0xF149F2CA, v4  }
0x393: {  	v15 =	vld [tilespmem:s19+$0x88A0];
	v8 =	vshra.s32 v4, $0x1F  }
0x394: {  	v11 =	vld.idx.msk [tilespmem:v1+s3+$0x0], $0xffff;
	v8 =	vor.u32 $0x80000000, v8  }
0x395: {  	v5 =	vld [tilespmem:s19+$0xA520];
	v49 =	vxor.u32 v4, v8  }
0x396: {  	v4 =	vld [tilespmem:s19+$0x7D40];
	[tilespmem:s19+$0xC770] =	vst v49  }
0x397: {  	v13 =	vld [tilespmem:$0x5A0]  }
0x398: {  	v1 =	vld [tilespmem:$0xB50]  }
0x399: {  	v25 =	vld [tilespmem:$0x1100]  }
0x39a: {  	v14 =	vsub.f32 v20, v17;
	v17 =	vsub.f32 v23, v21;
	v8 =	vmin.f32 v20, v23;
	v20 =	vld [tilespmem:$0x16B0]  }
0x39b: {  	v16 =	vsub.f32 v19, v18;
	v18 =	vmin.f32 v19, v24;
	v19 =	vsub.f32 v24, v22;
	v21 =	vld [tilespmem:$0x1C60]  }
0x39c: {  	v22 =	vsub.f32 v29, v30;
	v24 =	vsub.f32 v31, v33;
	v23 =	vld [tilespmem:$0x2210]  }
0x39d: {  	v14 =	vmul.f32 v16, v14;
	v16 =	vmul.f32 v19, v17;
	v26 =	vld [tilespmem:$0x27C0];
	v27 =	vmax.f32 v13, v1  }
0x39e: {  	vm5 =	vgt.f32 v18, v34;
	v18 =	vsub.f32 v18, v34;
	v28 =	vld [tilespmem:$0x2D70];
	v27 =	vmax.f32 v27, v25  }
0x39f: {  	vm8 =	vgt.f32 v8, v35;
	v8 =	vsub.f32 v8, v35;
	v29 =	vld [tilespmem:$0x3320];
	v17 =	vmax.f32 v27, v20  }
0x3a0: {  	v16 =	vadd.f32 v16, v14;
	v19 =	vmin.f32 v47, v6;
	v27 =	vld [tilespmem:$0x38D0];
	v17 =	vmax.f32 v17, v21  }
0x3a1: {  	v18 =	vmul.f32 v18, v8;
	v8 =	vmul.f32 v24, v22;
	v24 =	vld [tilespmem:$0x3E80];
	v17 =	vmax.f32 v17, v23  }
0x3a2: {  	v2 =	vsub.f32 v3, v47;
	v52 =	vsub.f32 v5, v48;
	v30 =	vld [tilespmem:$0x4430];
	v17 =	vmax.f32 v17, v26  }
0x3a3: {  	v50 =	vmax.f32 v47, v6;
	v6 =	vsub.f32 v7, v6;
	v31 =	vld [tilespmem:$0x49E0];
	v17 =	vmax.f32 v17, v28  }
0x3a4: {  	vm5 =	vmand vm8, vm5;
	v34 =	vld [tilespmem:$0x4F90];
	v2 =	vmul.f32 v52, v2;
	v17 =	vmax.f32 v17, v29  }
0x3a5: {  	v35 =	vld [tilespmem:$0x5540];
	v22 =	vmax.f32 v5, v15;
	v14 =	vnsel vm5, $0x0, v18;
	v17 =	vmax.f32 v17, v27  }
0x3a6: {  	v18 =	vmax.f32 v3, v7;
	v3 =	vmin.f32 v3, v7;
	v7 =	vld [tilespmem:$0x5AF0];
	v17 =	vmax.f32 v17, v24  }
0x3a7: {  	v37 =	vld [tilespmem:$0x60A0];
	v5 =	vmin.f32 v5, v15;
	v51 =	vmax.f32 v48, v4;
	v17 =	vmax.f32 v17, v30  }
0x3a8: {  	v38 =	vld [tilespmem:$0x6650];
	v15 =	vsub.f32 v15, v4;
	v0 =	vmin.f32 v48, v4;
	v17 =	vmax.f32 v17, v31  }
0x3a9: {  	v32 =	vld [tilespmem:$0x6C00];
	vm5 =	vgt.f32 v3, v50;
	v3 =	vsub.f32 v3, v50;
	v17 =	vmax.f32 v17, v34  }
0x3aa: {  	v4 =	vld [tilespmem:$0x71B0];
	vm14 =	vgt.f32 v5, v51;
	v5 =	vsub.f32 v5, v51;
	v17 =	vmax.f32 v17, v35  }
0x3ab: {  	v33 =	vld [tilespmem:$0x7760];
	v18 =	vsub.f32 v18, v19;
	v6 =	vmul.f32 v15, v6;
	v15 =	vmax.f32 v17, v7  }
0x3ac: {  	v0 =	vsub.f32 v22, v0;
	v3 =	vmul.f32 v5, v3;
	v5 =	vmax.f32 v15, v37  }
0x3ad: {  	vm5 =	vmand vm5, vm14;
	v2 =	vadd.f32 v6, v2;
	v5 =	vmax.f32 v5, v38  }
0x3ae: {  	v6 =	vadd.f32 $1.000000010e-07, v8;
	v17 =	vsub.f32 v16, v14;
	v5 =	vmax.f32 v5, v32  }
0x3af: {  	v16 =	vmul.f32 v0, v18;
	v15 =	vnsel vm5, $0x0, v3;
	v54 =	vmax.f32 v5, v4  }
0x3b0: {  	v3 =	vadd.f32 $1.000000010e-07, v17;
	v19 =	vsub.f32 v2, v15;
	v18 =	vmax.f32 v54, v33  }
0x3b1: {  	(erf) = vrcp.f32 v6;
	v55 =	vadd.f32 $1.000000010e-07, v16;
	v56 =	vsub.f32 v13, v18  }
0x3b2: {  	(erf) = vrcp.f32 v3;
	v3 =	vadd.f32 $1.000000010e-07, v19  }
0x3b3: {  	(erf) = vrcp.f32 v55;
	v1 =	vsub.f32 v1, v18;
	v57 =	vmul.f32 $1.442695020e+00, v56  }
0x3b4: {  	(erf) = vrcp.f32 v3  }
0x3b5: {  	v59 =	vsub.f32 v25, v18;
	v58 =	vmul.f32 $1.442695020e+00, v1;
	(erf) = vpow2.f32 v57;
	_ =	sdelay $0x1  }
0x3b6: {  	v61 =	vsub.f32 v20, v18;
	v60 =	vmul.f32 $1.442695020e+00, v59;
	(erf) = vpow2.f32 v58;
	_ =	sdelay $0x1  }
0x3b7: {  	v36 =	vsub.f32 v21, v18;
	v62 =	vmul.f32 $1.442695020e+00, v61;
	(erf) = vpow2.f32 v60  }
0x3b8: {  	v21 =	vpop (erf)  }
0x3b9: {  	v40 =	vsub.f32 v23, v18;
	v39 =	vmul.f32 $1.442695020e+00, v36;
	v22 =	vpop (erf);
	(erf) = vpow2.f32 v62  }
0x3ba: {  	v20 =	vpop (erf)  }
0x3bb: {  	v44 =	vsub.f32 v26, v18;
	v41 =	vmul.f32 $1.442695020e+00, v40;
	(erf) = vpow2.f32 v39;
	v23 =	vpop (erf)  }
0x3bc: {  	v3 =	vsub.f32 v28, v18;
	v46 =	vpop (erf)  }
0x3bd: {  	v47 =	vmul.f32 $1.442695020e+00, v44;
	(erf) = vpow2.f32 v41;
	v2 =	vadd.f32 $0.0e+00, v46  }
0x3be: {  	v50 =	vmul.f32 $1.442695020e+00, v3;
	v3 =	vsub.f32 v29, v18;
	v48 =	vpop (erf)  }
0x3bf: {  	(erf) = vpow2.f32 v47;
	v1 =	vadd.f32 v2, v48  }
0x3c0: {  	v52 =	vmul.f32 $1.442695020e+00, v3;
	v3 =	vsub.f32 v27, v18;
	v49 =	vpop (erf)  }
0x3c1: {  	(erf) = vpow2.f32 v50;
	v0 =	vadd.f32 v1, v49  }
0x3c2: {  	v55 =	vmul.f32 $1.442695020e+00, v3;
	v3 =	vsub.f32 v24, v18;
	v51 =	vpop (erf)  }
0x3c3: {  	v0 =	vadd.f32 v0, v51  }
0x3c4: {  	v57 =	vmul.f32 $1.442695020e+00, v3;
	v3 =	vsub.f32 v30, v18;
	(erf) = vpow2.f32 v52;
	v54 =	vpop (erf)  }
0x3c5: {  	v0 =	vadd.f32 v0, v54  }
0x3c6: {  	v59 =	vmul.f32 $1.442695020e+00, v3;
	v3 =	vsub.f32 v31, v18;
	(erf) = vpow2.f32 v55;
	v56 =	vpop (erf)  }
0x3c7: {  	v0 =	vadd.f32 v0, v56  }
0x3c8: {  	v61 =	vsub.f32 v34, v18;
	(erf) = vpow2.f32 v57;
	v58 =	vpop (erf)  }
0x3c9: {  	v60 =	vmul.f32 $1.442695020e+00, v3;
	v0 =	vadd.f32 v0, v58  }
0x3ca: {  	v62 =	vmul.f32 $1.442695020e+00, v61;
	(erf) = vpow2.f32 v59;
	v3 =	vpop (erf)  }
0x3cb: {  	(erf) = vpow2.f32 v60;
	v0 =	vadd.f32 v0, v3;
	v3 =	vsub.f32 v35, v18;
	_ =	sdelay $0x1  }
0x3cc: {  	v30 =	vpop (erf);
	(erf) = vpow2.f32 v62;
	v34 =	vmul.f32 $1.442695020e+00, v3;
	v3 =	vsub.f32 v7, v18  }
0x3cd: {  	v0 =	vadd.f32 v0, v30  }
0x3ce: {  	v31 =	vpop (erf);
	v36 =	vmul.f32 $1.442695020e+00, v3;
	v3 =	vsub.f32 v37, v18  }
0x3cf: {  	v0 =	vadd.f32 v0, v31;
	(erf) = vpow2.f32 v34  }
0x3d0: {  	v35 =	vpop (erf);
	v39 =	vmul.f32 $1.442695020e+00, v3;
	v3 =	vsub.f32 v38, v18  }
0x3d1: {  	v0 =	vadd.f32 v0, v35;
	(erf) = vpow2.f32 v36  }
0x3d2: {  	v37 =	vpop (erf);
	v41 =	vmul.f32 $1.442695020e+00, v3;
	v3 =	vsub.f32 v32, v18  }
0x3d3: {  	v40 =	vpop (erf);
	v0 =	vadd.f32 v0, v37;
	(erf) = vpow2.f32 v39  }
0x3d4: {  	v46 =	vmul.f32 $1.442695020e+00, v3;
	v3 =	vsub.f32 v4, v18  }
0x3d5: {  	v44 =	vpop (erf);
	v0 =	vadd.f32 v0, v40;
	(erf) = vpow2.f32 v41  }
0x3d6: {  	v48 =	vsub.f32 v33, v18  }
0x3d7: {  	v0 =	vadd.f32 v0, v44;
	(erf) = vpow2.f32 v46;
	v47 =	vmul.f32 $1.442695020e+00, v3  }
0x3d8: {  	v3 =	vpop (erf)  }
0x3d9: {  	v49 =	vmul.f32 $1.442695020e+00, v48;
	(erf) = vpow2.f32 v47;
	v0 =	vadd.f32 v0, v3  }
0x3da: {  	v50 =	vpop (erf)  }
0x3db: {  	(erf) = vpow2.f32 v49;
	v0 =	vadd.f32 v0, v50  }
0x3dc: {  	v51 =	vpop (erf)  }
0x3dd: {  	v0 =	vadd.f32 v0, v51  }
0x3de: {  	v52 =	vpop (erf)  }
0x3df: {  	v0 =	vadd.f32 v0, v52  }
0x3e0: {  	v54 =	vpop (erf)  }
0x3e1: {  	v0 =	vadd.f32 v0, v54  }
0x3e2: {  	v55 =	vpop (erf)  }
0x3e3: {  	v0 =	vadd.f32 v0, v55  }
0x3e4: {  	v56 =	vpop (erf)  }
0x3e5: {  	v0 =	vadd.f32 v0, v56;
	_ =	sdelay $0x1  }
0x3e6: {  	v1 =	vand.u32 $0x7FFFFF, v0  }
0x3e7: {  	v57 =	vld [tilespmem:$0x93E0];
	v1 =	vor.u32 $0x3F800000, v1  }
0x3e8: {  	v3 =	vadd.f32 $1.000000000e+00, v1;
	_ =	sdelay $0x1  }
0x3e9: {  	(erf) = vrcp.f32 v3  }
0x3ea: {  	vm5 =	vmand vm4, vm7  }
0x3eb: {  	v2 =	vtrunc.f32 v57;
	v3 =	vsel vm5, $0x3F800000, v53  }
0x3ec: {  	vm4 =	vmand vm3, vm6;
	v2 =	vcvt.f32.s32 v2;
	v3 =	vadd.f32 v3, v43  }
0x3ed: {  	v4 =	vsel vm4, $0x3F800000, v53  }
0x3ee: {  	vm3 =	vgt.s32 v2, $0x0;
	v3 =	vadd.f32 v4, v3;
	v4 =	vsel vm1, $0x3F800000, v53  }
0x3ef: {  	v4 =	vnsel vm3, $0x0, v4  }
0x3f0: {  	v3 =	vadd.f32 v4, v3  }
0x3f1: {  	v1 =	vadd.f32 $-1.000000000e+00, v1  }
0x3f2: {  	(xrf2) =	vadd.scan.msk.f32 $0xffff, v3;
	v4 =	vpop (erf)  }
0x3f3: {  	v1 =	vmul.f32 v4, v1;
	_ =	sdelay $0x1  }
0x3f4: {  	v3 =	vmul.f32 v1, v1;
	_ =	sdelay $0x1  }
0x3f5: {  	v4 =	vmul.f32 $2.222222240e-01, v3;
	_ =	sdelay $0x1  }
0x3f6: {  	v4 =	vadd.f32 $2.857142980e-01, v4;
	_ =	sdelay $0x1  }
0x3f7: {  	v4 =	vmul.f32 v4, v3  }
0x3f8: {  	v6, _, _ =	vpop (xrf2)  }
0x3f9: {  	(v2sf) =	vpush v6, $0xF;
	v4 =	vadd.f32 $4.000000060e-01, v4;
	_ =	sdelay $0x1  }
0x3fa: {  	v4 =	vmul.f32 v4, v3;
	_ =	sdelay $0x1  }
0x3fb: {  	v4 =	vadd.f32 $6.666666860e-01, v4;
	_ =	sdelay $0x1  }
0x3fc: {  	v0 =	vshra.s32 v0, $0x17;
	v3 =	vmul.f32 v4, v3;
	v4 =	vld [tilespmem:$0x1FEC0]  }
0x3fd: {  	v2 =	vnsel vm3, $0x0, v2;
	v0 =	vadd.s32 $0xFFFFFF81, v0  }
0x3fe: {  	v2 =	vmin.u32 v2, $0x14;
	v0 =	vcvt.s32.f32 v0;
	v3 =	vadd.f32 $2.000000000e+00, v3  }
0x3ff: {  	v2 =	vmul.u32 $0x5B0, v2  }
0x400: {  	v0 =	vmul.f32 $6.931471820e-01, v0;
	v1 =	vmul.f32 v3, v1  }
0x401: {  	v3 =	vsub.f32 v8, v17;
	v2 =	vadd.s32 v4, v2  }
0x402: {  	v2 =	vsel vm3, v2, v4;
	v0 =	vadd.f32 v1, v0  }
0x403: {  	v58 =	vmul.f32 v3, v21;
	v3 =	vmul.f32 v22, v14;
	v4 =	vsub.f32 v16, v19  }
0x404: {  	v60 =	vmul.f32 v23, v15;
	v15 =	vld [tilespmem:$0x8880];
	v7 =	vadd.f32 v0, v18  }
0x405: {  	v14 =	vld [tilespmem:$0x99A0];
	s31 =	spop (v2sf);
	v59 =	vsub.f32 v58, v3;
	v61 =	vmul.f32 v4, v20  }
0x406: {  	v27 =	vimm.s32 $0x80000000;
	v3 =	vsub.f32 v12, v11;
	v11 =	vld [tilespmem:$0x9F50];
	s19 =	scvt.f32.s32 s31;
	v4 =	vsub.f32 v7, v13  }
0x407: {  	vm15 =	vmor vm3, vm0;
	v12 =	vld [tilespmem:$0xA500];
	v0 =	vadd.f32 $1.000000000e+00, v59;
	v1 =	vsub.f32 v61, v60  }
0x408: {  	v62 =	vnsel vm5, $0x0, v3;
	v3 =	vsub.f32 v10, v9;
	v9 =	vld [tilespmem:$0xAAB0];
	s20 =	smul.u32 $0x3, s19;
	v4 =	vsel vm15, $0xF149F2CA, v4  }
0x409: {  	v10 =	vld [tilespmem:$0x7D20];
	s19 =	ssub.s32 $0x221C, s19;
	v0 =	vnsel vm5, $0x0, v0;
	v1 =	vadd.f32 $1.000000000e+00, v1;
	v5 =	vshra.s32 v4, $0x1F  }
0x40a: {  	v8 =	vld.idx.msk [tilespmem:v2+s3+$0x0], $0xffff;
	v2 =	vadd.f32 v62, v45;
	p0 =	slt.s32 s20, s19;
	v0 =	vadd.f32 v0, v42;
	v5 =	vor.u32 $0x80000000, v5  }
0x40b: {  	v13 =	vld [tilespmem:$0x82D0];
	v3 =	vnsel vm4, $0x0, v3;
	s19 =	smov.u32 @p0 s20;
	v1 =	vnsel vm4, $0x0, v1;
	v16 =	vxor.u32 v4, v5  }
0x40c: {  	s22 =	simm.s32 $0x1;
	s21 =	simm.s32 $0x80000000;
	v22 =	vimm.f32 $1.000000000e+00;
	s20 =	scvt.s32.f32 s19;
	v5 =	vadd.f32 v3, v2;
	v4 =	vadd.f32 v1, v0;
	[tilespmem:$0xCD10] =	vst v16;
	v16 =	vld [tilespmem:$0x8E30]  }
.LBB2_8:
0x40d: {  	s25 =	simm.s32 $0xAB30  }
0x40e: {  	v0 =	vld [tilespmem:s25+$0xFFFFFFD0];
	_ =	sdelay $0x1  }
0x40f: {  	s23 =	sshrl.u32 s15, s22;
	v1 =	vld [tilespmem:s25+$0xFFFFFFE0]  }
0x410: {  	s23 =	sor.u32 s23, s21  }
0x411: {  	v2 =	vld [tilespmem:s25+$0xFFFFFFF0];
	v17 =	vmov s23  }
0x412: {  	vm4 =	vlt.u32 v0, v17  }
0x413: {  	v61 =	vimm.f32 $0.0e+00;
	v21 =	vld [tilespmem:s25+$0x0];
	v3 =	vsel vm4, $0x0, v22  }
0x414: {  	vm4 =	vlt.u32 v1, v17;
	v0 =	vadd.f32 v3, v61  }
0x415: {  	v18 =	vld [tilespmem:s25+$0x10];
	v1 =	vsel vm4, $0x0, v22  }
0x416: {  	vm4 =	vlt.u32 v2, v17;
	v0 =	vadd.f32 v1, v0  }
0x417: {  	v19 =	vld [tilespmem:s25+$0x20];
	v62 =	vsel vm4, $0x0, v22  }
0x418: {  	s24 =	simm.s32 $0x0;
	s25 =	simm.s32 $0xAB90;
	vm4 =	vlt.u32 v21, v17;
	v20 =	vadd.f32 v62, v0  }
.LBB2_9:
0x419: {  	v0 =	vld [tilespmem:s25+$0xFFFFFFD0];
	s24 =	sadd.s32 $0x6, s24;
	v1 =	vsel vm4, $0x0, v22  }
0x41a: {  	p0 =	slt.u32 s24, $0x21C;
	v1 =	vadd.f32 v1, v20;
	vm4 =	vlt.u32 v18, v17  }
0x41b: {  	v2 =	vld [tilespmem:s25+$0xFFFFFFE0];
	v3 =	vsel vm4, $0x0, v22  }
0x41c: {  	v1 =	vadd.f32 v3, v1;
	vm4 =	vlt.u32 v19, v17  }
0x41d: {  	v3 =	vld [tilespmem:s25+$0xFFFFFFF0];
	v18 =	vsel vm4, $0x0, v22  }
0x41e: {  	vm4 =	vlt.u32 v0, v17;
	v0 =	vadd.f32 v18, v1  }
0x41f: {  	v1 =	vsel vm4, $0x0, v22;
	v21 =	vld [tilespmem:s25+$0x0]  }
.Ltmp3:
0x420: {  	v0 =	vadd.f32 v1, v0;
	vm4 =	vlt.u32 v2, v17;
	(pc) =	sbr.rel @p0 .LBB2_9-.Ltmp3, $4  }
0x421: {  	v1 =	vsel vm4, $0x0, v22;
	v18 =	vld [tilespmem:s25+$0x10]  }
0x422: {  	v0 =	vadd.f32 v1, v0;
	vm4 =	vlt.u32 v3, v17  }
0x423: {  	v1 =	vsel vm4, $0x0, v22;
	v19 =	vld [tilespmem:s25+$0x20]  }
0x424: {  	s25 =	sadd.s32 $0x60, s25;
	v20 =	vadd.f32 v1, v0;
	vm4 =	vlt.u32 v21, v17  }
0x425: {  	v0 =	vsel vm4, $0x0, v22  }
0x426: {  	v0 =	vadd.f32 v0, v20;
	vm4 =	vlt.u32 v18, v17  }
0x427: {  	v1 =	vsel vm4, $0x0, v22  }
0x428: {  	v0 =	vadd.f32 v1, v0;
	vm4 =	vlt.u32 v19, v17  }
0x429: {  	v62 =	vsel vm4, $0x0, v22  }
0x42a: {  	v0 =	vadd.f32 v62, v0;
	_ =	sdelay $0x1  }
0x42b: {  	(xrf2) =	vadd.scan.msk.f32 $0xffff, v0;
	_ =	sdelay $0x9  }
0x42c: {  	v0, _, _ =	vpop (xrf2)  }
0x42d: {  	(v2sf) =	vpush v0, $0xF;
	_ =	sdelay $0xb  }
0x42e: {  	s22 =	sadd.s32 $0x1, s22  }
0x42f: {  	p1 =	sne.s32 s22, $0x20  }
.Ltmp4:
0x430: {  	_ = 	snop;
	(pc) =	sbr.rel @p1 .LBB2_8-.Ltmp4, $3  }
0x431: {  	s24 =	spop (v2sf)  }
0x432: {  	p0 =	sge.f32 s24, s20;
	_ =	sdelay $0x1  }
0x433: {  	s21 =	smov.u32 @p0 s23  }
0x434: {  	s22 =	simm.s32 $0xAB30  }
0x435: {  	v17 =	vld [tilespmem:s22+$0x20]  }
0x436: {  	v18 =	vld [tilespmem:s22+$0x10]  }
0x437: {  	v19 =	vld [tilespmem:s22+$0x0]  }
0x438: {  	v0 =	vld [tilespmem:s22+$0xFFFFFFF0]  }
0x439: {  	v1 =	vld [tilespmem:s22+$0xFFFFFFD0];
	_ =	sdelay $0x1  }
0x43a: {  	v20 =	vmov s21;
	v2 =	vld [tilespmem:s22+$0xFFFFFFE0]  }
0x43b: {  	v3 =	vimm.f32 $0.0e+00;
	vm4 =	vgt.u32 v17, v20;
	vm5 =	vgt.u32 v18, v20  }
0x43c: {  	vm8 =	vgt.u32 v19, v20;
	vm7 =	vgt.s32 v18, $0xFFFFFFFF;
	vm6 =	vgt.s32 v17, $0xFFFFFFFF  }
0x43d: {  	vm11 =	vgt.s32 v1, $0xFFFFFFFF;
	vm9 =	vgt.u32 v0, v20;
	vm10 =	vgt.s32 v19, $0xFFFFFFFF  }
0x43e: {  	vm12 =	vgt.s32 v0, $0xFFFFFFFF;
	vm13 =	vgt.u32 v1, v20;
	v21 =	vsel vm11, $0xFFFFFFFF, v27  }
0x43f: {  	vm14 =	vgt.s32 v2, $0xFFFFFFFF;
	vm11 =	vgt.u32 v2, v20;
	v1 =	vxor.u32 v1, v21  }
0x440: {  	v22 =	vsel vm14, $0xFFFFFFFF, v27;
	v21 =	vsel vm13, $0x3F800000, v53;
	v1 =	vnsel vm13, $0x0, v1  }
0x441: {  	v2 =	vxor.u32 v2, v22;
	v21 =	vadd.f32 v21, v3;
	v1 =	vadd.f32 v1, v3  }
0x442: {  	v23 =	vsel vm12, $0xFFFFFFFF, v27;
	v2 =	vnsel vm11, $0x0, v2;
	v3 =	vsel vm11, $0x3F800000, v53  }
0x443: {  	s23 =	simm.s32 $0xAB90;
	s22 =	simm.s32 $0x0;
	v23 =	vxor.u32 v0, v23;
	v21 =	vadd.f32 v3, v21;
	v22 =	vadd.f32 v2, v1  }
.LBB2_12:
0x444: {  	v0 =	vld [tilespmem:s23+$0x20];
	v1 =	vsel vm9, $0x3F800000, v53;
	v2 =	vnsel vm9, $0x0, v23;
	v3 =	vsel vm10, $0xFFFFFFFF, v27  }
0x445: {  	v23 =	vld [tilespmem:s23+$0x10];
	v1 =	vadd.f32 v1, v21;
	v2 =	vadd.f32 v2, v22;
	v3 =	vxor.u32 v19, v3  }
0x446: {  	v21 =	vsel vm8, $0x3F800000, v53;
	v22 =	vsel vm7, $0xFFFFFFFF, v27;
	v19 =	vld [tilespmem:s23+$0x0];
	v3 =	vnsel vm8, $0x0, v3  }
0x447: {  	v24 =	vld [tilespmem:s23+$0xFFFFFFF0];
	v1 =	vadd.f32 v21, v1;
	v2 =	vadd.f32 v3, v2;
	v3 =	vxor.u32 v18, v22  }
0x448: {  	s22 =	sadd.s32 $0x6, s22;
	v26 =	vsel vm5, $0x3F800000, v53;
	v22 =	vsel vm6, $0xFFFFFFFF, v27;
	v21 =	vld [tilespmem:s23+$0xFFFFFFD0];
	v3 =	vnsel vm5, $0x0, v3  }
0x449: {  	p0 =	slt.u32 s22, $0x21C;
	v25 =	vld [tilespmem:s23+$0xFFFFFFE0];
	v1 =	vadd.f32 v26, v1;
	v2 =	vadd.f32 v3, v2;
	v3 =	vxor.u32 v17, v22;
	v17 =	vmovc v0  }
0x44a: {  	v0 =	vsel vm4, $0x3F800000, v53;
	v3 =	vnsel vm4, $0x0, v3;
	vm4 =	vgt.u32 v17, v20;
	v18 =	vmovc v23  }
0x44b: {  	vm5 =	vgt.u32 v18, v20;
	v0 =	vadd.f32 v0, v1;
	v1 =	vadd.f32 v3, v2  }
0x44c: {  	vm6 =	vgt.s32 v17, $0xFFFFFFFF;
	vm8 =	vgt.u32 v19, v20;
	vm7 =	vgt.s32 v18, $0xFFFFFFFF  }
0x44d: {  	vm10 =	vgt.s32 v19, $0xFFFFFFFF;
	vm9 =	vgt.u32 v24, v20;
	vm11 =	vgt.s32 v21, $0xFFFFFFFF  }
0x44e: {  	vm12 =	vgt.s32 v24, $0xFFFFFFFF;
	v2 =	vsel vm11, $0xFFFFFFFF, v27;
	vm11 =	vgt.u32 v25, v20  }
.Ltmp5:
0x44f: {  	vm13 =	vgt.u32 v21, v20;
	vm14 =	vgt.s32 v25, $0xFFFFFFFF;
	v2 =	vxor.u32 v21, v2;
	(pc) =	sbr.rel @p0 .LBB2_12-.Ltmp5, $4  }
0x450: {  	v3 =	vsel vm13, $0x3F800000, v53;
	v21 =	vsel vm14, $0xFFFFFFFF, v27;
	v2 =	vnsel vm13, $0x0, v2  }
0x451: {  	v0 =	vadd.f32 v3, v0;
	v1 =	vadd.f32 v2, v1;
	v2 =	vxor.u32 v25, v21  }
0x452: {  	v23 =	vsel vm12, $0xFFFFFFFF, v27;
	v3 =	vsel vm11, $0x3F800000, v53;
	v2 =	vnsel vm11, $0x0, v2  }
0x453: {  	s23 =	sadd.s32 $0x60, s23;
	v23 =	vxor.u32 v24, v23;
	v21 =	vadd.f32 v3, v0;
	v22 =	vadd.f32 v2, v1  }
0x454: {  	v0 =	vmax.f32 v14, v10;
	v1 =	vmax.f32 v11, v13;
	v2 =	vmin.f32 v12, v15  }
0x455: {  	v3 =	vsub.f32 v12, v14;
	v20 =	vsub.f32 v9, v11;
	v24 =	vmin.f32 v9, v16  }
0x456: {  	v25 =	vsub.f32 v15, v10;
	v26 =	vsub.f32 v16, v13;
	vm11 =	vgt.f32 v2, v0  }
0x457: {  	v0 =	vsub.f32 v2, v0;
	vm12 =	vgt.f32 v24, v1;
	v1 =	vsub.f32 v24, v1  }
0x458: {  	v38 =	vmax.f32 v12, v15;
	v35 =	vmul.f32 v20, v3;
	v36 =	vmul.f32 v26, v25  }
0x459: {  	v39 =	vmin.f32 v14, v10;
	v40 =	vmax.f32 v9, v16;
	v0 =	vmul.f32 v1, v0  }
0x45a: {  	v41 =	vmin.f32 v11, v13;
	vm11 =	vmand vm11, vm12;
	v37 =	vadd.f32 v36, v35  }
0x45b: {  	v2 =	vsub.f32 v38, v39;
	v42 =	vsub.f32 v40, v41;
	v0 =	vnsel vm11, $0x0, v0  }
0x45c: {  	v1 =	vsub.f32 v37, v0  }
0x45d: {  	v2 =	vmul.f32 v42, v2  }
0x45e: {  	v43 =	vadd.f32 $1.000000010e-07, v1  }
0x45f: {  	v44 =	vadd.f32 $1.000000010e-07, v2  }
0x460: {  	(erf) = vrcp.f32 v43  }
0x461: {  	(erf) = vrcp.f32 v44;
	_ =	sdelay $0x7  }
0x462: {  	v1 =	vsub.f32 v2, v1;
	v3 =	vpop (erf)  }
0x463: {  	v45 =	vpop (erf)  }
0x464: {  	v46 =	vsel vm9, $0x3F800000, v53;
	v0 =	vmul.f32 v3, v0;
	v1 =	vmul.f32 v1, v45  }
0x465: {  	v47 =	vnsel vm9, $0x0, v23;
	v48 =	vsel vm10, $0xFFFFFFFF, v27;
	v7 =	vsub.f32 v7, v8  }
0x466: {  	vm15 =	vmmov $0xfff;
	v9 =	vadd.f32 v46, v21;
	v0 =	vsub.f32 v1, v0  }
0x467: {  	v49 =	vsel vm8, $0x3F800000, v53;
	v50 =	vsel vm5, $0x3F800000, v53;
	vm3 =	vmand vm3, vm15  }
0x468: {  	v7 =	vnsel vm3, $0x0, v7;
	v1 =	vadd.f32 v49, v9;
	v0 =	vadd.f32 $1.000000000e+00, v0  }
0x469: {  	v51 =	vsel vm7, $0xFFFFFFFF, v27;
	v5 =	vadd.f32 v7, v5;
	v2 =	vadd.f32 v47, v22  }
0x46a: {  	v3 =	vxor.u32 v19, v48;
	v1 =	vadd.f32 v50, v1;
	v0 =	vnsel vm3, $0x0, v0  }
0x46b: {  	v52 =	vsel vm4, $0x3F800000, v53;
	v3 =	vnsel vm8, $0x0, v3;
	v0 =	vadd.f32 v0, v4  }
0x46c: {  	v53 =	vxor.u32 v18, v51;
	(xrf2) =	vadd.scan.msk.f32 $0xffff, v5;
	v2 =	vadd.f32 v3, v2;
	v1 =	vadd.f32 v52, v1  }
0x46d: {  	v54 =	vsel vm6, $0xFFFFFFFF, v27;
	v3 =	vnsel vm5, $0x0, v53;
	(xrf2) =	vadd.scan.msk.f32 $0xffff, v0  }
0x46e: {  	v56 =	vxor.u32 v17, v54;
	v55 =	vadd.f32 v3, v2;
	(xrf2) =	vadd.scan.msk.f32 $0xffff, v1  }
0x46f: {  	v57 =	vnsel vm4, $0x0, v56  }
0x470: {  	v0 =	vadd.f32 v57, v55;
	_ =	sdelay $0x1  }
0x471: {  	(xrf2) =	vadd.scan.msk.f32 $0xffff, v0;
	_ =	sdelay $0x3  }
0x472: {  	v58, _, _ =	vpop (xrf2)  }
0x473: {  	(v2sf) =	vpush v58, $0xF;
	v59, _, _ =	vpop (xrf2)  }
0x474: {  	v60, _, _ =	vpop (xrf2);
	(v2sf) =	vpush v59, $0xF  }
0x475: {  	(v2sf) =	vpush v60, $0xF;
	_ =	sdelay $0x2  }
0x476: {  	v61, _, _ =	vpop (xrf2)  }
0x477: {  	(v2sf) =	vpush v61, $0xF;
	_ =	sdelay $0x8  }
0x478: {  	s22 =	spop (v2sf)  }
0x479: {  	s23 =	spop (v2sf)  }
0x47a: {  	s24 =	spop (v2sf)  }
0x47b: {  	s20 =	ssub.f32 s20, s24  }
0x47c: {  	s21 =	sxor.u32 $0x80000000, s21  }
0x47d: {  	s20 =	smul.f32 s21, s20  }
0x47e: {  	s30 =	spop (v2sf)  }
0x47f: {  	s20 =	sadd.f32 s20, s30  }
0x480: {  	p0 =	sgt.s32 s19, $0x0  }
0x481: {  	s20 =	simm.s32 @!p0 $0x0  }
0x482: {  	s31 =	sadd.f32 s20, s22  }
0x483: {  	v62 =	vbroadcast v6, $0xF  }
0x484: {  	s19 =	sadd.f32 s31, s23  }
0x485: {  	s18 =	sadd.s32 $0x1, s18;
	vm3 =	veq.s32 v63, $0x0;
	v0 =	vnsel vm2, $0x0, v62  }
0x486: {  	p0 =	sne.s32 s18, s11;
	v0 =	vsel vm3, s19, v0  }
.Ltmp6:
0x487: {  	[tilespmem:$0xCD80] =	vst v0;
	(pc) =	sbr.rel @p0 .LBB2_1-.Ltmp6, $4  }
0x488: {  	[hbm4b:s10+s3] =	stream.linear.scatter [tilespmem:s16], [sflag:$0x2], $0x10, $0x38;
	[tilespmem:$0xCE00] =	vst v63  }
0x489: {  	_ =	swait.ge [sflag:s17], $0x10  }
0x48a: {  	[sflag:s17] =	ssyncset.done $0x0  }
0x48b: {  	[sflag:s17] =	ssyncadd.s32 $0xFFFFFFF0  }
0x48c: {  	_ =	sfence.sel $0x180000  }
0x48d: {  	[bflag:$0x0] =	sbarrier.arrive $0xFFFF  }
0x48e: {  	p0 =	sne.s32 s0, $0x0;
	_ =	strace $0x90000047  }
0x48f: {  	s0 =	sadd.s32 @!p0 $0x100000, s1;
	[bflag:$0x2] =	sbarrier.arrive $0xFFFF  }
0x490: {  	[sflag:s0] =	ssyncadd.tile.s32 @!p0 $0x1;
	_ =	shalt  }
.Lfunc_end2:
_tile_overlayer_lowered:
.L_overlay_start_2:
0x491: {  	(tag) =	ssettag $0x2  }
0x492: {  	s0 =	rddreg [dreg:$0x0];
	s2 =	stileid.u32  }
0x493: {  	s1 =	rddreg [dreg:$0x1];
	p0 =	sne.s32 s2, $0x0  }
0x494: {  	s3 =	rddreg [dreg:$0x2];
	[bflag:$0x3] =	sbarrier.arrive $0xFFFF;
	s2 =	simm.s32 @!p0 $0x1C02  }
0x495: {  	[timem:s3], [sflag:s2] =	dma.local @!p0 [hbm:s0], s1  }
0x496: {  	s0 =	simm.s32 @!p0 $0x2  }
0x497: {  	_ =	swait.ge @!p0 [sflag:s0], s1  }
0x498: {  	s1 =	ssub.s32 @!p0 $0x0, s1;
	[sflag:s0] =	ssyncset.done @!p0 $0x0  }
0x499: {  	[sflag:s0] =	ssyncadd.s32 @!p0 s1  }
0x49a: {  	[bflag:$0x3] =	sbarrier.arrive $0xFFFF  }
0x49b: {  	_ =	shalt  }

</sc_bundles>
